<compile_context>
chip_gen: v7x
topology: tpu7x:2x2x1
jax: 0.10.2.dev20260603
libtpu: 0.0.44.dev20260713+nightly
codegen_flags: <defaults>
</compile_context>

<pallas_src>
import functools

import jax
import jax.numpy as jnp
from jax import lax
from jax.experimental import pallas as pl
from jax.experimental.pallas import tpu as pltpu
from jax.experimental.pallas import tpu_sc as plsc

N_NODES = 10000
N_EDGES = 320000
D_FEAT = 128
N_SEG = 16
SEG_W = 8

NC = 2
NS = 16
NW = NC * NS
EPW = N_EDGES // NW
CH = 40
NCH = EPW // CH
ROW_CH = 40
NRC = N_NODES // ROW_CH

GATE_BLK = 4000

RB = 4
N_MAIN = (NCH // RB) * RB
N_TAIL = NCH - N_MAIN


def _gate_body(ea_ref, wb_ref, gate_ref):
    gate_ref[...] = jnp.dot(ea_ref[...], wb_ref[...],
                            preferred_element_type=jnp.float32)


def _gate_matmul(ea_flat, w_block):
    grid = (N_EDGES // SEG_W) // GATE_BLK
    return pl.pallas_call(
        _gate_body,
        grid=(grid,),
        in_specs=[
            pl.BlockSpec((GATE_BLK, 128), lambda i: (i, 0)),
            pl.BlockSpec((128, 128), lambda i: (0, 0)),
        ],
        out_specs=pl.BlockSpec((GATE_BLK, 128), lambda i: (i, 0)),
        out_shape=jax.ShapeDtypeStruct((N_EDGES // SEG_W, 128), jnp.float32),
    )(ea_flat, w_block)


def _sc_body(xp_hbm, gate_hbm, sd_hbm, out_hbm, *refs):
    idx_vs = refs[0:RB]
    gate_vs = refs[RB:2 * RB]
    msg_vs = refs[2 * RB:3 * RB]
    acc_sh = refs[3 * RB]
    sem_i = refs[3 * RB + 1:4 * RB + 1]
    sem_g = refs[4 * RB + 1:5 * RB + 1]
    sem_t = refs[5 * RB + 1:6 * RB + 1]
    sem_s = refs[6 * RB + 1:7 * RB + 1]

    c = lax.axis_index("c")
    s = lax.axis_index("s")
    wid = s * NC + c

    def _start_idx(r, p):
        pltpu.async_copy(sd_hbm.at[wid, p], idx_vs[r], sem_i[r])

    def _wait_idx(r):
        pltpu.make_async_copy(sd_hbm.at[0, 0], idx_vs[r], sem_i[r]).wait()

    def _start_fetch(r, p):
        pltpu.async_copy(xp_hbm.at[idx_vs[r].at[0]], msg_vs[r], sem_g[r])
        pltpu.async_copy(gate_hbm.at[pl.ds((wid * NCH + p) * CH, CH), :],
                         gate_vs[r], sem_t[r])

    def _wait_fetch(r):
        pltpu.make_async_copy(xp_hbm.at[idx_vs[r].at[0]], msg_vs[r],
                              sem_g[r]).wait()
        pltpu.make_async_copy(gate_hbm.at[pl.ds(0, CH), :], gate_vs[r],
                              sem_t[r]).wait()

    def _start_scatter(r):
        pltpu.async_copy(msg_vs[r], acc_sh.at[idx_vs[r].at[1]], sem_s[r],
                         add=True)

    def _wait_scatter(r):
        pltpu.make_async_copy(msg_vs[r], acc_sh.at[idx_vs[r].at[1]],
                              sem_s[r]).wait()

    zero_v = msg_vs[0]
    def _zrow(e, carry):
        for k in range(D_FEAT // 16):
            zero_v[e, pl.ds(k * 16, 16)] = jnp.zeros((16,), jnp.float32)
        return carry
    lax.fori_loop(0, ROW_CH, _zrow, 0)
    for t in range((NRC + NS - 1) // NS):
        j = t * NS + s
        @pl.when(j < NRC)
        def _():
            pltpu.sync_copy(zero_v, acc_sh.at[pl.ds(j * ROW_CH, ROW_CH), :])
    plsc.subcore_barrier()

    def _process(r):
        _wait_fetch(r)

        def _edge(e, ecarry):
            g = gate_vs[r][e, :]
            for k in range(D_FEAT // 16):
                msg_vs[r][e, pl.ds(k * 16, 16)] = (
                    msg_vs[r][e, pl.ds(k * 16, 16)] * g)
            return ecarry
        lax.fori_loop(0, CH, _edge, 0)

        _start_scatter(r)

    for r in range(RB - 1):
        _start_idx(r, r)
    for r in range(RB - 2):
        _wait_idx(r)
        _start_fetch(r, r)

    def _round(i0, carry):
        for r in range(RB):
            i = i0 * RB + r
            _process(r)

            pa = i + RB - 1
            ra = (r + RB - 1) % RB
            @pl.when(jnp.logical_and(pa < NCH, pa >= RB))
            def _():
                _wait_scatter(ra)
            @pl.when(pa < NCH)
            def _():
                _start_idx(ra, pa)

            pb = i + RB - 2
            rb = (r + RB - 2) % RB
            @pl.when(jnp.logical_and(pb < NCH, pb >= RB - 2))
            def _():
                _wait_idx(rb)
                _start_fetch(rb, pb)
        return carry
    lax.fori_loop(0, N_MAIN // RB, _round, 0)
    for t in range(N_TAIL):
        _process((N_MAIN + t) % RB)

    for r in range(RB):
        _wait_scatter(r)
    plsc.subcore_barrier()
    for t in range((NRC + NS - 1) // NS):
        j = t * NS + s
        @pl.when(j < NRC)
        def _():
            pltpu.sync_copy(acc_sh.at[pl.ds(j * ROW_CH, ROW_CH), :],
                            out_hbm.at[c, pl.ds(j * ROW_CH, ROW_CH), :])


def _sc_scatter(xp, gate4, sd):
    mesh = plsc.VectorSubcoreMesh(core_axis_name="c", subcore_axis_name="s")
    kern = functools.partial(
        pl.kernel,
        mesh=mesh,
        out_type=jax.ShapeDtypeStruct((NC, N_NODES, D_FEAT), jnp.float32),
        scratch_types=(
            [pltpu.VMEM((2, CH), jnp.int32) for _ in range(RB)]
            + [pltpu.VMEM((CH, N_SEG), jnp.float32) for _ in range(RB)]
            + [pltpu.VMEM((CH, D_FEAT), jnp.float32) for _ in range(RB)]
            + [pltpu.VMEM_SHARED((N_NODES, D_FEAT), jnp.float32)]
            + [pltpu.SemaphoreType.DMA for _ in range(4 * RB)]
        ),
    )(_sc_body)
    return kern(xp, gate4, sd)


def _combine_body(p_ref, out_ref):
    out_ref[...] = p_ref[0] + p_ref[1]


def _combine(partials):
    return pl.pallas_call(
        _combine_body,
        grid=(5,),
        in_specs=[pl.BlockSpec((NC, 2000, D_FEAT), lambda i: (0, i, 0))],
        out_specs=pl.BlockSpec((2000, D_FEAT), lambda i: (i, 0)),
        out_shape=jax.ShapeDtypeStruct((N_NODES, D_FEAT), jnp.float32),
    )(partials)


def kernel(x, edge_attr, w, src_idx, dst_idx):
    w_block = jnp.kron(jnp.eye(SEG_W, dtype=w.dtype), w)
    ea_flat = edge_attr.reshape(N_EDGES // SEG_W, SEG_W * N_SEG)
    gate = _gate_matmul(ea_flat, w_block).reshape(N_EDGES, N_SEG)

    xp = x.reshape(N_NODES, N_SEG, SEG_W).transpose(0, 2, 1)
    xp = xp.reshape(N_NODES, D_FEAT)

    gate4 = gate
    sd = jnp.stack([src_idx.reshape(NW, NCH, CH),
                    dst_idx.reshape(NW, NCH, CH)], axis=2)
    partials = _sc_scatter(xp, gate4, sd)
    outp = _combine(partials)

    out = outp.reshape(N_NODES, SEG_W, N_SEG).transpose(0, 2, 1)
    return out.reshape(N_NODES, D_FEAT)

# --- scband reference (transcript-rebuilt; emitter-appended) ---
"""Pipeline reference for scband-reference-1151051235362 (READ-ONLY COPY).

The authoritative reference and input builder live on the scoring server;
editing this copy changes nothing except your own understanding.
"""

import jax, jax.numpy as jnp
import numpy as np

N_NODES = 10000
N_EDGES = 320000
D_FEAT = 128
N_SEG = 16
SEG_W = 8


def setup_inputs(seed: int = 0) -> dict:
    key = jax.random.key(seed)
    k1, k2, k3, k4, k5 = jax.random.split(key, 5)
    return {
        "x": jax.random.normal(k1, (N_NODES, D_FEAT), dtype=jnp.float32),
        "edge_attr": jax.random.normal(k2, (N_EDGES, N_SEG), dtype=jnp.float32),
        "w": jax.random.normal(k3, (N_SEG, N_SEG), dtype=jnp.float32) / np.sqrt(N_SEG),
        "src_idx": jax.random.randint(k4, (N_EDGES,), 0, N_NODES, dtype=jnp.int32),
        "dst_idx": jax.random.randint(k5, (N_EDGES,), 0, N_NODES, dtype=jnp.int32),
    }


def reference(x, edge_attr, w, src_idx, dst_idx):
    # Segmented polynomial with gather (input_indices) and scatter-add (output_indices):
    #   1) gather input buffer 0 along batch dim via src indices (index_select)
    xg = jnp.take(x, src_idx, axis=0)                      # [E, D_FEAT]
    #   2) segmented tensor-product einsum: gate[e,s] = sum_t edge_attr[e,t] * w[t,s]
    gate = edge_attr @ w                                   # [E, N_SEG]
    #      out_local[e, s*SEG_W+u] = gate[e,s] * xg[e, s*SEG_W+u]
    msg = (xg.reshape(-1, N_SEG, SEG_W) * gate[:, :, None]).reshape(-1, D_FEAT)
    #   3) scatter_add regular output into final output buffer via dst indices
    out = jnp.zeros((N_NODES, D_FEAT), dtype=x.dtype).at[dst_idx].add(msg)
    return out

if __name__ == "__main__":
    import jax
    _d = setup_inputs()
    print(jax.jit(kernel)(*tuple(_d.values())))

</pallas_src>

<mosaic_0001>
#map = affine_map<(d0, d1) -> (0, 0)>
#map1 = affine_map<(d0, d1) -> (0, 0, 0, 0)>
#map2 = affine_map<(d0, d1) -> (0, 0, 0)>
module attributes {stable_mosaic.version = 14 : i64} {
  func.func @_sc_body(%arg0: i32, %arg1: i32, %arg2: memref<10000x128xf32, #tpu.memory_space<hbm>>, %arg3: memref<320000x16xf32, #tpu.memory_space<hbm>>, %arg4: memref<32x250x2x40xi32, #tpu.memory_space<hbm>>, %arg5: memref<2x10000x128xf32, #tpu.memory_space<hbm>>, %arg6: memref<2x40xi32, #tpu.memory_space<vmem>>, %arg7: memref<2x40xi32, #tpu.memory_space<vmem>>, %arg8: memref<2x40xi32, #tpu.memory_space<vmem>>, %arg9: memref<2x40xi32, #tpu.memory_space<vmem>>, %arg10: memref<40x16xf32, #tpu.memory_space<vmem>>, %arg11: memref<40x16xf32, #tpu.memory_space<vmem>>, %arg12: memref<40x16xf32, #tpu.memory_space<vmem>>, %arg13: memref<40x16xf32, #tpu.memory_space<vmem>>, %arg14: memref<40x128xf32, #tpu.memory_space<vmem>>, %arg15: memref<40x128xf32, #tpu.memory_space<vmem>>, %arg16: memref<40x128xf32, #tpu.memory_space<vmem>>, %arg17: memref<40x128xf32, #tpu.memory_space<vmem>>, %arg18: memref<10000x128xf32, #tpu.memory_space<vmem_shared>>, %arg19: memref<!tpu.dma_semaphore, #tpu.memory_space<semaphore_mem>>, %arg20: memref<!tpu.dma_semaphore, #tpu.memory_space<semaphore_mem>>, %arg21: memref<!tpu.dma_semaphore, #tpu.memory_space<semaphore_mem>>, %arg22: memref<!tpu.dma_semaphore, #tpu.memory_space<semaphore_mem>>, %arg23: memref<!tpu.dma_semaphore, #tpu.memory_space<semaphore_mem>>, %arg24: memref<!tpu.dma_semaphore, #tpu.memory_space<semaphore_mem>>, %arg25: memref<!tpu.dma_semaphore, #tpu.memory_space<semaphore_mem>>, %arg26: memref<!tpu.dma_semaphore, #tpu.memory_space<semaphore_mem>>, %arg27: memref<!tpu.dma_semaphore, #tpu.memory_space<semaphore_mem>>, %arg28: memref<!tpu.dma_semaphore, #tpu.memory_space<semaphore_mem>>, %arg29: memref<!tpu.dma_semaphore, #tpu.memory_space<semaphore_mem>>, %arg30: memref<!tpu.dma_semaphore, #tpu.memory_space<semaphore_mem>>, %arg31: memref<!tpu.dma_semaphore, #tpu.memory_space<semaphore_mem>>, %arg32: memref<!tpu.dma_semaphore, #tpu.memory_space<semaphore_mem>>, %arg33: memref<!tpu.dma_semaphore, #tpu.memory_space<semaphore_mem>>, %arg34: memref<!tpu.dma_semaphore, #tpu.memory_space<semaphore_mem>>) attributes {dimension_semantics = [#tpu.dimension_semantics<core_parallel>, #tpu.dimension_semantics<subcore_parallel>], iteration_bounds = array<i64: 2, 16>, scalar_prefetch = 0 : i64, scratch_operands = 29 : i64, tpu.core_type = #tpu.core_type<sc_vector_subcore>, window_params = [{transform_indices = #map}, {transform_indices = #map}, {transform_indices = #map1}, {transform_indices = #map2}]} {
    %mul3A = arith.constant 2 : i32
    %mul3A_0 = arith.muli %arg1, %mul3A : i32
    %add3A = arith.addi %mul3A_0, %arg0 : i32
    %scan3A = arith.constant 0 : i32
    %scan3A_1 = arith.constant 0 : i32
    %scan3A_2 = arith.constant 40 : i32
    %scan3A_3 = arith.addi %scan3A_1, %scan3A_2 : i32
    %scan3A_4 = arith.constant 1 : i32
    scf.for %scan3A_393 = %scan3A_1 to %scan3A_3 step %scan3A_4  : i32 {
      %broadcast_in_dim3A = arith.constant 0.000000e+00 : f32
      %broadcast_in_dim3A_394 = vector.broadcast %broadcast_in_dim3A : f32 to vector<16xf32>
      %swap3A = arith.index_cast %scan3A_393 : i32 to index
      %swap3A_395 = arith.constant 0 : index
      %swap3A_396 = tpu.vector_load %arg14[%swap3A, %swap3A_395] {strides = array<i32>} : memref<40x128xf32, #tpu.memory_space<vmem>>, vector<1x16xf32>,
      %swap3A_397 = vector.shape_cast %swap3A_396 : vector<1x16xf32> to vector<16xf32>
      %swap3A_398 = vector.shape_cast %broadcast_in_dim3A_394 : vector<16xf32> to vector<1x16xf32>
      tpu.vector_store %arg14[%swap3A, %swap3A_395], %swap3A_398 {strides = array<i32>} : memref<40x128xf32, #tpu.memory_space<vmem>>, vector<1x16xf32>,
      %broadcast_in_dim3A_399 = arith.constant 0.000000e+00 : f32
      %broadcast_in_dim3A_400 = vector.broadcast %broadcast_in_dim3A_399 : f32 to vector<16xf32>
      %swap3A_401 = arith.index_cast %scan3A_393 : i32 to index
      %swap3A_402 = arith.constant 16 : index
      %swap3A_403 = tpu.vector_load %arg14[%swap3A_401, %swap3A_402] {strides = array<i32>} : memref<40x128xf32, #tpu.memory_space<vmem>>, vector<1x16xf32>,
      %swap3A_404 = vector.shape_cast %swap3A_403 : vector<1x16xf32> to vector<16xf32>
      %swap3A_405 = vector.shape_cast %broadcast_in_dim3A_400 : vector<16xf32> to vector<1x16xf32>
      tpu.vector_store %arg14[%swap3A_401, %swap3A_402], %swap3A_405 {strides = array<i32>} : memref<40x128xf32, #tpu.memory_space<vmem>>, vector<1x16xf32>,
      %broadcast_in_dim3A_406 = arith.constant 0.000000e+00 : f32
      %broadcast_in_dim3A_407 = vector.broadcast %broadcast_in_dim3A_406 : f32 to vector<16xf32>
      %swap3A_408 = arith.index_cast %scan3A_393 : i32 to index
      %swap3A_409 = arith.constant 32 : index
      %swap3A_410 = tpu.vector_load %arg14[%swap3A_408, %swap3A_409] {strides = array<i32>} : memref<40x128xf32, #tpu.memory_space<vmem>>, vector<1x16xf32>,
      %swap3A_411 = vector.shape_cast %swap3A_410 : vector<1x16xf32> to vector<16xf32>
      %swap3A_412 = vector.shape_cast %broadcast_in_dim3A_407 : vector<16xf32> to vector<1x16xf32>
      tpu.vector_store %arg14[%swap3A_408, %swap3A_409], %swap3A_412 {strides = array<i32>} : memref<40x128xf32, #tpu.memory_space<vmem>>, vector<1x16xf32>,
      %broadcast_in_dim3A_413 = arith.constant 0.000000e+00 : f32
      %broadcast_in_dim3A_414 = vector.broadcast %broadcast_in_dim3A_413 : f32 to vector<16xf32>
      %swap3A_415 = arith.index_cast %scan3A_393 : i32 to index
      %swap3A_416 = arith.constant 48 : index
      %swap3A_417 = tpu.vector_load %arg14[%swap3A_415, %swap3A_416] {strides = array<i32>} : memref<40x128xf32, #tpu.memory_space<vmem>>, vector<1x16xf32>,
      %swap3A_418 = vector.shape_cast %swap3A_417 : vector<1x16xf32> to vector<16xf32>
      %swap3A_419 = vector.shape_cast %broadcast_in_dim3A_414 : vector<16xf32> to vector<1x16xf32>
      tpu.vector_store %arg14[%swap3A_415, %swap3A_416], %swap3A_419 {strides = array<i32>} : memref<40x128xf32, #tpu.memory_space<vmem>>, vector<1x16xf32>,
      %broadcast_in_dim3A_420 = arith.constant 0.000000e+00 : f32
      %broadcast_in_dim3A_421 = vector.broadcast %broadcast_in_dim3A_420 : f32 to vector<16xf32>
      %swap3A_422 = arith.index_cast %scan3A_393 : i32 to index
      %swap3A_423 = arith.constant 64 : index
      %swap3A_424 = tpu.vector_load %arg14[%swap3A_422, %swap3A_423] {strides = array<i32>} : memref<40x128xf32, #tpu.memory_space<vmem>>, vector<1x16xf32>,
      %swap3A_425 = vector.shape_cast %swap3A_424 : vector<1x16xf32> to vector<16xf32>
      %swap3A_426 = vector.shape_cast %broadcast_in_dim3A_421 : vector<16xf32> to vector<1x16xf32>
      tpu.vector_store %arg14[%swap3A_422, %swap3A_423], %swap3A_426 {strides = array<i32>} : memref<40x128xf32, #tpu.memory_space<vmem>>, vector<1x16xf32>,
      %broadcast_in_dim3A_427 = arith.constant 0.000000e+00 : f32
      %broadcast_in_dim3A_428 = vector.broadcast %broadcast_in_dim3A_427 : f32 to vector<16xf32>
      %swap3A_429 = arith.index_cast %scan3A_393 : i32 to index
      %swap3A_430 = arith.constant 80 : index
      %swap3A_431 = tpu.vector_load %arg14[%swap3A_429, %swap3A_430] {strides = array<i32>} : memref<40x128xf32, #tpu.memory_space<vmem>>, vector<1x16xf32>,
      %swap3A_432 = vector.shape_cast %swap3A_431 : vector<1x16xf32> to vector<16xf32>
      %swap3A_433 = vector.shape_cast %broadcast_in_dim3A_428 : vector<16xf32> to vector<1x16xf32>
      tpu.vector_store %arg14[%swap3A_429, %swap3A_430], %swap3A_433 {strides = array<i32>} : memref<40x128xf32, #tpu.memory_space<vmem>>, vector<1x16xf32>,
      %broadcast_in_dim3A_434 = arith.constant 0.000000e+00 : f32
      %broadcast_in_dim3A_435 = vector.broadcast %broadcast_in_dim3A_434 : f32 to vector<16xf32>
      %swap3A_436 = arith.index_cast %scan3A_393 : i32 to index
      %swap3A_437 = arith.constant 96 : index
      %swap3A_438 = tpu.vector_load %arg14[%swap3A_436, %swap3A_437] {strides = array<i32>} : memref<40x128xf32, #tpu.memory_space<vmem>>, vector<1x16xf32>,
      %swap3A_439 = vector.shape_cast %swap3A_438 : vector<1x16xf32> to vector<16xf32>
      %swap3A_440 = vector.shape_cast %broadcast_in_dim3A_435 : vector<16xf32> to vector<1x16xf32>
      tpu.vector_store %arg14[%swap3A_436, %swap3A_437], %swap3A_440 {strides = array<i32>} : memref<40x128xf32, #tpu.memory_space<vmem>>, vector<1x16xf32>,
      %broadcast_in_dim3A_441 = arith.constant 0.000000e+00 : f32
      %broadcast_in_dim3A_442 = vector.broadcast %broadcast_in_dim3A_441 : f32 to vector<16xf32>
      %swap3A_443 = arith.index_cast %scan3A_393 : i32 to index
      %swap3A_444 = arith.constant 112 : index
      %swap3A_445 = tpu.vector_load %arg14[%swap3A_443, %swap3A_444] {strides = array<i32>} : memref<40x128xf32, #tpu.memory_space<vmem>>, vector<1x16xf32>,
      %swap3A_446 = vector.shape_cast %swap3A_445 : vector<1x16xf32> to vector<16xf32>
      %swap3A_447 = vector.shape_cast %broadcast_in_dim3A_442 : vector<16xf32> to vector<1x16xf32>
      tpu.vector_store %arg14[%swap3A_443, %swap3A_444], %swap3A_447 {strides = array<i32>} : memref<40x128xf32, #tpu.memory_space<vmem>>, vector<1x16xf32>,
    }
    %scan3A_5 = arith.constant 40 : i32
    %add3A_6 = arith.constant 0 : i32
    %add3A_7 = arith.addi %add3A_6, %arg1 : i32
    %lt3A = arith.constant 250 : i32
    %lt3A_8 = arith.cmpi slt, %add3A_7, %lt3A : i32
    %convert_element_type3A = arith.extui %lt3A_8 : i1 to i32
    %cond3A = arith.constant 0 : i32
    %cond3A_9 = arith.cmpi ne, %convert_element_type3A, %cond3A : i32
    scf.if %cond3A_9 {
      %mul3A_393 = arith.constant 40 : i32
      %mul3A_394 = arith.muli %add3A_7, %mul3A_393 : i32
      "tpu.region"() ({
        %run_scoped3A = tpu.sem_alloc : memref<!tpu.dma_semaphore, #tpu.memory_space<semaphore_mem>>
        %dma_start3A_395 = arith.constant 0 : i32
        %dma_start3A_396 = tpu.memref_slice %arg18[%mul3A_394, %dma_start3A_395] : memref<10000x128xf32, #tpu.memory_space<vmem_shared>> -> memref<40x128xf32, #tpu.memory_space<vmem_shared>>
        %dma_start3A_397 = arith.constant 0 : i32
        %dma_start3A_398 = tpu.memref_slice %arg18[%mul3A_394, %dma_start3A_397] : memref<10000x128xf32, #tpu.memory_space<vmem_shared>> -> memref<40x128xf32, #tpu.memory_space<vmem_shared>>
        tpu.enqueue_dma source(%arg14 : memref<40x128xf32, #tpu.memory_space<vmem>>) target(%dma_start3A_398 : memref<40x128xf32, #tpu.memory_space<vmem_shared>>) target_semaphore(%run_scoped3A : memref<!tpu.dma_semaphore, #tpu.memory_space<semaphore_mem>>)
        %dma_wait3A_399 = arith.constant 0 : i32
        %dma_wait3A_400 = tpu.memref_slice %arg18[%mul3A_394, %dma_wait3A_399] : memref<10000x128xf32, #tpu.memory_space<vmem_shared>> -> memref<40x128xf32, #tpu.memory_space<vmem_shared>>
        %dma_wait3A_401 = arith.constant 0 : i32
        %dma_wait3A_402 = tpu.memref_slice %arg18[%mul3A_394, %dma_wait3A_401] : memref<10000x128xf32, #tpu.memory_space<vmem_shared>> -> memref<40x128xf32, #tpu.memory_space<vmem_shared>>
        tpu.wait_dma2 semaphore(%run_scoped3A : memref<!tpu.dma_semaphore, #tpu.memory_space<semaphore_mem>>) src(%arg14 : memref<40x128xf32, #tpu.memory_space<vmem>>) dst(%dma_wait3A_402 : memref<40x128xf32, #tpu.memory_space<vmem_shared>>)
        tpu.yield
      }) : () -> ()
    } else {
    }
    %add3A_10 = arith.constant 16 : i32
    %add3A_11 = arith.addi %add3A_10, %arg1 : i32
    %lt3A_12 = arith.constant 250 : i32
    %lt3A_13 = arith.cmpi slt, %add3A_11, %lt3A_12 : i32
    %convert_element_type3A_14 = arith.extui %lt3A_13 : i1 to i32
    %cond3A_15 = arith.constant 0 : i32
    %cond3A_16 = arith.cmpi ne, %convert_element_type3A_14, %cond3A_15 : i32
    scf.if %cond3A_16 {
      %mul3A_393 = arith.constant 40 : i32
      %mul3A_394 = arith.muli %add3A_11, %mul3A_393 : i32
      "tpu.region"() ({
        %run_scoped3A = tpu.sem_alloc : memref<!tpu.dma_semaphore, #tpu.memory_space<semaphore_mem>>
        %dma_start3A_395 = arith.constant 0 : i32
        %dma_start3A_396 = tpu.memref_slice %arg18[%mul3A_394, %dma_start3A_395] : memref<10000x128xf32, #tpu.memory_space<vmem_shared>> -> memref<40x128xf32, #tpu.memory_space<vmem_shared>>
        %dma_start3A_397 = arith.constant 0 : i32
        %dma_start3A_398 = tpu.memref_slice %arg18[%mul3A_394, %dma_start3A_397] : memref<10000x128xf32, #tpu.memory_space<vmem_shared>> -> memref<40x128xf32, #tpu.memory_space<vmem_shared>>
        tpu.enqueue_dma source(%arg14 : memref<40x128xf32, #tpu.memory_space<vmem>>) target(%dma_start3A_398 : memref<40x128xf32, #tpu.memory_space<vmem_shared>>) target_semaphore(%run_scoped3A : memref<!tpu.dma_semaphore, #tpu.memory_space<semaphore_mem>>)
        %dma_wait3A_399 = arith.constant 0 : i32
        %dma_wait3A_400 = tpu.memref_slice %arg18[%mul3A_394, %dma_wait3A_399] : memref<10000x128xf32, #tpu.memory_space<vmem_shared>> -> memref<40x128xf32, #tpu.memory_space<vmem_shared>>
        %dma_wait3A_401 = arith.constant 0 : i32
        %dma_wait3A_402 = tpu.memref_slice %arg18[%mul3A_394, %dma_wait3A_401] : memref<10000x128xf32, #tpu.memory_space<vmem_shared>> -> memref<40x128xf32, #tpu.memory_space<vmem_shared>>
        tpu.wait_dma2 semaphore(%run_scoped3A : memref<!tpu.dma_semaphore, #tpu.memory_space<semaphore_mem>>) src(%arg14 : memref<40x128xf32, #tpu.memory_space<vmem>>) dst(%dma_wait3A_402 : memref<40x128xf32, #tpu.memory_space<vmem_shared>>)
        tpu.yield
      }) : () -> ()
    } else {
    }
    %add3A_17 = arith.constant 32 : i32
    %add3A_18 = arith.addi %add3A_17, %arg1 : i32
    %lt3A_19 = arith.constant 250 : i32
    %lt3A_20 = arith.cmpi slt, %add3A_18, %lt3A_19 : i32
    %convert_element_type3A_21 = arith.extui %lt3A_20 : i1 to i32
    %cond3A_22 = arith.constant 0 : i32
    %cond3A_23 = arith.cmpi ne, %convert_element_type3A_21, %cond3A_22 : i32
    scf.if %cond3A_23 {
      %mul3A_393 = arith.constant 40 : i32
      %mul3A_394 = arith.muli %add3A_18, %mul3A_393 : i32
      "tpu.region"() ({
        %run_scoped3A = tpu.sem_alloc : memref<!tpu.dma_semaphore, #tpu.memory_space<semaphore_mem>>
        %dma_start3A_395 = arith.constant 0 : i32
        %dma_start3A_396 = tpu.memref_slice %arg18[%mul3A_394, %dma_start3A_395] : memref<10000x128xf32, #tpu.memory_space<vmem_shared>> -> memref<40x128xf32, #tpu.memory_space<vmem_shared>>
        %dma_start3A_397 = arith.constant 0 : i32
        %dma_start3A_398 = tpu.memref_slice %arg18[%mul3A_394, %dma_start3A_397] : memref<10000x128xf32, #tpu.memory_space<vmem_shared>> -> memref<40x128xf32, #tpu.memory_space<vmem_shared>>
        tpu.enqueue_dma source(%arg14 : memref<40x128xf32, #tpu.memory_space<vmem>>) target(%dma_start3A_398 : memref<40x128xf32, #tpu.memory_space<vmem_shared>>) target_semaphore(%run_scoped3A : memref<!tpu.dma_semaphore, #tpu.memory_space<semaphore_mem>>)
        %dma_wait3A_399 = arith.constant 0 : i32
        %dma_wait3A_400 = tpu.memref_slice %arg18[%mul3A_394, %dma_wait3A_399] : memref<10000x128xf32, #tpu.memory_space<vmem_shared>> -> memref<40x128xf32, #tpu.memory_space<vmem_shared>>
        %dma_wait3A_401 = arith.constant 0 : i32
        %dma_wait3A_402 = tpu.memref_slice %arg18[%mul3A_394, %dma_wait3A_401] : memref<10000x128xf32, #tpu.memory_space<vmem_shared>> -> memref<40x128xf32, #tpu.memory_space<vmem_shared>>
        tpu.wait_dma2 semaphore(%run_scoped3A : memref<!tpu.dma_semaphore, #tpu.memory_space<semaphore_mem>>) src(%arg14 : memref<40x128xf32, #tpu.memory_space<vmem>>) dst(%dma_wait3A_402 : memref<40x128xf32, #tpu.memory_space<vmem_shared>>)
        tpu.yield
      }) : () -> ()
    } else {
    }
    %add3A_24 = arith.constant 48 : i32
    %add3A_25 = arith.addi %add3A_24, %arg1 : i32
    %lt3A_26 = arith.constant 250 : i32
    %lt3A_27 = arith.cmpi slt, %add3A_25, %lt3A_26 : i32
    %convert_element_type3A_28 = arith.extui %lt3A_27 : i1 to i32
    %cond3A_29 = arith.constant 0 : i32
    %cond3A_30 = arith.cmpi ne, %convert_element_type3A_28, %cond3A_29 : i32
    scf.if %cond3A_30 {
      %mul3A_393 = arith.constant 40 : i32
      %mul3A_394 = arith.muli %add3A_25, %mul3A_393 : i32
      "tpu.region"() ({
        %run_scoped3A = tpu.sem_alloc : memref<!tpu.dma_semaphore, #tpu.memory_space<semaphore_mem>>
        %dma_start3A_395 = arith.constant 0 : i32
        %dma_start3A_396 = tpu.memref_slice %arg18[%mul3A_394, %dma_start3A_395] : memref<10000x128xf32, #tpu.memory_space<vmem_shared>> -> memref<40x128xf32, #tpu.memory_space<vmem_shared>>
        %dma_start3A_397 = arith.constant 0 : i32
        %dma_start3A_398 = tpu.memref_slice %arg18[%mul3A_394, %dma_start3A_397] : memref<10000x128xf32, #tpu.memory_space<vmem_shared>> -> memref<40x128xf32, #tpu.memory_space<vmem_shared>>
        tpu.enqueue_dma source(%arg14 : memref<40x128xf32, #tpu.memory_space<vmem>>) target(%dma_start3A_398 : memref<40x128xf32, #tpu.memory_space<vmem_shared>>) target_semaphore(%run_scoped3A : memref<!tpu.dma_semaphore, #tpu.memory_space<semaphore_mem>>)
        %dma_wait3A_399 = arith.constant 0 : i32
        %dma_wait3A_400 = tpu.memref_slice %arg18[%mul3A_394, %dma_wait3A_399] : memref<10000x128xf32, #tpu.memory_space<vmem_shared>> -> memref<40x128xf32, #tpu.memory_space<vmem_shared>>
        %dma_wait3A_401 = arith.constant 0 : i32
        %dma_wait3A_402 = tpu.memref_slice %arg18[%mul3A_394, %dma_wait3A_401] : memref<10000x128xf32, #tpu.memory_space<vmem_shared>> -> memref<40x128xf32, #tpu.memory_space<vmem_shared>>
        tpu.wait_dma2 semaphore(%run_scoped3A : memref<!tpu.dma_semaphore, #tpu.memory_space<semaphore_mem>>) src(%arg14 : memref<40x128xf32, #tpu.memory_space<vmem>>) dst(%dma_wait3A_402 : memref<40x128xf32, #tpu.memory_space<vmem_shared>>)
        tpu.yield
      }) : () -> ()
    } else {
    }
    %add3A_31 = arith.constant 64 : i32
    %add3A_32 = arith.addi %add3A_31, %arg1 : i32
    %lt3A_33 = arith.constant 250 : i32
    %lt3A_34 = arith.cmpi slt, %add3A_32, %lt3A_33 : i32
    %convert_element_type3A_35 = arith.extui %lt3A_34 : i1 to i32
    %cond3A_36 = arith.constant 0 : i32
    %cond3A_37 = arith.cmpi ne, %convert_element_type3A_35, %cond3A_36 : i32
    scf.if %cond3A_37 {
      %mul3A_393 = arith.constant 40 : i32
      %mul3A_394 = arith.muli %add3A_32, %mul3A_393 : i32
      "tpu.region"() ({
        %run_scoped3A = tpu.sem_alloc : memref<!tpu.dma_semaphore, #tpu.memory_space<semaphore_mem>>
        %dma_start3A_395 = arith.constant 0 : i32
        %dma_start3A_396 = tpu.memref_slice %arg18[%mul3A_394, %dma_start3A_395] : memref<10000x128xf32, #tpu.memory_space<vmem_shared>> -> memref<40x128xf32, #tpu.memory_space<vmem_shared>>
        %dma_start3A_397 = arith.constant 0 : i32
        %dma_start3A_398 = tpu.memref_slice %arg18[%mul3A_394, %dma_start3A_397] : memref<10000x128xf32, #tpu.memory_space<vmem_shared>> -> memref<40x128xf32, #tpu.memory_space<vmem_shared>>
        tpu.enqueue_dma source(%arg14 : memref<40x128xf32, #tpu.memory_space<vmem>>) target(%dma_start3A_398 : memref<40x128xf32, #tpu.memory_space<vmem_shared>>) target_semaphore(%run_scoped3A : memref<!tpu.dma_semaphore, #tpu.memory_space<semaphore_mem>>)
        %dma_wait3A_399 = arith.constant 0 : i32
        %dma_wait3A_400 = tpu.memref_slice %arg18[%mul3A_394, %dma_wait3A_399] : memref<10000x128xf32, #tpu.memory_space<vmem_shared>> -> memref<40x128xf32, #tpu.memory_space<vmem_shared>>
        %dma_wait3A_401 = arith.constant 0 : i32
        %dma_wait3A_402 = tpu.memref_slice %arg18[%mul3A_394, %dma_wait3A_401] : memref<10000x128xf32, #tpu.memory_space<vmem_shared>> -> memref<40x128xf32, #tpu.memory_space<vmem_shared>>
        tpu.wait_dma2 semaphore(%run_scoped3A : memref<!tpu.dma_semaphore, #tpu.memory_space<semaphore_mem>>) src(%arg14 : memref<40x128xf32, #tpu.memory_space<vmem>>) dst(%dma_wait3A_402 : memref<40x128xf32, #tpu.memory_space<vmem_shared>>)
        tpu.yield
      }) : () -> ()
    } else {
    }
    %add3A_38 = arith.constant 80 : i32
    %add3A_39 = arith.addi %add3A_38, %arg1 : i32
    %lt3A_40 = arith.constant 250 : i32
    %lt3A_41 = arith.cmpi slt, %add3A_39, %lt3A_40 : i32
    %convert_element_type3A_42 = arith.extui %lt3A_41 : i1 to i32
    %cond3A_43 = arith.constant 0 : i32
    %cond3A_44 = arith.cmpi ne, %convert_element_type3A_42, %cond3A_43 : i32
    scf.if %cond3A_44 {
      %mul3A_393 = arith.constant 40 : i32
      %mul3A_394 = arith.muli %add3A_39, %mul3A_393 : i32
      "tpu.region"() ({
        %run_scoped3A = tpu.sem_alloc : memref<!tpu.dma_semaphore, #tpu.memory_space<semaphore_mem>>
        %dma_start3A_395 = arith.constant 0 : i32
        %dma_start3A_396 = tpu.memref_slice %arg18[%mul3A_394, %dma_start3A_395] : memref<10000x128xf32, #tpu.memory_space<vmem_shared>> -> memref<40x128xf32, #tpu.memory_space<vmem_shared>>
        %dma_start3A_397 = arith.constant 0 : i32
        %dma_start3A_398 = tpu.memref_slice %arg18[%mul3A_394, %dma_start3A_397] : memref<10000x128xf32, #tpu.memory_space<vmem_shared>> -> memref<40x128xf32, #tpu.memory_space<vmem_shared>>
        tpu.enqueue_dma source(%arg14 : memref<40x128xf32, #tpu.memory_space<vmem>>) target(%dma_start3A_398 : memref<40x128xf32, #tpu.memory_space<vmem_shared>>) target_semaphore(%run_scoped3A : memref<!tpu.dma_semaphore, #tpu.memory_space<semaphore_mem>>)
        %dma_wait3A_399 = arith.constant 0 : i32
        %dma_wait3A_400 = tpu.memref_slice %arg18[%mul3A_394, %dma_wait3A_399] : memref<10000x128xf32, #tpu.memory_space<vmem_shared>> -> memref<40x128xf32, #tpu.memory_space<vmem_shared>>
        %dma_wait3A_401 = arith.constant 0 : i32
        %dma_wait3A_402 = tpu.memref_slice %arg18[%mul3A_394, %dma_wait3A_401] : memref<10000x128xf32, #tpu.memory_space<vmem_shared>> -> memref<40x128xf32, #tpu.memory_space<vmem_shared>>
        tpu.wait_dma2 semaphore(%run_scoped3A : memref<!tpu.dma_semaphore, #tpu.memory_space<semaphore_mem>>) src(%arg14 : memref<40x128xf32, #tpu.memory_space<vmem>>) dst(%dma_wait3A_402 : memref<40x128xf32, #tpu.memory_space<vmem_shared>>)
        tpu.yield
      }) : () -> ()
    } else {
    }
    %add3A_45 = arith.constant 96 : i32
    %add3A_46 = arith.addi %add3A_45, %arg1 : i32
    %lt3A_47 = arith.constant 250 : i32
    %lt3A_48 = arith.cmpi slt, %add3A_46, %lt3A_47 : i32
    %convert_element_type3A_49 = arith.extui %lt3A_48 : i1 to i32
    %cond3A_50 = arith.constant 0 : i32
    %cond3A_51 = arith.cmpi ne, %convert_element_type3A_49, %cond3A_50 : i32
    scf.if %cond3A_51 {
      %mul3A_393 = arith.constant 40 : i32
      %mul3A_394 = arith.muli %add3A_46, %mul3A_393 : i32
      "tpu.region"() ({
        %run_scoped3A = tpu.sem_alloc : memref<!tpu.dma_semaphore, #tpu.memory_space<semaphore_mem>>
        %dma_start3A_395 = arith.constant 0 : i32
        %dma_start3A_396 = tpu.memref_slice %arg18[%mul3A_394, %dma_start3A_395] : memref<10000x128xf32, #tpu.memory_space<vmem_shared>> -> memref<40x128xf32, #tpu.memory_space<vmem_shared>>
        %dma_start3A_397 = arith.constant 0 : i32
        %dma_start3A_398 = tpu.memref_slice %arg18[%mul3A_394, %dma_start3A_397] : memref<10000x128xf32, #tpu.memory_space<vmem_shared>> -> memref<40x128xf32, #tpu.memory_space<vmem_shared>>
        tpu.enqueue_dma source(%arg14 : memref<40x128xf32, #tpu.memory_space<vmem>>) target(%dma_start3A_398 : memref<40x128xf32, #tpu.memory_space<vmem_shared>>) target_semaphore(%run_scoped3A : memref<!tpu.dma_semaphore, #tpu.memory_space<semaphore_mem>>)
        %dma_wait3A_399 = arith.constant 0 : i32
        %dma_wait3A_400 = tpu.memref_slice %arg18[%mul3A_394, %dma_wait3A_399] : memref<10000x128xf32, #tpu.memory_space<vmem_shared>> -> memref<40x128xf32, #tpu.memory_space<vmem_shared>>
        %dma_wait3A_401 = arith.constant 0 : i32
        %dma_wait3A_402 = tpu.memref_slice %arg18[%mul3A_394, %dma_wait3A_401] : memref<10000x128xf32, #tpu.memory_space<vmem_shared>> -> memref<40x128xf32, #tpu.memory_space<vmem_shared>>
        tpu.wait_dma2 semaphore(%run_scoped3A : memref<!tpu.dma_semaphore, #tpu.memory_space<semaphore_mem>>) src(%arg14 : memref<40x128xf32, #tpu.memory_space<vmem>>) dst(%dma_wait3A_402 : memref<40x128xf32, #tpu.memory_space<vmem_shared>>)
        tpu.yield
      }) : () -> ()
    } else {
    }
    %add3A_52 = arith.constant 112 : i32
    %add3A_53 = arith.addi %add3A_52, %arg1 : i32
    %lt3A_54 = arith.constant 250 : i32
    %lt3A_55 = arith.cmpi slt, %add3A_53, %lt3A_54 : i32
    %convert_element_type3A_56 = arith.extui %lt3A_55 : i1 to i32
    %cond3A_57 = arith.constant 0 : i32
    %cond3A_58 = arith.cmpi ne, %convert_element_type3A_56, %cond3A_57 : i32
    scf.if %cond3A_58 {
      %mul3A_393 = arith.constant 40 : i32
      %mul3A_394 = arith.muli %add3A_53, %mul3A_393 : i32
      "tpu.region"() ({
        %run_scoped3A = tpu.sem_alloc : memref<!tpu.dma_semaphore, #tpu.memory_space<semaphore_mem>>
        %dma_start3A_395 = arith.constant 0 : i32
        %dma_start3A_396 = tpu.memref_slice %arg18[%mul3A_394, %dma_start3A_395] : memref<10000x128xf32, #tpu.memory_space<vmem_shared>> -> memref<40x128xf32, #tpu.memory_space<vmem_shared>>
        %dma_start3A_397 = arith.constant 0 : i32
        %dma_start3A_398 = tpu.memref_slice %arg18[%mul3A_394, %dma_start3A_397] : memref<10000x128xf32, #tpu.memory_space<vmem_shared>> -> memref<40x128xf32, #tpu.memory_space<vmem_shared>>
        tpu.enqueue_dma source(%arg14 : memref<40x128xf32, #tpu.memory_space<vmem>>) target(%dma_start3A_398 : memref<40x128xf32, #tpu.memory_space<vmem_shared>>) target_semaphore(%run_scoped3A : memref<!tpu.dma_semaphore, #tpu.memory_space<semaphore_mem>>)
        %dma_wait3A_399 = arith.constant 0 : i32
        %dma_wait3A_400 = tpu.memref_slice %arg18[%mul3A_394, %dma_wait3A_399] : memref<10000x128xf32, #tpu.memory_space<vmem_shared>> -> memref<40x128xf32, #tpu.memory_space<vmem_shared>>
        %dma_wait3A_401 = arith.constant 0 : i32
        %dma_wait3A_402 = tpu.memref_slice %arg18[%mul3A_394, %dma_wait3A_401] : memref<10000x128xf32, #tpu.memory_space<vmem_shared>> -> memref<40x128xf32, #tpu.memory_space<vmem_shared>>
        tpu.wait_dma2 semaphore(%run_scoped3A : memref<!tpu.dma_semaphore, #tpu.memory_space<semaphore_mem>>) src(%arg14 : memref<40x128xf32, #tpu.memory_space<vmem>>) dst(%dma_wait3A_402 : memref<40x128xf32, #tpu.memory_space<vmem_shared>>)
        tpu.yield
      }) : () -> ()
    } else {
    }
    %add3A_59 = arith.constant 128 : i32
    %add3A_60 = arith.addi %add3A_59, %arg1 : i32
    %lt3A_61 = arith.constant 250 : i32
    %lt3A_62 = arith.cmpi slt, %add3A_60, %lt3A_61 : i32
    %convert_element_type3A_63 = arith.extui %lt3A_62 : i1 to i32
    %cond3A_64 = arith.constant 0 : i32
    %cond3A_65 = arith.cmpi ne, %convert_element_type3A_63, %cond3A_64 : i32
    scf.if %cond3A_65 {
      %mul3A_393 = arith.constant 40 : i32
      %mul3A_394 = arith.muli %add3A_60, %mul3A_393 : i32
      "tpu.region"() ({
        %run_scoped3A = tpu.sem_alloc : memref<!tpu.dma_semaphore, #tpu.memory_space<semaphore_mem>>
        %dma_start3A_395 = arith.constant 0 : i32
        %dma_start3A_396 = tpu.memref_slice %arg18[%mul3A_394, %dma_start3A_395] : memref<10000x128xf32, #tpu.memory_space<vmem_shared>> -> memref<40x128xf32, #tpu.memory_space<vmem_shared>>
        %dma_start3A_397 = arith.constant 0 : i32
        %dma_start3A_398 = tpu.memref_slice %arg18[%mul3A_394, %dma_start3A_397] : memref<10000x128xf32, #tpu.memory_space<vmem_shared>> -> memref<40x128xf32, #tpu.memory_space<vmem_shared>>
        tpu.enqueue_dma source(%arg14 : memref<40x128xf32, #tpu.memory_space<vmem>>) target(%dma_start3A_398 : memref<40x128xf32, #tpu.memory_space<vmem_shared>>) target_semaphore(%run_scoped3A : memref<!tpu.dma_semaphore, #tpu.memory_space<semaphore_mem>>)
        %dma_wait3A_399 = arith.constant 0 : i32
        %dma_wait3A_400 = tpu.memref_slice %arg18[%mul3A_394, %dma_wait3A_399] : memref<10000x128xf32, #tpu.memory_space<vmem_shared>> -> memref<40x128xf32, #tpu.memory_space<vmem_shared>>
        %dma_wait3A_401 = arith.constant 0 : i32
        %dma_wait3A_402 = tpu.memref_slice %arg18[%mul3A_394, %dma_wait3A_401] : memref<10000x128xf32, #tpu.memory_space<vmem_shared>> -> memref<40x128xf32, #tpu.memory_space<vmem_shared>>
        tpu.wait_dma2 semaphore(%run_scoped3A : memref<!tpu.dma_semaphore, #tpu.memory_space<semaphore_mem>>) src(%arg14 : memref<40x128xf32, #tpu.memory_space<vmem>>) dst(%dma_wait3A_402 : memref<40x128xf32, #tpu.memory_space<vmem_shared>>)
        tpu.yield
      }) : () -> ()
    } else {
    }
    %add3A_66 = arith.constant 144 : i32
    %add3A_67 = arith.addi %add3A_66, %arg1 : i32
    %lt3A_68 = arith.constant 250 : i32
    %lt3A_69 = arith.cmpi slt, %add3A_67, %lt3A_68 : i32
    %convert_element_type3A_70 = arith.extui %lt3A_69 : i1 to i32
    %cond3A_71 = arith.constant 0 : i32
    %cond3A_72 = arith.cmpi ne, %convert_element_type3A_70, %cond3A_71 : i32
    scf.if %cond3A_72 {
      %mul3A_393 = arith.constant 40 : i32
      %mul3A_394 = arith.muli %add3A_67, %mul3A_393 : i32
      "tpu.region"() ({
        %run_scoped3A = tpu.sem_alloc : memref<!tpu.dma_semaphore, #tpu.memory_space<semaphore_mem>>
        %dma_start3A_395 = arith.constant 0 : i32
        %dma_start3A_396 = tpu.memref_slice %arg18[%mul3A_394, %dma_start3A_395] : memref<10000x128xf32, #tpu.memory_space<vmem_shared>> -> memref<40x128xf32, #tpu.memory_space<vmem_shared>>
        %dma_start3A_397 = arith.constant 0 : i32
        %dma_start3A_398 = tpu.memref_slice %arg18[%mul3A_394, %dma_start3A_397] : memref<10000x128xf32, #tpu.memory_space<vmem_shared>> -> memref<40x128xf32, #tpu.memory_space<vmem_shared>>
        tpu.enqueue_dma source(%arg14 : memref<40x128xf32, #tpu.memory_space<vmem>>) target(%dma_start3A_398 : memref<40x128xf32, #tpu.memory_space<vmem_shared>>) target_semaphore(%run_scoped3A : memref<!tpu.dma_semaphore, #tpu.memory_space<semaphore_mem>>)
        %dma_wait3A_399 = arith.constant 0 : i32
        %dma_wait3A_400 = tpu.memref_slice %arg18[%mul3A_394, %dma_wait3A_399] : memref<10000x128xf32, #tpu.memory_space<vmem_shared>> -> memref<40x128xf32, #tpu.memory_space<vmem_shared>>
        %dma_wait3A_401 = arith.constant 0 : i32
        %dma_wait3A_402 = tpu.memref_slice %arg18[%mul3A_394, %dma_wait3A_401] : memref<10000x128xf32, #tpu.memory_space<vmem_shared>> -> memref<40x128xf32, #tpu.memory_space<vmem_shared>>
        tpu.wait_dma2 semaphore(%run_scoped3A : memref<!tpu.dma_semaphore, #tpu.memory_space<semaphore_mem>>) src(%arg14 : memref<40x128xf32, #tpu.memory_space<vmem>>) dst(%dma_wait3A_402 : memref<40x128xf32, #tpu.memory_space<vmem_shared>>)
        tpu.yield
      }) : () -> ()
    } else {
    }
    %add3A_73 = arith.constant 160 : i32
    %add3A_74 = arith.addi %add3A_73, %arg1 : i32
    %lt3A_75 = arith.constant 250 : i32
    %lt3A_76 = arith.cmpi slt, %add3A_74, %lt3A_75 : i32
    %convert_element_type3A_77 = arith.extui %lt3A_76 : i1 to i32
    %cond3A_78 = arith.constant 0 : i32
    %cond3A_79 = arith.cmpi ne, %convert_element_type3A_77, %cond3A_78 : i32
    scf.if %cond3A_79 {
      %mul3A_393 = arith.constant 40 : i32
      %mul3A_394 = arith.muli %add3A_74, %mul3A_393 : i32
      "tpu.region"() ({
        %run_scoped3A = tpu.sem_alloc : memref<!tpu.dma_semaphore, #tpu.memory_space<semaphore_mem>>
        %dma_start3A_395 = arith.constant 0 : i32
        %dma_start3A_396 = tpu.memref_slice %arg18[%mul3A_394, %dma_start3A_395] : memref<10000x128xf32, #tpu.memory_space<vmem_shared>> -> memref<40x128xf32, #tpu.memory_space<vmem_shared>>
        %dma_start3A_397 = arith.constant 0 : i32
        %dma_start3A_398 = tpu.memref_slice %arg18[%mul3A_394, %dma_start3A_397] : memref<10000x128xf32, #tpu.memory_space<vmem_shared>> -> memref<40x128xf32, #tpu.memory_space<vmem_shared>>
        tpu.enqueue_dma source(%arg14 : memref<40x128xf32, #tpu.memory_space<vmem>>) target(%dma_start3A_398 : memref<40x128xf32, #tpu.memory_space<vmem_shared>>) target_semaphore(%run_scoped3A : memref<!tpu.dma_semaphore, #tpu.memory_space<semaphore_mem>>)
        %dma_wait3A_399 = arith.constant 0 : i32
        %dma_wait3A_400 = tpu.memref_slice %arg18[%mul3A_394, %dma_wait3A_399] : memref<10000x128xf32, #tpu.memory_space<vmem_shared>> -> memref<40x128xf32, #tpu.memory_space<vmem_shared>>
        %dma_wait3A_401 = arith.constant 0 : i32
        %dma_wait3A_402 = tpu.memref_slice %arg18[%mul3A_394, %dma_wait3A_401] : memref<10000x128xf32, #tpu.memory_space<vmem_shared>> -> memref<40x128xf32, #tpu.memory_space<vmem_shared>>
        tpu.wait_dma2 semaphore(%run_scoped3A : memref<!tpu.dma_semaphore, #tpu.memory_space<semaphore_mem>>) src(%arg14 : memref<40x128xf32, #tpu.memory_space<vmem>>) dst(%dma_wait3A_402 : memref<40x128xf32, #tpu.memory_space<vmem_shared>>)
        tpu.yield
      }) : () -> ()
    } else {
    }
    %add3A_80 = arith.constant 176 : i32
    %add3A_81 = arith.addi %add3A_80, %arg1 : i32
    %lt3A_82 = arith.constant 250 : i32
    %lt3A_83 = arith.cmpi slt, %add3A_81, %lt3A_82 : i32
    %convert_element_type3A_84 = arith.extui %lt3A_83 : i1 to i32
    %cond3A_85 = arith.constant 0 : i32
    %cond3A_86 = arith.cmpi ne, %convert_element_type3A_84, %cond3A_85 : i32
    scf.if %cond3A_86 {
      %mul3A_393 = arith.constant 40 : i32
      %mul3A_394 = arith.muli %add3A_81, %mul3A_393 : i32
      "tpu.region"() ({
        %run_scoped3A = tpu.sem_alloc : memref<!tpu.dma_semaphore, #tpu.memory_space<semaphore_mem>>
        %dma_start3A_395 = arith.constant 0 : i32
        %dma_start3A_396 = tpu.memref_slice %arg18[%mul3A_394, %dma_start3A_395] : memref<10000x128xf32, #tpu.memory_space<vmem_shared>> -> memref<40x128xf32, #tpu.memory_space<vmem_shared>>
        %dma_start3A_397 = arith.constant 0 : i32
        %dma_start3A_398 = tpu.memref_slice %arg18[%mul3A_394, %dma_start3A_397] : memref<10000x128xf32, #tpu.memory_space<vmem_shared>> -> memref<40x128xf32, #tpu.memory_space<vmem_shared>>
        tpu.enqueue_dma source(%arg14 : memref<40x128xf32, #tpu.memory_space<vmem>>) target(%dma_start3A_398 : memref<40x128xf32, #tpu.memory_space<vmem_shared>>) target_semaphore(%run_scoped3A : memref<!tpu.dma_semaphore, #tpu.memory_space<semaphore_mem>>)
        %dma_wait3A_399 = arith.constant 0 : i32
        %dma_wait3A_400 = tpu.memref_slice %arg18[%mul3A_394, %dma_wait3A_399] : memref<10000x128xf32, #tpu.memory_space<vmem_shared>> -> memref<40x128xf32, #tpu.memory_space<vmem_shared>>
        %dma_wait3A_401 = arith.constant 0 : i32
        %dma_wait3A_402 = tpu.memref_slice %arg18[%mul3A_394, %dma_wait3A_401] : memref<10000x128xf32, #tpu.memory_space<vmem_shared>> -> memref<40x128xf32, #tpu.memory_space<vmem_shared>>
        tpu.wait_dma2 semaphore(%run_scoped3A : memref<!tpu.dma_semaphore, #tpu.memory_space<semaphore_mem>>) src(%arg14 : memref<40x128xf32, #tpu.memory_space<vmem>>) dst(%dma_wait3A_402 : memref<40x128xf32, #tpu.memory_space<vmem_shared>>)
        tpu.yield
      }) : () -> ()
    } else {
    }
    %add3A_87 = arith.constant 192 : i32
    %add3A_88 = arith.addi %add3A_87, %arg1 : i32
    %lt3A_89 = arith.constant 250 : i32
    %lt3A_90 = arith.cmpi slt, %add3A_88, %lt3A_89 : i32
    %convert_element_type3A_91 = arith.extui %lt3A_90 : i1 to i32
    %cond3A_92 = arith.constant 0 : i32
    %cond3A_93 = arith.cmpi ne, %convert_element_type3A_91, %cond3A_92 : i32
    scf.if %cond3A_93 {
      %mul3A_393 = arith.constant 40 : i32
      %mul3A_394 = arith.muli %add3A_88, %mul3A_393 : i32
      "tpu.region"() ({
        %run_scoped3A = tpu.sem_alloc : memref<!tpu.dma_semaphore, #tpu.memory_space<semaphore_mem>>
        %dma_start3A_395 = arith.constant 0 : i32
        %dma_start3A_396 = tpu.memref_slice %arg18[%mul3A_394, %dma_start3A_395] : memref<10000x128xf32, #tpu.memory_space<vmem_shared>> -> memref<40x128xf32, #tpu.memory_space<vmem_shared>>
        %dma_start3A_397 = arith.constant 0 : i32
        %dma_start3A_398 = tpu.memref_slice %arg18[%mul3A_394, %dma_start3A_397] : memref<10000x128xf32, #tpu.memory_space<vmem_shared>> -> memref<40x128xf32, #tpu.memory_space<vmem_shared>>
        tpu.enqueue_dma source(%arg14 : memref<40x128xf32, #tpu.memory_space<vmem>>) target(%dma_start3A_398 : memref<40x128xf32, #tpu.memory_space<vmem_shared>>) target_semaphore(%run_scoped3A : memref<!tpu.dma_semaphore, #tpu.memory_space<semaphore_mem>>)
        %dma_wait3A_399 = arith.constant 0 : i32
        %dma_wait3A_400 = tpu.memref_slice %arg18[%mul3A_394, %dma_wait3A_399] : memref<10000x128xf32, #tpu.memory_space<vmem_shared>> -> memref<40x128xf32, #tpu.memory_space<vmem_shared>>
        %dma_wait3A_401 = arith.constant 0 : i32
        %dma_wait3A_402 = tpu.memref_slice %arg18[%mul3A_394, %dma_wait3A_401] : memref<10000x128xf32, #tpu.memory_space<vmem_shared>> -> memref<40x128xf32, #tpu.memory_space<vmem_shared>>
        tpu.wait_dma2 semaphore(%run_scoped3A : memref<!tpu.dma_semaphore, #tpu.memory_space<semaphore_mem>>) src(%arg14 : memref<40x128xf32, #tpu.memory_space<vmem>>) dst(%dma_wait3A_402 : memref<40x128xf32, #tpu.memory_space<vmem_shared>>)
        tpu.yield
      }) : () -> ()
    } else {
    }
    %add3A_94 = arith.constant 208 : i32
    %add3A_95 = arith.addi %add3A_94, %arg1 : i32
    %lt3A_96 = arith.constant 250 : i32
    %lt3A_97 = arith.cmpi slt, %add3A_95, %lt3A_96 : i32
    %convert_element_type3A_98 = arith.extui %lt3A_97 : i1 to i32
    %cond3A_99 = arith.constant 0 : i32
    %cond3A_100 = arith.cmpi ne, %convert_element_type3A_98, %cond3A_99 : i32
    scf.if %cond3A_100 {
      %mul3A_393 = arith.constant 40 : i32
      %mul3A_394 = arith.muli %add3A_95, %mul3A_393 : i32
      "tpu.region"() ({
        %run_scoped3A = tpu.sem_alloc : memref<!tpu.dma_semaphore, #tpu.memory_space<semaphore_mem>>
        %dma_start3A_395 = arith.constant 0 : i32
        %dma_start3A_396 = tpu.memref_slice %arg18[%mul3A_394, %dma_start3A_395] : memref<10000x128xf32, #tpu.memory_space<vmem_shared>> -> memref<40x128xf32, #tpu.memory_space<vmem_shared>>
        %dma_start3A_397 = arith.constant 0 : i32
        %dma_start3A_398 = tpu.memref_slice %arg18[%mul3A_394, %dma_start3A_397] : memref<10000x128xf32, #tpu.memory_space<vmem_shared>> -> memref<40x128xf32, #tpu.memory_space<vmem_shared>>
        tpu.enqueue_dma source(%arg14 : memref<40x128xf32, #tpu.memory_space<vmem>>) target(%dma_start3A_398 : memref<40x128xf32, #tpu.memory_space<vmem_shared>>) target_semaphore(%run_scoped3A : memref<!tpu.dma_semaphore, #tpu.memory_space<semaphore_mem>>)
        %dma_wait3A_399 = arith.constant 0 : i32
        %dma_wait3A_400 = tpu.memref_slice %arg18[%mul3A_394, %dma_wait3A_399] : memref<10000x128xf32, #tpu.memory_space<vmem_shared>> -> memref<40x128xf32, #tpu.memory_space<vmem_shared>>
        %dma_wait3A_401 = arith.constant 0 : i32
        %dma_wait3A_402 = tpu.memref_slice %arg18[%mul3A_394, %dma_wait3A_401] : memref<10000x128xf32, #tpu.memory_space<vmem_shared>> -> memref<40x128xf32, #tpu.memory_space<vmem_shared>>
        tpu.wait_dma2 semaphore(%run_scoped3A : memref<!tpu.dma_semaphore, #tpu.memory_space<semaphore_mem>>) src(%arg14 : memref<40x128xf32, #tpu.memory_space<vmem>>) dst(%dma_wait3A_402 : memref<40x128xf32, #tpu.memory_space<vmem_shared>>)
        tpu.yield
      }) : () -> ()
    } else {
    }
    %add3A_101 = arith.constant 224 : i32
    %add3A_102 = arith.addi %add3A_101, %arg1 : i32
    %lt3A_103 = arith.constant 250 : i32
    %lt3A_104 = arith.cmpi slt, %add3A_102, %lt3A_103 : i32
    %convert_element_type3A_105 = arith.extui %lt3A_104 : i1 to i32
    %cond3A_106 = arith.constant 0 : i32
    %cond3A_107 = arith.cmpi ne, %convert_element_type3A_105, %cond3A_106 : i32
    scf.if %cond3A_107 {
      %mul3A_393 = arith.constant 40 : i32
      %mul3A_394 = arith.muli %add3A_102, %mul3A_393 : i32
      "tpu.region"() ({
        %run_scoped3A = tpu.sem_alloc : memref<!tpu.dma_semaphore, #tpu.memory_space<semaphore_mem>>
        %dma_start3A_395 = arith.constant 0 : i32
        %dma_start3A_396 = tpu.memref_slice %arg18[%mul3A_394, %dma_start3A_395] : memref<10000x128xf32, #tpu.memory_space<vmem_shared>> -> memref<40x128xf32, #tpu.memory_space<vmem_shared>>
        %dma_start3A_397 = arith.constant 0 : i32
        %dma_start3A_398 = tpu.memref_slice %arg18[%mul3A_394, %dma_start3A_397] : memref<10000x128xf32, #tpu.memory_space<vmem_shared>> -> memref<40x128xf32, #tpu.memory_space<vmem_shared>>
        tpu.enqueue_dma source(%arg14 : memref<40x128xf32, #tpu.memory_space<vmem>>) target(%dma_start3A_398 : memref<40x128xf32, #tpu.memory_space<vmem_shared>>) target_semaphore(%run_scoped3A : memref<!tpu.dma_semaphore, #tpu.memory_space<semaphore_mem>>)
        %dma_wait3A_399 = arith.constant 0 : i32
        %dma_wait3A_400 = tpu.memref_slice %arg18[%mul3A_394, %dma_wait3A_399] : memref<10000x128xf32, #tpu.memory_space<vmem_shared>> -> memref<40x128xf32, #tpu.memory_space<vmem_shared>>
        %dma_wait3A_401 = arith.constant 0 : i32
        %dma_wait3A_402 = tpu.memref_slice %arg18[%mul3A_394, %dma_wait3A_401] : memref<10000x128xf32, #tpu.memory_space<vmem_shared>> -> memref<40x128xf32, #tpu.memory_space<vmem_shared>>
        tpu.wait_dma2 semaphore(%run_scoped3A : memref<!tpu.dma_semaphore, #tpu.memory_space<semaphore_mem>>) src(%arg14 : memref<40x128xf32, #tpu.memory_space<vmem>>) dst(%dma_wait3A_402 : memref<40x128xf32, #tpu.memory_space<vmem_shared>>)
        tpu.yield
      }) : () -> ()
    } else {
    }
    %add3A_108 = arith.constant 240 : i32
    %add3A_109 = arith.addi %add3A_108, %arg1 : i32
    %lt3A_110 = arith.constant 250 : i32
    %lt3A_111 = arith.cmpi slt, %add3A_109, %lt3A_110 : i32
    %convert_element_type3A_112 = arith.extui %lt3A_111 : i1 to i32
    %cond3A_113 = arith.constant 0 : i32
    %cond3A_114 = arith.cmpi ne, %convert_element_type3A_112, %cond3A_113 : i32
    scf.if %cond3A_114 {
      %mul3A_393 = arith.constant 40 : i32
      %mul3A_394 = arith.muli %add3A_109, %mul3A_393 : i32
      "tpu.region"() ({
        %run_scoped3A = tpu.sem_alloc : memref<!tpu.dma_semaphore, #tpu.memory_space<semaphore_mem>>
        %dma_start3A_395 = arith.constant 0 : i32
        %dma_start3A_396 = tpu.memref_slice %arg18[%mul3A_394, %dma_start3A_395] : memref<10000x128xf32, #tpu.memory_space<vmem_shared>> -> memref<40x128xf32, #tpu.memory_space<vmem_shared>>
        %dma_start3A_397 = arith.constant 0 : i32
        %dma_start3A_398 = tpu.memref_slice %arg18[%mul3A_394, %dma_start3A_397] : memref<10000x128xf32, #tpu.memory_space<vmem_shared>> -> memref<40x128xf32, #tpu.memory_space<vmem_shared>>
        tpu.enqueue_dma source(%arg14 : memref<40x128xf32, #tpu.memory_space<vmem>>) target(%dma_start3A_398 : memref<40x128xf32, #tpu.memory_space<vmem_shared>>) target_semaphore(%run_scoped3A : memref<!tpu.dma_semaphore, #tpu.memory_space<semaphore_mem>>)
        %dma_wait3A_399 = arith.constant 0 : i32
        %dma_wait3A_400 = tpu.memref_slice %arg18[%mul3A_394, %dma_wait3A_399] : memref<10000x128xf32, #tpu.memory_space<vmem_shared>> -> memref<40x128xf32, #tpu.memory_space<vmem_shared>>
        %dma_wait3A_401 = arith.constant 0 : i32
        %dma_wait3A_402 = tpu.memref_slice %arg18[%mul3A_394, %dma_wait3A_401] : memref<10000x128xf32, #tpu.memory_space<vmem_shared>> -> memref<40x128xf32, #tpu.memory_space<vmem_shared>>
        tpu.wait_dma2 semaphore(%run_scoped3A : memref<!tpu.dma_semaphore, #tpu.memory_space<semaphore_mem>>) src(%arg14 : memref<40x128xf32, #tpu.memory_space<vmem>>) dst(%dma_wait3A_402 : memref<40x128xf32, #tpu.memory_space<vmem_shared>>)
        tpu.yield
      }) : () -> ()
    } else {
    }
    %barrier3A = arith.constant 0 : index
    tpu.barrier barrier_id(%barrier3A)
    %dma_start3A = arith.constant 0 : i32
    %dma_start3A_115 = arith.constant 0 : i32
    %dma_start3A_116 = arith.constant 0 : i32
    %dma_start3A_117 = tpu.memref_slice %arg4[%add3A, %dma_start3A, %dma_start3A_115, %dma_start3A_116] : memref<32x250x2x40xi32, #tpu.memory_space<hbm>> -> memref<1x1x2x40xi32, #tpu.memory_space<hbm>>
    %dma_start3A_118 = tpu.memref_squeeze %dma_start3A_117 : memref<1x1x2x40xi32, #tpu.memory_space<hbm>> -> memref<2x40xi32, #tpu.memory_space<hbm>>
    %dma_start3A_119 = arith.constant 0 : i32
    %dma_start3A_120 = arith.constant 0 : i32
    %dma_start3A_121 = tpu.memref_slice %arg4[%add3A, %dma_start3A, %dma_start3A_119, %dma_start3A_120] : memref<32x250x2x40xi32, #tpu.memory_space<hbm>> -> memref<1x1x2x40xi32, #tpu.memory_space<hbm>>
    %dma_start3A_122 = tpu.memref_squeeze %dma_start3A_121 : memref<1x1x2x40xi32, #tpu.memory_space<hbm>> -> memref<2x40xi32, #tpu.memory_space<hbm>>
    tpu.enqueue_dma source(%dma_start3A_122 : memref<2x40xi32, #tpu.memory_space<hbm>>) target(%arg6 : memref<2x40xi32, #tpu.memory_space<vmem>>) target_semaphore(%arg19 : memref<!tpu.dma_semaphore, #tpu.memory_space<semaphore_mem>>)
    %dma_start3A_123 = arith.constant 1 : i32
    %dma_start3A_124 = arith.constant 0 : i32
    %dma_start3A_125 = arith.constant 0 : i32
    %dma_start3A_126 = tpu.memref_slice %arg4[%add3A, %dma_start3A_123, %dma_start3A_124, %dma_start3A_125] : memref<32x250x2x40xi32, #tpu.memory_space<hbm>> -> memref<1x1x2x40xi32, #tpu.memory_space<hbm>>
    %dma_start3A_127 = tpu.memref_squeeze %dma_start3A_126 : memref<1x1x2x40xi32, #tpu.memory_space<hbm>> -> memref<2x40xi32, #tpu.memory_space<hbm>>
    %dma_start3A_128 = arith.constant 0 : i32
    %dma_start3A_129 = arith.constant 0 : i32
    %dma_start3A_130 = tpu.memref_slice %arg4[%add3A, %dma_start3A_123, %dma_start3A_128, %dma_start3A_129] : memref<32x250x2x40xi32, #tpu.memory_space<hbm>> -> memref<1x1x2x40xi32, #tpu.memory_space<hbm>>
    %dma_start3A_131 = tpu.memref_squeeze %dma_start3A_130 : memref<1x1x2x40xi32, #tpu.memory_space<hbm>> -> memref<2x40xi32, #tpu.memory_space<hbm>>
    tpu.enqueue_dma source(%dma_start3A_131 : memref<2x40xi32, #tpu.memory_space<hbm>>) target(%arg7 : memref<2x40xi32, #tpu.memory_space<vmem>>) target_semaphore(%arg20 : memref<!tpu.dma_semaphore, #tpu.memory_space<semaphore_mem>>)
    %dma_start3A_132 = arith.constant 2 : i32
    %dma_start3A_133 = arith.constant 0 : i32
    %dma_start3A_134 = arith.constant 0 : i32
    %dma_start3A_135 = tpu.memref_slice %arg4[%add3A, %dma_start3A_132, %dma_start3A_133, %dma_start3A_134] : memref<32x250x2x40xi32, #tpu.memory_space<hbm>> -> memref<1x1x2x40xi32, #tpu.memory_space<hbm>>
    %dma_start3A_136 = tpu.memref_squeeze %dma_start3A_135 : memref<1x1x2x40xi32, #tpu.memory_space<hbm>> -> memref<2x40xi32, #tpu.memory_space<hbm>>
    %dma_start3A_137 = arith.constant 0 : i32
    %dma_start3A_138 = arith.constant 0 : i32
    %dma_start3A_139 = tpu.memref_slice %arg4[%add3A, %dma_start3A_132, %dma_start3A_137, %dma_start3A_138] : memref<32x250x2x40xi32, #tpu.memory_space<hbm>> -> memref<1x1x2x40xi32, #tpu.memory_space<hbm>>
    %dma_start3A_140 = tpu.memref_squeeze %dma_start3A_139 : memref<1x1x2x40xi32, #tpu.memory_space<hbm>> -> memref<2x40xi32, #tpu.memory_space<hbm>>
    tpu.enqueue_dma source(%dma_start3A_140 : memref<2x40xi32, #tpu.memory_space<hbm>>) target(%arg8 : memref<2x40xi32, #tpu.memory_space<vmem>>) target_semaphore(%arg21 : memref<!tpu.dma_semaphore, #tpu.memory_space<semaphore_mem>>)
    %dma_wait3A = arith.constant 0 : i32
    %dma_wait3A_141 = arith.constant 0 : i32
    %dma_wait3A_142 = arith.constant 0 : i32
    %dma_wait3A_143 = arith.constant 0 : i32
    %dma_wait3A_144 = tpu.memref_slice %arg4[%dma_wait3A, %dma_wait3A_141, %dma_wait3A_142, %dma_wait3A_143] : memref<32x250x2x40xi32, #tpu.memory_space<hbm>> -> memref<1x1x2x40xi32, #tpu.memory_space<hbm>>
    %dma_wait3A_145 = tpu.memref_squeeze %dma_wait3A_144 : memref<1x1x2x40xi32, #tpu.memory_space<hbm>> -> memref<2x40xi32, #tpu.memory_space<hbm>>
    %dma_wait3A_146 = arith.constant 0 : i32
    %dma_wait3A_147 = arith.constant 0 : i32
    %dma_wait3A_148 = tpu.memref_slice %arg4[%dma_wait3A, %dma_wait3A_141, %dma_wait3A_146, %dma_wait3A_147] : memref<32x250x2x40xi32, #tpu.memory_space<hbm>> -> memref<1x1x2x40xi32, #tpu.memory_space<hbm>>
    %dma_wait3A_149 = tpu.memref_squeeze %dma_wait3A_148 : memref<1x1x2x40xi32, #tpu.memory_space<hbm>> -> memref<2x40xi32, #tpu.memory_space<hbm>>
    tpu.wait_dma2 semaphore(%arg19 : memref<!tpu.dma_semaphore, #tpu.memory_space<semaphore_mem>>) src(%dma_wait3A_149 : memref<2x40xi32, #tpu.memory_space<hbm>>) dst(%arg6 : memref<2x40xi32, #tpu.memory_space<vmem>>)
    %dma_start3A_150 = arith.constant 0 : i32
    %dma_start3A_151 = arith.constant 0 : i32
    %dma_start3A_152 = tpu.memref_slice %arg6[%dma_start3A_150, %dma_start3A_151] : memref<2x40xi32, #tpu.memory_space<vmem>> -> memref<1x40xi32, #tpu.memory_space<vmem>>
    %dma_start3A_153 = tpu.memref_squeeze %dma_start3A_152 : memref<1x40xi32, #tpu.memory_space<vmem>> -> memref<40xi32, #tpu.memory_space<vmem>>
    %dma_start3A_154 = arith.constant 0 : i32
    %dma_start3A_155 = arith.constant 0 : i32
    %dma_start3A_156 = tpu.memref_slice %arg2[%dma_start3A_154, %dma_start3A_155] : memref<10000x128xf32, #tpu.memory_space<hbm>> -> memref<10000x128xf32, #tpu.memory_space<hbm>>
    tpu.enqueue_indirect_dma source(%dma_start3A_156 : memref<10000x128xf32, #tpu.memory_space<hbm>>) target(%arg14 : memref<40x128xf32, #tpu.memory_space<vmem>>) offsets(%dma_start3A_153 : memref<40xi32, #tpu.memory_space<vmem>>) semaphore(%arg23 : memref<!tpu.dma_semaphore, #tpu.memory_space<semaphore_mem>>)
    %mul3A_157 = arith.constant 250 : i32
    %mul3A_158 = arith.muli %add3A, %mul3A_157 : i32
    %add3A_159 = arith.constant 0 : i32
    %add3A_160 = arith.addi %mul3A_158, %add3A_159 : i32
    %mul3A_161 = arith.constant 40 : i32
    %mul3A_162 = arith.muli %add3A_160, %mul3A_161 : i32
    %dma_start3A_163 = arith.constant 0 : i32
    %dma_start3A_164 = tpu.memref_slice %arg3[%mul3A_162, %dma_start3A_163] : memref<320000x16xf32, #tpu.memory_space<hbm>> -> memref<40x16xf32, #tpu.memory_space<hbm>>
    %dma_start3A_165 = arith.constant 0 : i32
    %dma_start3A_166 = tpu.memref_slice %arg3[%mul3A_162, %dma_start3A_165] : memref<320000x16xf32, #tpu.memory_space<hbm>> -> memref<40x16xf32, #tpu.memory_space<hbm>>
    tpu.enqueue_dma source(%dma_start3A_166 : memref<40x16xf32, #tpu.memory_space<hbm>>) target(%arg10 : memref<40x16xf32, #tpu.memory_space<vmem>>) target_semaphore(%arg27 : memref<!tpu.dma_semaphore, #tpu.memory_space<semaphore_mem>>)
    %dma_wait3A_167 = arith.constant 0 : i32
    %dma_wait3A_168 = arith.constant 0 : i32
    %dma_wait3A_169 = arith.constant 0 : i32
    %dma_wait3A_170 = arith.constant 0 : i32
    %dma_wait3A_171 = tpu.memref_slice %arg4[%dma_wait3A_167, %dma_wait3A_168, %dma_wait3A_169, %dma_wait3A_170] : memref<32x250x2x40xi32, #tpu.memory_space<hbm>> -> memref<1x1x2x40xi32, #tpu.memory_space<hbm>>
    %dma_wait3A_172 = tpu.memref_squeeze %dma_wait3A_171 : memref<1x1x2x40xi32, #tpu.memory_space<hbm>> -> memref<2x40xi32, #tpu.memory_space<hbm>>
    %dma_wait3A_173 = arith.constant 0 : i32
    %dma_wait3A_174 = arith.constant 0 : i32
    %dma_wait3A_175 = tpu.memref_slice %arg4[%dma_wait3A_167, %dma_wait3A_168, %dma_wait3A_173, %dma_wait3A_174] : memref<32x250x2x40xi32, #tpu.memory_space<hbm>> -> memref<1x1x2x40xi32, #tpu.memory_space<hbm>>
    %dma_wait3A_176 = tpu.memref_squeeze %dma_wait3A_175 : memref<1x1x2x40xi32, #tpu.memory_space<hbm>> -> memref<2x40xi32, #tpu.memory_space<hbm>>
    tpu.wait_dma2 semaphore(%arg20 : memref<!tpu.dma_semaphore, #tpu.memory_space<semaphore_mem>>) src(%dma_wait3A_176 : memref<2x40xi32, #tpu.memory_space<hbm>>) dst(%arg7 : memref<2x40xi32, #tpu.memory_space<vmem>>)
    %dma_start3A_177 = arith.constant 0 : i32
    %dma_start3A_178 = arith.constant 0 : i32
    %dma_start3A_179 = tpu.memref_slice %arg7[%dma_start3A_177, %dma_start3A_178] : memref<2x40xi32, #tpu.memory_space<vmem>> -> memref<1x40xi32, #tpu.memory_space<vmem>>
    %dma_start3A_180 = tpu.memref_squeeze %dma_start3A_179 : memref<1x40xi32, #tpu.memory_space<vmem>> -> memref<40xi32, #tpu.memory_space<vmem>>
    %dma_start3A_181 = arith.constant 0 : i32
    %dma_start3A_182 = arith.constant 0 : i32
    %dma_start3A_183 = tpu.memref_slice %arg2[%dma_start3A_181, %dma_start3A_182] : memref<10000x128xf32, #tpu.memory_space<hbm>> -> memref<10000x128xf32, #tpu.memory_space<hbm>>
    tpu.enqueue_indirect_dma source(%dma_start3A_183 : memref<10000x128xf32, #tpu.memory_space<hbm>>) target(%arg15 : memref<40x128xf32, #tpu.memory_space<vmem>>) offsets(%dma_start3A_180 : memref<40xi32, #tpu.memory_space<vmem>>) semaphore(%arg24 : memref<!tpu.dma_semaphore, #tpu.memory_space<semaphore_mem>>)
    %mul3A_184 = arith.constant 250 : i32
    %mul3A_185 = arith.muli %add3A, %mul3A_184 : i32
    %add3A_186 = arith.constant 1 : i32
    %add3A_187 = arith.addi %mul3A_185, %add3A_186 : i32
    %mul3A_188 = arith.constant 40 : i32
    %mul3A_189 = arith.muli %add3A_187, %mul3A_188 : i32
    %dma_start3A_190 = arith.constant 0 : i32
    %dma_start3A_191 = tpu.memref_slice %arg3[%mul3A_189, %dma_start3A_190] : memref<320000x16xf32, #tpu.memory_space<hbm>> -> memref<40x16xf32, #tpu.memory_space<hbm>>
    %dma_start3A_192 = arith.constant 0 : i32
    %dma_start3A_193 = tpu.memref_slice %arg3[%mul3A_189, %dma_start3A_192] : memref<320000x16xf32, #tpu.memory_space<hbm>> -> memref<40x16xf32, #tpu.memory_space<hbm>>
    tpu.enqueue_dma source(%dma_start3A_193 : memref<40x16xf32, #tpu.memory_space<hbm>>) target(%arg11 : memref<40x16xf32, #tpu.memory_space<vmem>>) target_semaphore(%arg28 : memref<!tpu.dma_semaphore, #tpu.memory_space<semaphore_mem>>)
    %scan3A_194 = arith.constant 0 : i32
    %scan3A_195 = arith.constant 0 : i32
    %scan3A_196 = arith.constant 62 : i32
    %scan3A_197 = arith.addi %scan3A_195, %scan3A_196 : i32
    %scan3A_198 = arith.constant 1 : i32
    scf.for %scan3A_393 = %scan3A_195 to %scan3A_197 step %scan3A_198  : i32 {
      %mul3A_394 = arith.constant 4 : i32
      %mul3A_395 = arith.muli %scan3A_393, %mul3A_394 : i32
      %add3A_396 = arith.constant 0 : i32
      %add3A_397 = arith.addi %mul3A_395, %add3A_396 : i32
      %dma_wait3A_398 = arith.constant 0 : i32
      %dma_wait3A_399 = arith.constant 0 : i32
      %dma_wait3A_400 = tpu.memref_slice %arg6[%dma_wait3A_398, %dma_wait3A_399] : memref<2x40xi32, #tpu.memory_space<vmem>> -> memref<1x40xi32, #tpu.memory_space<vmem>>
      %dma_wait3A_401 = tpu.memref_squeeze %dma_wait3A_400 : memref<1x40xi32, #tpu.memory_space<vmem>> -> memref<40xi32, #tpu.memory_space<vmem>>
      %dma_wait3A_402 = arith.constant 0 : i32
      %dma_wait3A_403 = arith.constant 0 : i32
      %dma_wait3A_404 = tpu.memref_slice %arg2[%dma_wait3A_402, %dma_wait3A_403] : memref<10000x128xf32, #tpu.memory_space<hbm>> -> memref<10000x128xf32, #tpu.memory_space<hbm>>
      tpu.wait_indirect_dma semaphore(%arg23 : memref<!tpu.dma_semaphore, #tpu.memory_space<semaphore_mem>>) src(%dma_wait3A_404 : memref<10000x128xf32, #tpu.memory_space<hbm>>) dst(%arg14 : memref<40x128xf32, #tpu.memory_space<vmem>>)
      %dma_wait3A_405 = arith.constant 0 : i32
      %dma_wait3A_406 = arith.constant 0 : i32
      %dma_wait3A_407 = tpu.memref_slice %arg3[%dma_wait3A_405, %dma_wait3A_406] : memref<320000x16xf32, #tpu.memory_space<hbm>> -> memref<40x16xf32, #tpu.memory_space<hbm>>
      %dma_wait3A_408 = arith.constant 0 : i32
      %dma_wait3A_409 = arith.constant 0 : i32
      %dma_wait3A_410 = tpu.memref_slice %arg3[%dma_wait3A_408, %dma_wait3A_409] : memref<320000x16xf32, #tpu.memory_space<hbm>> -> memref<40x16xf32, #tpu.memory_space<hbm>>
      tpu.wait_dma2 semaphore(%arg27 : memref<!tpu.dma_semaphore, #tpu.memory_space<semaphore_mem>>) src(%dma_wait3A_410 : memref<40x16xf32, #tpu.memory_space<hbm>>) dst(%arg10 : memref<40x16xf32, #tpu.memory_space<vmem>>)
      %scan3A_411 = arith.constant 0 : i32
      %scan3A_412 = arith.constant 0 : i32
      %scan3A_413 = arith.constant 40 : i32
      %scan3A_414 = arith.addi %scan3A_412, %scan3A_413 : i32
      %scan3A_415 = arith.constant 1 : i32
      scf.for %scan3A_627 = %scan3A_412 to %scan3A_414 step %scan3A_415  : i32 {
        %get3A = arith.index_cast %scan3A_627 : i32 to index
        %get3A_628 = arith.constant 0 : index
        %get3A_629 = tpu.vector_load %arg10[%get3A, %get3A_628] {strides = array<i32>} : memref<40x16xf32, #tpu.memory_space<vmem>>, vector<1x16xf32>,
        %get3A_630 = vector.shape_cast %get3A_629 : vector<1x16xf32> to vector<16xf32>
        %get3A_631 = arith.index_cast %scan3A_627 : i32 to index
        %get3A_632 = arith.constant 0 : index
        %get3A_633 = tpu.vector_load %arg14[%get3A_631, %get3A_632] {strides = array<i32>} : memref<40x128xf32, #tpu.memory_space<vmem>>, vector<1x16xf32>,
        %get3A_634 = vector.shape_cast %get3A_633 : vector<1x16xf32> to vector<16xf32>
        %mul3A_635 = arith.mulf %get3A_634, %get3A_630 : vector<16xf32>
        %swap3A = arith.index_cast %scan3A_627 : i32 to index
        %swap3A_636 = arith.constant 0 : index
        %swap3A_637 = tpu.vector_load %arg14[%swap3A, %swap3A_636] {strides = array<i32>} : memref<40x128xf32, #tpu.memory_space<vmem>>, vector<1x16xf32>,
        %swap3A_638 = vector.shape_cast %swap3A_637 : vector<1x16xf32> to vector<16xf32>
        %swap3A_639 = vector.shape_cast %mul3A_635 : vector<16xf32> to vector<1x16xf32>
        tpu.vector_store %arg14[%swap3A, %swap3A_636], %swap3A_639 {strides = array<i32>} : memref<40x128xf32, #tpu.memory_space<vmem>>, vector<1x16xf32>,
        %get3A_640 = arith.index_cast %scan3A_627 : i32 to index
        %get3A_641 = arith.constant 16 : index
        %get3A_642 = tpu.vector_load %arg14[%get3A_640, %get3A_641] {strides = array<i32>} : memref<40x128xf32, #tpu.memory_space<vmem>>, vector<1x16xf32>,
        %get3A_643 = vector.shape_cast %get3A_642 : vector<1x16xf32> to vector<16xf32>
        %mul3A_644 = arith.mulf %get3A_643, %get3A_630 : vector<16xf32>
        %swap3A_645 = arith.index_cast %scan3A_627 : i32 to index
        %swap3A_646 = arith.constant 16 : index
        %swap3A_647 = tpu.vector_load %arg14[%swap3A_645, %swap3A_646] {strides = array<i32>} : memref<40x128xf32, #tpu.memory_space<vmem>>, vector<1x16xf32>,
        %swap3A_648 = vector.shape_cast %swap3A_647 : vector<1x16xf32> to vector<16xf32>
        %swap3A_649 = vector.shape_cast %mul3A_644 : vector<16xf32> to vector<1x16xf32>
        tpu.vector_store %arg14[%swap3A_645, %swap3A_646], %swap3A_649 {strides = array<i32>} : memref<40x128xf32, #tpu.memory_space<vmem>>, vector<1x16xf32>,
        %get3A_650 = arith.index_cast %scan3A_627 : i32 to index
        %get3A_651 = arith.constant 32 : index
        %get3A_652 = tpu.vector_load %arg14[%get3A_650, %get3A_651] {strides = array<i32>} : memref<40x128xf32, #tpu.memory_space<vmem>>, vector<1x16xf32>,
        %get3A_653 = vector.shape_cast %get3A_652 : vector<1x16xf32> to vector<16xf32>
        %mul3A_654 = arith.mulf %get3A_653, %get3A_630 : vector<16xf32>
        %swap3A_655 = arith.index_cast %scan3A_627 : i32 to index
        %swap3A_656 = arith.constant 32 : index
        %swap3A_657 = tpu.vector_load %arg14[%swap3A_655, %swap3A_656] {strides = array<i32>} : memref<40x128xf32, #tpu.memory_space<vmem>>, vector<1x16xf32>,
        %swap3A_658 = vector.shape_cast %swap3A_657 : vector<1x16xf32> to vector<16xf32>
        %swap3A_659 = vector.shape_cast %mul3A_654 : vector<16xf32> to vector<1x16xf32>
        tpu.vector_store %arg14[%swap3A_655, %swap3A_656], %swap3A_659 {strides = array<i32>} : memref<40x128xf32, #tpu.memory_space<vmem>>, vector<1x16xf32>,
        %get3A_660 = arith.index_cast %scan3A_627 : i32 to index
        %get3A_661 = arith.constant 48 : index
        %get3A_662 = tpu.vector_load %arg14[%get3A_660, %get3A_661] {strides = array<i32>} : memref<40x128xf32, #tpu.memory_space<vmem>>, vector<1x16xf32>,
        %get3A_663 = vector.shape_cast %get3A_662 : vector<1x16xf32> to vector<16xf32>
        %mul3A_664 = arith.mulf %get3A_663, %get3A_630 : vector<16xf32>
        %swap3A_665 = arith.index_cast %scan3A_627 : i32 to index
        %swap3A_666 = arith.constant 48 : index
        %swap3A_667 = tpu.vector_load %arg14[%swap3A_665, %swap3A_666] {strides = array<i32>} : memref<40x128xf32, #tpu.memory_space<vmem>>, vector<1x16xf32>,
        %swap3A_668 = vector.shape_cast %swap3A_667 : vector<1x16xf32> to vector<16xf32>
        %swap3A_669 = vector.shape_cast %mul3A_664 : vector<16xf32> to vector<1x16xf32>
        tpu.vector_store %arg14[%swap3A_665, %swap3A_666], %swap3A_669 {strides = array<i32>} : memref<40x128xf32, #tpu.memory_space<vmem>>, vector<1x16xf32>,
        %get3A_670 = arith.index_cast %scan3A_627 : i32 to index
        %get3A_671 = arith.constant 64 : index
        %get3A_672 = tpu.vector_load %arg14[%get3A_670, %get3A_671] {strides = array<i32>} : memref<40x128xf32, #tpu.memory_space<vmem>>, vector<1x16xf32>,
        %get3A_673 = vector.shape_cast %get3A_672 : vector<1x16xf32> to vector<16xf32>
        %mul3A_674 = arith.mulf %get3A_673, %get3A_630 : vector<16xf32>
        %swap3A_675 = arith.index_cast %scan3A_627 : i32 to index
        %swap3A_676 = arith.constant 64 : index
        %swap3A_677 = tpu.vector_load %arg14[%swap3A_675, %swap3A_676] {strides = array<i32>} : memref<40x128xf32, #tpu.memory_space<vmem>>, vector<1x16xf32>,
        %swap3A_678 = vector.shape_cast %swap3A_677 : vector<1x16xf32> to vector<16xf32>
        %swap3A_679 = vector.shape_cast %mul3A_674 : vector<16xf32> to vector<1x16xf32>
        tpu.vector_store %arg14[%swap3A_675, %swap3A_676], %swap3A_679 {strides = array<i32>} : memref<40x128xf32, #tpu.memory_space<vmem>>, vector<1x16xf32>,
        %get3A_680 = arith.index_cast %scan3A_627 : i32 to index
        %get3A_681 = arith.constant 80 : index
        %get3A_682 = tpu.vector_load %arg14[%get3A_680, %get3A_681] {strides = array<i32>} : memref<40x128xf32, #tpu.memory_space<vmem>>, vector<1x16xf32>,
        %get3A_683 = vector.shape_cast %get3A_682 : vector<1x16xf32> to vector<16xf32>
        %mul3A_684 = arith.mulf %get3A_683, %get3A_630 : vector<16xf32>
        %swap3A_685 = arith.index_cast %scan3A_627 : i32 to index
        %swap3A_686 = arith.constant 80 : index
        %swap3A_687 = tpu.vector_load %arg14[%swap3A_685, %swap3A_686] {strides = array<i32>} : memref<40x128xf32, #tpu.memory_space<vmem>>, vector<1x16xf32>,
        %swap3A_688 = vector.shape_cast %swap3A_687 : vector<1x16xf32> to vector<16xf32>
        %swap3A_689 = vector.shape_cast %mul3A_684 : vector<16xf32> to vector<1x16xf32>
        tpu.vector_store %arg14[%swap3A_685, %swap3A_686], %swap3A_689 {strides = array<i32>} : memref<40x128xf32, #tpu.memory_space<vmem>>, vector<1x16xf32>,
        %get3A_690 = arith.index_cast %scan3A_627 : i32 to index
        %get3A_691 = arith.constant 96 : index
        %get3A_692 = tpu.vector_load %arg14[%get3A_690, %get3A_691] {strides = array<i32>} : memref<40x128xf32, #tpu.memory_space<vmem>>, vector<1x16xf32>,
        %get3A_693 = vector.shape_cast %get3A_692 : vector<1x16xf32> to vector<16xf32>
        %mul3A_694 = arith.mulf %get3A_693, %get3A_630 : vector<16xf32>
        %swap3A_695 = arith.index_cast %scan3A_627 : i32 to index
        %swap3A_696 = arith.constant 96 : index
        %swap3A_697 = tpu.vector_load %arg14[%swap3A_695, %swap3A_696] {strides = array<i32>} : memref<40x128xf32, #tpu.memory_space<vmem>>, vector<1x16xf32>,
        %swap3A_698 = vector.shape_cast %swap3A_697 : vector<1x16xf32> to vector<16xf32>
        %swap3A_699 = vector.shape_cast %mul3A_694 : vector<16xf32> to vector<1x16xf32>
        tpu.vector_store %arg14[%swap3A_695, %swap3A_696], %swap3A_699 {strides = array<i32>} : memref<40x128xf32, #tpu.memory_space<vmem>>, vector<1x16xf32>,
        %get3A_700 = arith.index_cast %scan3A_627 : i32 to index
        %get3A_701 = arith.constant 112 : index
        %get3A_702 = tpu.vector_load %arg14[%get3A_700, %get3A_701] {strides = array<i32>} : memref<40x128xf32, #tpu.memory_space<vmem>>, vector<1x16xf32>,
        %get3A_703 = vector.shape_cast %get3A_702 : vector<1x16xf32> to vector<16xf32>
        %mul3A_704 = arith.mulf %get3A_703, %get3A_630 : vector<16xf32>
        %swap3A_705 = arith.index_cast %scan3A_627 : i32 to index
        %swap3A_706 = arith.constant 112 : index
        %swap3A_707 = tpu.vector_load %arg14[%swap3A_705, %swap3A_706] {strides = array<i32>} : memref<40x128xf32, #tpu.memory_space<vmem>>, vector<1x16xf32>,
        %swap3A_708 = vector.shape_cast %swap3A_707 : vector<1x16xf32> to vector<16xf32>
        %swap3A_709 = vector.shape_cast %mul3A_704 : vector<16xf32> to vector<1x16xf32>
        tpu.vector_store %arg14[%swap3A_705, %swap3A_706], %swap3A_709 {strides = array<i32>} : memref<40x128xf32, #tpu.memory_space<vmem>>, vector<1x16xf32>,
      }
      %scan3A_416 = arith.constant 40 : i32
      %dma_start3A_417 = arith.constant 1 : i32
      %dma_start3A_418 = arith.constant 0 : i32
      %dma_start3A_419 = tpu.memref_slice %arg6[%dma_start3A_417, %dma_start3A_418] : memref<2x40xi32, #tpu.memory_space<vmem>> -> memref<1x40xi32, #tpu.memory_space<vmem>>
      %dma_start3A_420 = tpu.memref_squeeze %dma_start3A_419 : memref<1x40xi32, #tpu.memory_space<vmem>> -> memref<40xi32, #tpu.memory_space<vmem>>
      %dma_start3A_421 = arith.constant 0 : i32
      %dma_start3A_422 = arith.constant 0 : i32
      %dma_start3A_423 = tpu.memref_slice %arg18[%dma_start3A_421, %dma_start3A_422] : memref<10000x128xf32, #tpu.memory_space<vmem_shared>> -> memref<10000x128xf32, #tpu.memory_space<vmem_shared>>
      tpu.enqueue_indirect_dma source(%arg14 : memref<40x128xf32, #tpu.memory_space<vmem>>) target(%dma_start3A_423 : memref<10000x128xf32, #tpu.memory_space<vmem_shared>>) offsets(%dma_start3A_420 : memref<40xi32, #tpu.memory_space<vmem>>) semaphore(%arg31 : memref<!tpu.dma_semaphore, #tpu.memory_space<semaphore_mem>>) {add = true}
      %add3A_424 = arith.constant 4 : i32
      %add3A_425 = arith.addi %add3A_397, %add3A_424 : i32
      %sub3A = arith.constant 1 : i32
      %sub3A_426 = arith.subi %add3A_425, %sub3A : i32
      %lt3A_427 = arith.constant 250 : i32
      %lt3A_428 = arith.cmpi slt, %sub3A_426, %lt3A_427 : i32
      %ge3A = arith.constant 4 : i32
      %ge3A_429 = arith.cmpi sge, %sub3A_426, %ge3A : i32
      %and3A = arith.andi %lt3A_428, %ge3A_429 : i1
      %convert_element_type3A_430 = arith.extui %and3A : i1 to i32
      %cond3A_431 = arith.constant 0 : i32
      %cond3A_432 = arith.cmpi ne, %convert_element_type3A_430, %cond3A_431 : i32
      scf.if %cond3A_432 {
        %dma_wait3A_627 = arith.constant 1 : i32
        %dma_wait3A_628 = arith.constant 0 : i32
        %dma_wait3A_629 = tpu.memref_slice %arg9[%dma_wait3A_627, %dma_wait3A_628] : memref<2x40xi32, #tpu.memory_space<vmem>> -> memref<1x40xi32, #tpu.memory_space<vmem>>
        %dma_wait3A_630 = tpu.memref_squeeze %dma_wait3A_629 : memref<1x40xi32, #tpu.memory_space<vmem>> -> memref<40xi32, #tpu.memory_space<vmem>>
        %dma_wait3A_631 = arith.constant 0 : i32
        %dma_wait3A_632 = arith.constant 0 : i32
        %dma_wait3A_633 = tpu.memref_slice %arg18[%dma_wait3A_631, %dma_wait3A_632] : memref<10000x128xf32, #tpu.memory_space<vmem_shared>> -> memref<10000x128xf32, #tpu.memory_space<vmem_shared>>
        tpu.wait_indirect_dma semaphore(%arg34 : memref<!tpu.dma_semaphore, #tpu.memory_space<semaphore_mem>>) src(%arg17 : memref<40x128xf32, #tpu.memory_space<vmem>>) dst(%dma_wait3A_633 : memref<10000x128xf32, #tpu.memory_space<vmem_shared>>)
      } else {
      }
      %lt3A_433 = arith.constant 250 : i32
      %lt3A_434 = arith.cmpi slt, %sub3A_426, %lt3A_433 : i32
      %convert_element_type3A_435 = arith.extui %lt3A_434 : i1 to i32
      %cond3A_436 = arith.constant 0 : i32
      %cond3A_437 = arith.cmpi ne, %convert_element_type3A_435, %cond3A_436 : i32
      scf.if %cond3A_437 {
        %dma_start3A_627 = arith.constant 0 : i32
        %dma_start3A_628 = arith.constant 0 : i32
        %dma_start3A_629 = tpu.memref_slice %arg4[%add3A, %sub3A_426, %dma_start3A_627, %dma_start3A_628] : memref<32x250x2x40xi32, #tpu.memory_space<hbm>> -> memref<1x1x2x40xi32, #tpu.memory_space<hbm>>
        %dma_start3A_630 = tpu.memref_squeeze %dma_start3A_629 : memref<1x1x2x40xi32, #tpu.memory_space<hbm>> -> memref<2x40xi32, #tpu.memory_space<hbm>>
        %dma_start3A_631 = arith.constant 0 : i32
        %dma_start3A_632 = arith.constant 0 : i32
        %dma_start3A_633 = tpu.memref_slice %arg4[%add3A, %sub3A_426, %dma_start3A_631, %dma_start3A_632] : memref<32x250x2x40xi32, #tpu.memory_space<hbm>> -> memref<1x1x2x40xi32, #tpu.memory_space<hbm>>
        %dma_start3A_634 = tpu.memref_squeeze %dma_start3A_633 : memref<1x1x2x40xi32, #tpu.memory_space<hbm>> -> memref<2x40xi32, #tpu.memory_space<hbm>>
        tpu.enqueue_dma source(%dma_start3A_634 : memref<2x40xi32, #tpu.memory_space<hbm>>) target(%arg9 : memref<2x40xi32, #tpu.memory_space<vmem>>) target_semaphore(%arg22 : memref<!tpu.dma_semaphore, #tpu.memory_space<semaphore_mem>>)
      } else {
      }
      %add3A_438 = arith.constant 4 : i32
      %add3A_439 = arith.addi %add3A_397, %add3A_438 : i32
      %sub3A_440 = arith.constant 2 : i32
      %sub3A_441 = arith.subi %add3A_439, %sub3A_440 : i32
      %lt3A_442 = arith.constant 250 : i32
      %lt3A_443 = arith.cmpi slt, %sub3A_441, %lt3A_442 : i32
      %ge3A_444 = arith.constant 2 : i32
      %ge3A_445 = arith.cmpi sge, %sub3A_441, %ge3A_444 : i32
      %and3A_446 = arith.andi %lt3A_443, %ge3A_445 : i1
      %convert_element_type3A_447 = arith.extui %and3A_446 : i1 to i32
      %cond3A_448 = arith.constant 0 : i32
      %cond3A_449 = arith.cmpi ne, %convert_element_type3A_447, %cond3A_448 : i32
      scf.if %cond3A_449 {
        %dma_wait3A_627 = arith.constant 0 : i32
        %dma_wait3A_628 = arith.constant 0 : i32
        %dma_wait3A_629 = arith.constant 0 : i32
        %dma_wait3A_630 = arith.constant 0 : i32
        %dma_wait3A_631 = tpu.memref_slice %arg4[%dma_wait3A_627, %dma_wait3A_628, %dma_wait3A_629, %dma_wait3A_630] : memref<32x250x2x40xi32, #tpu.memory_space<hbm>> -> memref<1x1x2x40xi32, #tpu.memory_space<hbm>>
        %dma_wait3A_632 = tpu.memref_squeeze %dma_wait3A_631 : memref<1x1x2x40xi32, #tpu.memory_space<hbm>> -> memref<2x40xi32, #tpu.memory_space<hbm>>
        %dma_wait3A_633 = arith.constant 0 : i32
        %dma_wait3A_634 = arith.constant 0 : i32
        %dma_wait3A_635 = tpu.memref_slice %arg4[%dma_wait3A_627, %dma_wait3A_628, %dma_wait3A_633, %dma_wait3A_634] : memref<32x250x2x40xi32, #tpu.memory_space<hbm>> -> memref<1x1x2x40xi32, #tpu.memory_space<hbm>>
        %dma_wait3A_636 = tpu.memref_squeeze %dma_wait3A_635 : memref<1x1x2x40xi32, #tpu.memory_space<hbm>> -> memref<2x40xi32, #tpu.memory_space<hbm>>
        tpu.wait_dma2 semaphore(%arg21 : memref<!tpu.dma_semaphore, #tpu.memory_space<semaphore_mem>>) src(%dma_wait3A_636 : memref<2x40xi32, #tpu.memory_space<hbm>>) dst(%arg8 : memref<2x40xi32, #tpu.memory_space<vmem>>)
        %dma_start3A_637 = arith.constant 0 : i32
        %dma_start3A_638 = arith.constant 0 : i32
        %dma_start3A_639 = tpu.memref_slice %arg8[%dma_start3A_637, %dma_start3A_638] : memref<2x40xi32, #tpu.memory_space<vmem>> -> memref<1x40xi32, #tpu.memory_space<vmem>>
        %dma_start3A_640 = tpu.memref_squeeze %dma_start3A_639 : memref<1x40xi32, #tpu.memory_space<vmem>> -> memref<40xi32, #tpu.memory_space<vmem>>
        %dma_start3A_641 = arith.constant 0 : i32
        %dma_start3A_642 = arith.constant 0 : i32
        %dma_start3A_643 = tpu.memref_slice %arg2[%dma_start3A_641, %dma_start3A_642] : memref<10000x128xf32, #tpu.memory_space<hbm>> -> memref<10000x128xf32, #tpu.memory_space<hbm>>
        tpu.enqueue_indirect_dma source(%dma_start3A_643 : memref<10000x128xf32, #tpu.memory_space<hbm>>) target(%arg16 : memref<40x128xf32, #tpu.memory_space<vmem>>) offsets(%dma_start3A_640 : memref<40xi32, #tpu.memory_space<vmem>>) semaphore(%arg25 : memref<!tpu.dma_semaphore, #tpu.memory_space<semaphore_mem>>)
        %mul3A_644 = arith.constant 250 : i32
        %mul3A_645 = arith.muli %add3A, %mul3A_644 : i32
        %add3A_646 = arith.addi %mul3A_645, %sub3A_441 : i32
        %mul3A_647 = arith.constant 40 : i32
        %mul3A_648 = arith.muli %add3A_646, %mul3A_647 : i32
        %dma_start3A_649 = arith.constant 0 : i32
        %dma_start3A_650 = tpu.memref_slice %arg3[%mul3A_648, %dma_start3A_649] : memref<320000x16xf32, #tpu.memory_space<hbm>> -> memref<40x16xf32, #tpu.memory_space<hbm>>
        %dma_start3A_651 = arith.constant 0 : i32
        %dma_start3A_652 = tpu.memref_slice %arg3[%mul3A_648, %dma_start3A_651] : memref<320000x16xf32, #tpu.memory_space<hbm>> -> memref<40x16xf32, #tpu.memory_space<hbm>>
        tpu.enqueue_dma source(%dma_start3A_652 : memref<40x16xf32, #tpu.memory_space<hbm>>) target(%arg12 : memref<40x16xf32, #tpu.memory_space<vmem>>) target_semaphore(%arg29 : memref<!tpu.dma_semaphore, #tpu.memory_space<semaphore_mem>>)
      } else {
      }
      %mul3A_450 = arith.constant 4 : i32
      %mul3A_451 = arith.muli %scan3A_393, %mul3A_450 : i32
      %add3A_452 = arith.constant 1 : i32
      %add3A_453 = arith.addi %mul3A_451, %add3A_452 : i32
      %dma_wait3A_454 = arith.constant 0 : i32
      %dma_wait3A_455 = arith.constant 0 : i32
      %dma_wait3A_456 = tpu.memref_slice %arg7[%dma_wait3A_454, %dma_wait3A_455] : memref<2x40xi32, #tpu.memory_space<vmem>> -> memref<1x40xi32, #tpu.memory_space<vmem>>
      %dma_wait3A_457 = tpu.memref_squeeze %dma_wait3A_456 : memref<1x40xi32, #tpu.memory_space<vmem>> -> memref<40xi32, #tpu.memory_space<vmem>>
      %dma_wait3A_458 = arith.constant 0 : i32
      %dma_wait3A_459 = arith.constant 0 : i32
      %dma_wait3A_460 = tpu.memref_slice %arg2[%dma_wait3A_458, %dma_wait3A_459] : memref<10000x128xf32, #tpu.memory_space<hbm>> -> memref<10000x128xf32, #tpu.memory_space<hbm>>
      tpu.wait_indirect_dma semaphore(%arg24 : memref<!tpu.dma_semaphore, #tpu.memory_space<semaphore_mem>>) src(%dma_wait3A_460 : memref<10000x128xf32, #tpu.memory_space<hbm>>) dst(%arg15 : memref<40x128xf32, #tpu.memory_space<vmem>>)
      %dma_wait3A_461 = arith.constant 0 : i32
      %dma_wait3A_462 = arith.constant 0 : i32
      %dma_wait3A_463 = tpu.memref_slice %arg3[%dma_wait3A_461, %dma_wait3A_462] : memref<320000x16xf32, #tpu.memory_space<hbm>> -> memref<40x16xf32, #tpu.memory_space<hbm>>
      %dma_wait3A_464 = arith.constant 0 : i32
      %dma_wait3A_465 = arith.constant 0 : i32
      %dma_wait3A_466 = tpu.memref_slice %arg3[%dma_wait3A_464, %dma_wait3A_465] : memref<320000x16xf32, #tpu.memory_space<hbm>> -> memref<40x16xf32, #tpu.memory_space<hbm>>
      tpu.wait_dma2 semaphore(%arg28 : memref<!tpu.dma_semaphore, #tpu.memory_space<semaphore_mem>>) src(%dma_wait3A_466 : memref<40x16xf32, #tpu.memory_space<hbm>>) dst(%arg11 : memref<40x16xf32, #tpu.memory_space<vmem>>)
      %scan3A_467 = arith.constant 0 : i32
      %scan3A_468 = arith.constant 0 : i32
      %scan3A_469 = arith.constant 40 : i32
      %scan3A_470 = arith.addi %scan3A_468, %scan3A_469 : i32
      %scan3A_471 = arith.constant 1 : i32
      scf.for %scan3A_627 = %scan3A_468 to %scan3A_470 step %scan3A_471  : i32 {
        %get3A = arith.index_cast %scan3A_627 : i32 to index
        %get3A_628 = arith.constant 0 : index
        %get3A_629 = tpu.vector_load %arg11[%get3A, %get3A_628] {strides = array<i32>} : memref<40x16xf32, #tpu.memory_space<vmem>>, vector<1x16xf32>,
        %get3A_630 = vector.shape_cast %get3A_629 : vector<1x16xf32> to vector<16xf32>
        %get3A_631 = arith.index_cast %scan3A_627 : i32 to index
        %get3A_632 = arith.constant 0 : index
        %get3A_633 = tpu.vector_load %arg15[%get3A_631, %get3A_632] {strides = array<i32>} : memref<40x128xf32, #tpu.memory_space<vmem>>, vector<1x16xf32>,
        %get3A_634 = vector.shape_cast %get3A_633 : vector<1x16xf32> to vector<16xf32>
        %mul3A_635 = arith.mulf %get3A_634, %get3A_630 : vector<16xf32>
        %swap3A = arith.index_cast %scan3A_627 : i32 to index
        %swap3A_636 = arith.constant 0 : index
        %swap3A_637 = tpu.vector_load %arg15[%swap3A, %swap3A_636] {strides = array<i32>} : memref<40x128xf32, #tpu.memory_space<vmem>>, vector<1x16xf32>,
        %swap3A_638 = vector.shape_cast %swap3A_637 : vector<1x16xf32> to vector<16xf32>
        %swap3A_639 = vector.shape_cast %mul3A_635 : vector<16xf32> to vector<1x16xf32>
        tpu.vector_store %arg15[%swap3A, %swap3A_636], %swap3A_639 {strides = array<i32>} : memref<40x128xf32, #tpu.memory_space<vmem>>, vector<1x16xf32>,
        %get3A_640 = arith.index_cast %scan3A_627 : i32 to index
        %get3A_641 = arith.constant 16 : index
        %get3A_642 = tpu.vector_load %arg15[%get3A_640, %get3A_641] {strides = array<i32>} : memref<40x128xf32, #tpu.memory_space<vmem>>, vector<1x16xf32>,
        %get3A_643 = vector.shape_cast %get3A_642 : vector<1x16xf32> to vector<16xf32>
        %mul3A_644 = arith.mulf %get3A_643, %get3A_630 : vector<16xf32>
        %swap3A_645 = arith.index_cast %scan3A_627 : i32 to index
        %swap3A_646 = arith.constant 16 : index
        %swap3A_647 = tpu.vector_load %arg15[%swap3A_645, %swap3A_646] {strides = array<i32>} : memref<40x128xf32, #tpu.memory_space<vmem>>, vector<1x16xf32>,
        %swap3A_648 = vector.shape_cast %swap3A_647 : vector<1x16xf32> to vector<16xf32>
        %swap3A_649 = vector.shape_cast %mul3A_644 : vector<16xf32> to vector<1x16xf32>
        tpu.vector_store %arg15[%swap3A_645, %swap3A_646], %swap3A_649 {strides = array<i32>} : memref<40x128xf32, #tpu.memory_space<vmem>>, vector<1x16xf32>,
        %get3A_650 = arith.index_cast %scan3A_627 : i32 to index
        %get3A_651 = arith.constant 32 : index
        %get3A_652 = tpu.vector_load %arg15[%get3A_650, %get3A_651] {strides = array<i32>} : memref<40x128xf32, #tpu.memory_space<vmem>>, vector<1x16xf32>,
        %get3A_653 = vector.shape_cast %get3A_652 : vector<1x16xf32> to vector<16xf32>
        %mul3A_654 = arith.mulf %get3A_653, %get3A_630 : vector<16xf32>
        %swap3A_655 = arith.index_cast %scan3A_627 : i32 to index
        %swap3A_656 = arith.constant 32 : index
        %swap3A_657 = tpu.vector_load %arg15[%swap3A_655, %swap3A_656] {strides = array<i32>} : memref<40x128xf32, #tpu.memory_space<vmem>>, vector<1x16xf32>,
        %swap3A_658 = vector.shape_cast %swap3A_657 : vector<1x16xf32> to vector<16xf32>
        %swap3A_659 = vector.shape_cast %mul3A_654 : vector<16xf32> to vector<1x16xf32>
        tpu.vector_store %arg15[%swap3A_655, %swap3A_656], %swap3A_659 {strides = array<i32>} : memref<40x128xf32, #tpu.memory_space<vmem>>, vector<1x16xf32>,
        %get3A_660 = arith.index_cast %scan3A_627 : i32 to index
        %get3A_661 = arith.constant 48 : index
        %get3A_662 = tpu.vector_load %arg15[%get3A_660, %get3A_661] {strides = array<i32>} : memref<40x128xf32, #tpu.memory_space<vmem>>, vector<1x16xf32>,
        %get3A_663 = vector.shape_cast %get3A_662 : vector<1x16xf32> to vector<16xf32>
        %mul3A_664 = arith.mulf %get3A_663, %get3A_630 : vector<16xf32>
        %swap3A_665 = arith.index_cast %scan3A_627 : i32 to index
        %swap3A_666 = arith.constant 48 : index
        %swap3A_667 = tpu.vector_load %arg15[%swap3A_665, %swap3A_666] {strides = array<i32>} : memref<40x128xf32, #tpu.memory_space<vmem>>, vector<1x16xf32>,
        %swap3A_668 = vector.shape_cast %swap3A_667 : vector<1x16xf32> to vector<16xf32>
        %swap3A_669 = vector.shape_cast %mul3A_664 : vector<16xf32> to vector<1x16xf32>
        tpu.vector_store %arg15[%swap3A_665, %swap3A_666], %swap3A_669 {strides = array<i32>} : memref<40x128xf32, #tpu.memory_space<vmem>>, vector<1x16xf32>,
        %get3A_670 = arith.index_cast %scan3A_627 : i32 to index
        %get3A_671 = arith.constant 64 : index
        %get3A_672 = tpu.vector_load %arg15[%get3A_670, %get3A_671] {strides = array<i32>} : memref<40x128xf32, #tpu.memory_space<vmem>>, vector<1x16xf32>,
        %get3A_673 = vector.shape_cast %get3A_672 : vector<1x16xf32> to vector<16xf32>
        %mul3A_674 = arith.mulf %get3A_673, %get3A_630 : vector<16xf32>
        %swap3A_675 = arith.index_cast %scan3A_627 : i32 to index
        %swap3A_676 = arith.constant 64 : index
        %swap3A_677 = tpu.vector_load %arg15[%swap3A_675, %swap3A_676] {strides = array<i32>} : memref<40x128xf32, #tpu.memory_space<vmem>>, vector<1x16xf32>,
        %swap3A_678 = vector.shape_cast %swap3A_677 : vector<1x16xf32> to vector<16xf32>
        %swap3A_679 = vector.shape_cast %mul3A_674 : vector<16xf32> to vector<1x16xf32>
        tpu.vector_store %arg15[%swap3A_675, %swap3A_676], %swap3A_679 {strides = array<i32>} : memref<40x128xf32, #tpu.memory_space<vmem>>, vector<1x16xf32>,
        %get3A_680 = arith.index_cast %scan3A_627 : i32 to index
        %get3A_681 = arith.constant 80 : index
        %get3A_682 = tpu.vector_load %arg15[%get3A_680, %get3A_681] {strides = array<i32>} : memref<40x128xf32, #tpu.memory_space<vmem>>, vector<1x16xf32>,
        %get3A_683 = vector.shape_cast %get3A_682 : vector<1x16xf32> to vector<16xf32>
        %mul3A_684 = arith.mulf %get3A_683, %get3A_630 : vector<16xf32>
        %swap3A_685 = arith.index_cast %scan3A_627 : i32 to index
        %swap3A_686 = arith.constant 80 : index
        %swap3A_687 = tpu.vector_load %arg15[%swap3A_685, %swap3A_686] {strides = array<i32>} : memref<40x128xf32, #tpu.memory_space<vmem>>, vector<1x16xf32>,
        %swap3A_688 = vector.shape_cast %swap3A_687 : vector<1x16xf32> to vector<16xf32>
        %swap3A_689 = vector.shape_cast %mul3A_684 : vector<16xf32> to vector<1x16xf32>
        tpu.vector_store %arg15[%swap3A_685, %swap3A_686], %swap3A_689 {strides = array<i32>} : memref<40x128xf32, #tpu.memory_space<vmem>>, vector<1x16xf32>,
        %get3A_690 = arith.index_cast %scan3A_627 : i32 to index
        %get3A_691 = arith.constant 96 : index
        %get3A_692 = tpu.vector_load %arg15[%get3A_690, %get3A_691] {strides = array<i32>} : memref<40x128xf32, #tpu.memory_space<vmem>>, vector<1x16xf32>,
        %get3A_693 = vector.shape_cast %get3A_692 : vector<1x16xf32> to vector<16xf32>
        %mul3A_694 = arith.mulf %get3A_693, %get3A_630 : vector<16xf32>
        %swap3A_695 = arith.index_cast %scan3A_627 : i32 to index
        %swap3A_696 = arith.constant 96 : index
        %swap3A_697 = tpu.vector_load %arg15[%swap3A_695, %swap3A_696] {strides = array<i32>} : memref<40x128xf32, #tpu.memory_space<vmem>>, vector<1x16xf32>,
        %swap3A_698 = vector.shape_cast %swap3A_697 : vector<1x16xf32> to vector<16xf32>
        %swap3A_699 = vector.shape_cast %mul3A_694 : vector<16xf32> to vector<1x16xf32>
        tpu.vector_store %arg15[%swap3A_695, %swap3A_696], %swap3A_699 {strides = array<i32>} : memref<40x128xf32, #tpu.memory_space<vmem>>, vector<1x16xf32>,
        %get3A_700 = arith.index_cast %scan3A_627 : i32 to index
        %get3A_701 = arith.constant 112 : index
        %get3A_702 = tpu.vector_load %arg15[%get3A_700, %get3A_701] {strides = array<i32>} : memref<40x128xf32, #tpu.memory_space<vmem>>, vector<1x16xf32>,
        %get3A_703 = vector.shape_cast %get3A_702 : vector<1x16xf32> to vector<16xf32>
        %mul3A_704 = arith.mulf %get3A_703, %get3A_630 : vector<16xf32>
        %swap3A_705 = arith.index_cast %scan3A_627 : i32 to index
        %swap3A_706 = arith.constant 112 : index
        %swap3A_707 = tpu.vector_load %arg15[%swap3A_705, %swap3A_706] {strides = array<i32>} : memref<40x128xf32, #tpu.memory_space<vmem>>, vector<1x16xf32>,
        %swap3A_708 = vector.shape_cast %swap3A_707 : vector<1x16xf32> to vector<16xf32>
        %swap3A_709 = vector.shape_cast %mul3A_704 : vector<16xf32> to vector<1x16xf32>
        tpu.vector_store %arg15[%swap3A_705, %swap3A_706], %swap3A_709 {strides = array<i32>} : memref<40x128xf32, #tpu.memory_space<vmem>>, vector<1x16xf32>,
      }
      %scan3A_472 = arith.constant 40 : i32
      %dma_start3A_473 = arith.constant 1 : i32
      %dma_start3A_474 = arith.constant 0 : i32
      %dma_start3A_475 = tpu.memref_slice %arg7[%dma_start3A_473, %dma_start3A_474] : memref<2x40xi32, #tpu.memory_space<vmem>> -> memref<1x40xi32, #tpu.memory_space<vmem>>
      %dma_start3A_476 = tpu.memref_squeeze %dma_start3A_475 : memref<1x40xi32, #tpu.memory_space<vmem>> -> memref<40xi32, #tpu.memory_space<vmem>>
      %dma_start3A_477 = arith.constant 0 : i32
      %dma_start3A_478 = arith.constant 0 : i32
      %dma_start3A_479 = tpu.memref_slice %arg18[%dma_start3A_477, %dma_start3A_478] : memref<10000x128xf32, #tpu.memory_space<vmem_shared>> -> memref<10000x128xf32, #tpu.memory_space<vmem_shared>>
      tpu.enqueue_indirect_dma source(%arg15 : memref<40x128xf32, #tpu.memory_space<vmem>>) target(%dma_start3A_479 : memref<10000x128xf32, #tpu.memory_space<vmem_shared>>) offsets(%dma_start3A_476 : memref<40xi32, #tpu.memory_space<vmem>>) semaphore(%arg32 : memref<!tpu.dma_semaphore, #tpu.memory_space<semaphore_mem>>) {add = true}
      %add3A_480 = arith.constant 4 : i32
      %add3A_481 = arith.addi %add3A_453, %add3A_480 : i32
      %sub3A_482 = arith.constant 1 : i32
      %sub3A_483 = arith.subi %add3A_481, %sub3A_482 : i32
      %lt3A_484 = arith.constant 250 : i32
      %lt3A_485 = arith.cmpi slt, %sub3A_483, %lt3A_484 : i32
      %ge3A_486 = arith.constant 4 : i32
      %ge3A_487 = arith.cmpi sge, %sub3A_483, %ge3A_486 : i32
      %and3A_488 = arith.andi %lt3A_485, %ge3A_487 : i1
      %convert_element_type3A_489 = arith.extui %and3A_488 : i1 to i32
      %cond3A_490 = arith.constant 0 : i32
      %cond3A_491 = arith.cmpi ne, %convert_element_type3A_489, %cond3A_490 : i32
      scf.if %cond3A_491 {
        %dma_wait3A_627 = arith.constant 1 : i32
        %dma_wait3A_628 = arith.constant 0 : i32
        %dma_wait3A_629 = tpu.memref_slice %arg6[%dma_wait3A_627, %dma_wait3A_628] : memref<2x40xi32, #tpu.memory_space<vmem>> -> memref<1x40xi32, #tpu.memory_space<vmem>>
        %dma_wait3A_630 = tpu.memref_squeeze %dma_wait3A_629 : memref<1x40xi32, #tpu.memory_space<vmem>> -> memref<40xi32, #tpu.memory_space<vmem>>
        %dma_wait3A_631 = arith.constant 0 : i32
        %dma_wait3A_632 = arith.constant 0 : i32
        %dma_wait3A_633 = tpu.memref_slice %arg18[%dma_wait3A_631, %dma_wait3A_632] : memref<10000x128xf32, #tpu.memory_space<vmem_shared>> -> memref<10000x128xf32, #tpu.memory_space<vmem_shared>>
        tpu.wait_indirect_dma semaphore(%arg31 : memref<!tpu.dma_semaphore, #tpu.memory_space<semaphore_mem>>) src(%arg14 : memref<40x128xf32, #tpu.memory_space<vmem>>) dst(%dma_wait3A_633 : memref<10000x128xf32, #tpu.memory_space<vmem_shared>>)
      } else {
      }
      %lt3A_492 = arith.constant 250 : i32
      %lt3A_493 = arith.cmpi slt, %sub3A_483, %lt3A_492 : i32
      %convert_element_type3A_494 = arith.extui %lt3A_493 : i1 to i32
      %cond3A_495 = arith.constant 0 : i32
      %cond3A_496 = arith.cmpi ne, %convert_element_type3A_494, %cond3A_495 : i32
      scf.if %cond3A_496 {
        %dma_start3A_627 = arith.constant 0 : i32
        %dma_start3A_628 = arith.constant 0 : i32
        %dma_start3A_629 = tpu.memref_slice %arg4[%add3A, %sub3A_483, %dma_start3A_627, %dma_start3A_628] : memref<32x250x2x40xi32, #tpu.memory_space<hbm>> -> memref<1x1x2x40xi32, #tpu.memory_space<hbm>>
        %dma_start3A_630 = tpu.memref_squeeze %dma_start3A_629 : memref<1x1x2x40xi32, #tpu.memory_space<hbm>> -> memref<2x40xi32, #tpu.memory_space<hbm>>
        %dma_start3A_631 = arith.constant 0 : i32
        %dma_start3A_632 = arith.constant 0 : i32
        %dma_start3A_633 = tpu.memref_slice %arg4[%add3A, %sub3A_483, %dma_start3A_631, %dma_start3A_632] : memref<32x250x2x40xi32, #tpu.memory_space<hbm>> -> memref<1x1x2x40xi32, #tpu.memory_space<hbm>>
        %dma_start3A_634 = tpu.memref_squeeze %dma_start3A_633 : memref<1x1x2x40xi32, #tpu.memory_space<hbm>> -> memref<2x40xi32, #tpu.memory_space<hbm>>
        tpu.enqueue_dma source(%dma_start3A_634 : memref<2x40xi32, #tpu.memory_space<hbm>>) target(%arg6 : memref<2x40xi32, #tpu.memory_space<vmem>>) target_semaphore(%arg19 : memref<!tpu.dma_semaphore, #tpu.memory_space<semaphore_mem>>)
      } else {
      }
      %add3A_497 = arith.constant 4 : i32
      %add3A_498 = arith.addi %add3A_453, %add3A_497 : i32
      %sub3A_499 = arith.constant 2 : i32
      %sub3A_500 = arith.subi %add3A_498, %sub3A_499 : i32
      %lt3A_501 = arith.constant 250 : i32
      %lt3A_502 = arith.cmpi slt, %sub3A_500, %lt3A_501 : i32
      %ge3A_503 = arith.constant 2 : i32
      %ge3A_504 = arith.cmpi sge, %sub3A_500, %ge3A_503 : i32
      %and3A_505 = arith.andi %lt3A_502, %ge3A_504 : i1
      %convert_element_type3A_506 = arith.extui %and3A_505 : i1 to i32
      %cond3A_507 = arith.constant 0 : i32
      %cond3A_508 = arith.cmpi ne, %convert_element_type3A_506, %cond3A_507 : i32
      scf.if %cond3A_508 {
        %dma_wait3A_627 = arith.constant 0 : i32
        %dma_wait3A_628 = arith.constant 0 : i32
        %dma_wait3A_629 = arith.constant 0 : i32
        %dma_wait3A_630 = arith.constant 0 : i32
        %dma_wait3A_631 = tpu.memref_slice %arg4[%dma_wait3A_627, %dma_wait3A_628, %dma_wait3A_629, %dma_wait3A_630] : memref<32x250x2x40xi32, #tpu.memory_space<hbm>> -> memref<1x1x2x40xi32, #tpu.memory_space<hbm>>
        %dma_wait3A_632 = tpu.memref_squeeze %dma_wait3A_631 : memref<1x1x2x40xi32, #tpu.memory_space<hbm>> -> memref<2x40xi32, #tpu.memory_space<hbm>>
        %dma_wait3A_633 = arith.constant 0 : i32
        %dma_wait3A_634 = arith.constant 0 : i32
        %dma_wait3A_635 = tpu.memref_slice %arg4[%dma_wait3A_627, %dma_wait3A_628, %dma_wait3A_633, %dma_wait3A_634] : memref<32x250x2x40xi32, #tpu.memory_space<hbm>> -> memref<1x1x2x40xi32, #tpu.memory_space<hbm>>
        %dma_wait3A_636 = tpu.memref_squeeze %dma_wait3A_635 : memref<1x1x2x40xi32, #tpu.memory_space<hbm>> -> memref<2x40xi32, #tpu.memory_space<hbm>>
        tpu.wait_dma2 semaphore(%arg22 : memref<!tpu.dma_semaphore, #tpu.memory_space<semaphore_mem>>) src(%dma_wait3A_636 : memref<2x40xi32, #tpu.memory_space<hbm>>) dst(%arg9 : memref<2x40xi32, #tpu.memory_space<vmem>>)
        %dma_start3A_637 = arith.constant 0 : i32
        %dma_start3A_638 = arith.constant 0 : i32
        %dma_start3A_639 = tpu.memref_slice %arg9[%dma_start3A_637, %dma_start3A_638] : memref<2x40xi32, #tpu.memory_space<vmem>> -> memref<1x40xi32, #tpu.memory_space<vmem>>
        %dma_start3A_640 = tpu.memref_squeeze %dma_start3A_639 : memref<1x40xi32, #tpu.memory_space<vmem>> -> memref<40xi32, #tpu.memory_space<vmem>>
        %dma_start3A_641 = arith.constant 0 : i32
        %dma_start3A_642 = arith.constant 0 : i32
        %dma_start3A_643 = tpu.memref_slice %arg2[%dma_start3A_641, %dma_start3A_642] : memref<10000x128xf32, #tpu.memory_space<hbm>> -> memref<10000x128xf32, #tpu.memory_space<hbm>>
        tpu.enqueue_indirect_dma source(%dma_start3A_643 : memref<10000x128xf32, #tpu.memory_space<hbm>>) target(%arg17 : memref<40x128xf32, #tpu.memory_space<vmem>>) offsets(%dma_start3A_640 : memref<40xi32, #tpu.memory_space<vmem>>) semaphore(%arg26 : memref<!tpu.dma_semaphore, #tpu.memory_space<semaphore_mem>>)
        %mul3A_644 = arith.constant 250 : i32
        %mul3A_645 = arith.muli %add3A, %mul3A_644 : i32
        %add3A_646 = arith.addi %mul3A_645, %sub3A_500 : i32
        %mul3A_647 = arith.constant 40 : i32
        %mul3A_648 = arith.muli %add3A_646, %mul3A_647 : i32
        %dma_start3A_649 = arith.constant 0 : i32
        %dma_start3A_650 = tpu.memref_slice %arg3[%mul3A_648, %dma_start3A_649] : memref<320000x16xf32, #tpu.memory_space<hbm>> -> memref<40x16xf32, #tpu.memory_space<hbm>>
        %dma_start3A_651 = arith.constant 0 : i32
        %dma_start3A_652 = tpu.memref_slice %arg3[%mul3A_648, %dma_start3A_651] : memref<320000x16xf32, #tpu.memory_space<hbm>> -> memref<40x16xf32, #tpu.memory_space<hbm>>
        tpu.enqueue_dma source(%dma_start3A_652 : memref<40x16xf32, #tpu.memory_space<hbm>>) target(%arg13 : memref<40x16xf32, #tpu.memory_space<vmem>>) target_semaphore(%arg30 : memref<!tpu.dma_semaphore, #tpu.memory_space<semaphore_mem>>)
      } else {
      }
      %mul3A_509 = arith.constant 4 : i32
      %mul3A_510 = arith.muli %scan3A_393, %mul3A_509 : i32
      %add3A_511 = arith.constant 2 : i32
      %add3A_512 = arith.addi %mul3A_510, %add3A_511 : i32
      %dma_wait3A_513 = arith.constant 0 : i32
      %dma_wait3A_514 = arith.constant 0 : i32
      %dma_wait3A_515 = tpu.memref_slice %arg8[%dma_wait3A_513, %dma_wait3A_514] : memref<2x40xi32, #tpu.memory_space<vmem>> -> memref<1x40xi32, #tpu.memory_space<vmem>>
      %dma_wait3A_516 = tpu.memref_squeeze %dma_wait3A_515 : memref<1x40xi32, #tpu.memory_space<vmem>> -> memref<40xi32, #tpu.memory_space<vmem>>
      %dma_wait3A_517 = arith.constant 0 : i32
      %dma_wait3A_518 = arith.constant 0 : i32
      %dma_wait3A_519 = tpu.memref_slice %arg2[%dma_wait3A_517, %dma_wait3A_518] : memref<10000x128xf32, #tpu.memory_space<hbm>> -> memref<10000x128xf32, #tpu.memory_space<hbm>>
      tpu.wait_indirect_dma semaphore(%arg25 : memref<!tpu.dma_semaphore, #tpu.memory_space<semaphore_mem>>) src(%dma_wait3A_519 : memref<10000x128xf32, #tpu.memory_space<hbm>>) dst(%arg16 : memref<40x128xf32, #tpu.memory_space<vmem>>)
      %dma_wait3A_520 = arith.constant 0 : i32
      %dma_wait3A_521 = arith.constant 0 : i32
      %dma_wait3A_522 = tpu.memref_slice %arg3[%dma_wait3A_520, %dma_wait3A_521] : memref<320000x16xf32, #tpu.memory_space<hbm>> -> memref<40x16xf32, #tpu.memory_space<hbm>>
      %dma_wait3A_523 = arith.constant 0 : i32
      %dma_wait3A_524 = arith.constant 0 : i32
      %dma_wait3A_525 = tpu.memref_slice %arg3[%dma_wait3A_523, %dma_wait3A_524] : memref<320000x16xf32, #tpu.memory_space<hbm>> -> memref<40x16xf32, #tpu.memory_space<hbm>>
      tpu.wait_dma2 semaphore(%arg29 : memref<!tpu.dma_semaphore, #tpu.memory_space<semaphore_mem>>) src(%dma_wait3A_525 : memref<40x16xf32, #tpu.memory_space<hbm>>) dst(%arg12 : memref<40x16xf32, #tpu.memory_space<vmem>>)
      %scan3A_526 = arith.constant 0 : i32
      %scan3A_527 = arith.constant 0 : i32
      %scan3A_528 = arith.constant 40 : i32
      %scan3A_529 = arith.addi %scan3A_527, %scan3A_528 : i32
      %scan3A_530 = arith.constant 1 : i32
      scf.for %scan3A_627 = %scan3A_527 to %scan3A_529 step %scan3A_530  : i32 {
        %get3A = arith.index_cast %scan3A_627 : i32 to index
        %get3A_628 = arith.constant 0 : index
        %get3A_629 = tpu.vector_load %arg12[%get3A, %get3A_628] {strides = array<i32>} : memref<40x16xf32, #tpu.memory_space<vmem>>, vector<1x16xf32>,
        %get3A_630 = vector.shape_cast %get3A_629 : vector<1x16xf32> to vector<16xf32>
        %get3A_631 = arith.index_cast %scan3A_627 : i32 to index
        %get3A_632 = arith.constant 0 : index
        %get3A_633 = tpu.vector_load %arg16[%get3A_631, %get3A_632] {strides = array<i32>} : memref<40x128xf32, #tpu.memory_space<vmem>>, vector<1x16xf32>,
        %get3A_634 = vector.shape_cast %get3A_633 : vector<1x16xf32> to vector<16xf32>
        %mul3A_635 = arith.mulf %get3A_634, %get3A_630 : vector<16xf32>
        %swap3A = arith.index_cast %scan3A_627 : i32 to index
        %swap3A_636 = arith.constant 0 : index
        %swap3A_637 = tpu.vector_load %arg16[%swap3A, %swap3A_636] {strides = array<i32>} : memref<40x128xf32, #tpu.memory_space<vmem>>, vector<1x16xf32>,
        %swap3A_638 = vector.shape_cast %swap3A_637 : vector<1x16xf32> to vector<16xf32>
        %swap3A_639 = vector.shape_cast %mul3A_635 : vector<16xf32> to vector<1x16xf32>
        tpu.vector_store %arg16[%swap3A, %swap3A_636], %swap3A_639 {strides = array<i32>} : memref<40x128xf32, #tpu.memory_space<vmem>>, vector<1x16xf32>,
        %get3A_640 = arith.index_cast %scan3A_627 : i32 to index
        %get3A_641 = arith.constant 16 : index
        %get3A_642 = tpu.vector_load %arg16[%get3A_640, %get3A_641] {strides = array<i32>} : memref<40x128xf32, #tpu.memory_space<vmem>>, vector<1x16xf32>,
        %get3A_643 = vector.shape_cast %get3A_642 : vector<1x16xf32> to vector<16xf32>
        %mul3A_644 = arith.mulf %get3A_643, %get3A_630 : vector<16xf32>
        %swap3A_645 = arith.index_cast %scan3A_627 : i32 to index
        %swap3A_646 = arith.constant 16 : index
        %swap3A_647 = tpu.vector_load %arg16[%swap3A_645, %swap3A_646] {strides = array<i32>} : memref<40x128xf32, #tpu.memory_space<vmem>>, vector<1x16xf32>,
        %swap3A_648 = vector.shape_cast %swap3A_647 : vector<1x16xf32> to vector<16xf32>
        %swap3A_649 = vector.shape_cast %mul3A_644 : vector<16xf32> to vector<1x16xf32>
        tpu.vector_store %arg16[%swap3A_645, %swap3A_646], %swap3A_649 {strides = array<i32>} : memref<40x128xf32, #tpu.memory_space<vmem>>, vector<1x16xf32>,
        %get3A_650 = arith.index_cast %scan3A_627 : i32 to index
        %get3A_651 = arith.constant 32 : index
        %get3A_652 = tpu.vector_load %arg16[%get3A_650, %get3A_651] {strides = array<i32>} : memref<40x128xf32, #tpu.memory_space<vmem>>, vector<1x16xf32>,
        %get3A_653 = vector.shape_cast %get3A_652 : vector<1x16xf32> to vector<16xf32>
        %mul3A_654 = arith.mulf %get3A_653, %get3A_630 : vector<16xf32>
        %swap3A_655 = arith.index_cast %scan3A_627 : i32 to index
        %swap3A_656 = arith.constant 32 : index
        %swap3A_657 = tpu.vector_load %arg16[%swap3A_655, %swap3A_656] {strides = array<i32>} : memref<40x128xf32, #tpu.memory_space<vmem>>, vector<1x16xf32>,
        %swap3A_658 = vector.shape_cast %swap3A_657 : vector<1x16xf32> to vector<16xf32>
        %swap3A_659 = vector.shape_cast %mul3A_654 : vector<16xf32> to vector<1x16xf32>
        tpu.vector_store %arg16[%swap3A_655, %swap3A_656], %swap3A_659 {strides = array<i32>} : memref<40x128xf32, #tpu.memory_space<vmem>>, vector<1x16xf32>,
        %get3A_660 = arith.index_cast %scan3A_627 : i32 to index
        %get3A_661 = arith.constant 48 : index
        %get3A_662 = tpu.vector_load %arg16[%get3A_660, %get3A_661] {strides = array<i32>} : memref<40x128xf32, #tpu.memory_space<vmem>>, vector<1x16xf32>,
        %get3A_663 = vector.shape_cast %get3A_662 : vector<1x16xf32> to vector<16xf32>
        %mul3A_664 = arith.mulf %get3A_663, %get3A_630 : vector<16xf32>
        %swap3A_665 = arith.index_cast %scan3A_627 : i32 to index
        %swap3A_666 = arith.constant 48 : index
        %swap3A_667 = tpu.vector_load %arg16[%swap3A_665, %swap3A_666] {strides = array<i32>} : memref<40x128xf32, #tpu.memory_space<vmem>>, vector<1x16xf32>,
        %swap3A_668 = vector.shape_cast %swap3A_667 : vector<1x16xf32> to vector<16xf32>
        %swap3A_669 = vector.shape_cast %mul3A_664 : vector<16xf32> to vector<1x16xf32>
        tpu.vector_store %arg16[%swap3A_665, %swap3A_666], %swap3A_669 {strides = array<i32>} : memref<40x128xf32, #tpu.memory_space<vmem>>, vector<1x16xf32>,
        %get3A_670 = arith.index_cast %scan3A_627 : i32 to index
        %get3A_671 = arith.constant 64 : index
        %get3A_672 = tpu.vector_load %arg16[%get3A_670, %get3A_671] {strides = array<i32>} : memref<40x128xf32, #tpu.memory_space<vmem>>, vector<1x16xf32>,
        %get3A_673 = vector.shape_cast %get3A_672 : vector<1x16xf32> to vector<16xf32>
        %mul3A_674 = arith.mulf %get3A_673, %get3A_630 : vector<16xf32>
        %swap3A_675 = arith.index_cast %scan3A_627 : i32 to index
        %swap3A_676 = arith.constant 64 : index
        %swap3A_677 = tpu.vector_load %arg16[%swap3A_675, %swap3A_676] {strides = array<i32>} : memref<40x128xf32, #tpu.memory_space<vmem>>, vector<1x16xf32>,
        %swap3A_678 = vector.shape_cast %swap3A_677 : vector<1x16xf32> to vector<16xf32>
        %swap3A_679 = vector.shape_cast %mul3A_674 : vector<16xf32> to vector<1x16xf32>
        tpu.vector_store %arg16[%swap3A_675, %swap3A_676], %swap3A_679 {strides = array<i32>} : memref<40x128xf32, #tpu.memory_space<vmem>>, vector<1x16xf32>,
        %get3A_680 = arith.index_cast %scan3A_627 : i32 to index
        %get3A_681 = arith.constant 80 : index
        %get3A_682 = tpu.vector_load %arg16[%get3A_680, %get3A_681] {strides = array<i32>} : memref<40x128xf32, #tpu.memory_space<vmem>>, vector<1x16xf32>,
        %get3A_683 = vector.shape_cast %get3A_682 : vector<1x16xf32> to vector<16xf32>
        %mul3A_684 = arith.mulf %get3A_683, %get3A_630 : vector<16xf32>
        %swap3A_685 = arith.index_cast %scan3A_627 : i32 to index
        %swap3A_686 = arith.constant 80 : index
        %swap3A_687 = tpu.vector_load %arg16[%swap3A_685, %swap3A_686] {strides = array<i32>} : memref<40x128xf32, #tpu.memory_space<vmem>>, vector<1x16xf32>,
        %swap3A_688 = vector.shape_cast %swap3A_687 : vector<1x16xf32> to vector<16xf32>
        %swap3A_689 = vector.shape_cast %mul3A_684 : vector<16xf32> to vector<1x16xf32>
        tpu.vector_store %arg16[%swap3A_685, %swap3A_686], %swap3A_689 {strides = array<i32>} : memref<40x128xf32, #tpu.memory_space<vmem>>, vector<1x16xf32>,
        %get3A_690 = arith.index_cast %scan3A_627 : i32 to index
        %get3A_691 = arith.constant 96 : index
        %get3A_692 = tpu.vector_load %arg16[%get3A_690, %get3A_691] {strides = array<i32>} : memref<40x128xf32, #tpu.memory_space<vmem>>, vector<1x16xf32>,
        %get3A_693 = vector.shape_cast %get3A_692 : vector<1x16xf32> to vector<16xf32>
        %mul3A_694 = arith.mulf %get3A_693, %get3A_630 : vector<16xf32>
        %swap3A_695 = arith.index_cast %scan3A_627 : i32 to index
        %swap3A_696 = arith.constant 96 : index
        %swap3A_697 = tpu.vector_load %arg16[%swap3A_695, %swap3A_696] {strides = array<i32>} : memref<40x128xf32, #tpu.memory_space<vmem>>, vector<1x16xf32>,
        %swap3A_698 = vector.shape_cast %swap3A_697 : vector<1x16xf32> to vector<16xf32>
        %swap3A_699 = vector.shape_cast %mul3A_694 : vector<16xf32> to vector<1x16xf32>
        tpu.vector_store %arg16[%swap3A_695, %swap3A_696], %swap3A_699 {strides = array<i32>} : memref<40x128xf32, #tpu.memory_space<vmem>>, vector<1x16xf32>,
        %get3A_700 = arith.index_cast %scan3A_627 : i32 to index
        %get3A_701 = arith.constant 112 : index
        %get3A_702 = tpu.vector_load %arg16[%get3A_700, %get3A_701] {strides = array<i32>} : memref<40x128xf32, #tpu.memory_space<vmem>>, vector<1x16xf32>,
        %get3A_703 = vector.shape_cast %get3A_702 : vector<1x16xf32> to vector<16xf32>
        %mul3A_704 = arith.mulf %get3A_703, %get3A_630 : vector<16xf32>
        %swap3A_705 = arith.index_cast %scan3A_627 : i32 to index
        %swap3A_706 = arith.constant 112 : index
        %swap3A_707 = tpu.vector_load %arg16[%swap3A_705, %swap3A_706] {strides = array<i32>} : memref<40x128xf32, #tpu.memory_space<vmem>>, vector<1x16xf32>,
        %swap3A_708 = vector.shape_cast %swap3A_707 : vector<1x16xf32> to vector<16xf32>
        %swap3A_709 = vector.shape_cast %mul3A_704 : vector<16xf32> to vector<1x16xf32>
        tpu.vector_store %arg16[%swap3A_705, %swap3A_706], %swap3A_709 {strides = array<i32>} : memref<40x128xf32, #tpu.memory_space<vmem>>, vector<1x16xf32>,
      }
      %scan3A_531 = arith.constant 40 : i32
      %dma_start3A_532 = arith.constant 1 : i32
      %dma_start3A_533 = arith.constant 0 : i32
      %dma_start3A_534 = tpu.memref_slice %arg8[%dma_start3A_532, %dma_start3A_533] : memref<2x40xi32, #tpu.memory_space<vmem>> -> memref<1x40xi32, #tpu.memory_space<vmem>>
      %dma_start3A_535 = tpu.memref_squeeze %dma_start3A_534 : memref<1x40xi32, #tpu.memory_space<vmem>> -> memref<40xi32, #tpu.memory_space<vmem>>
      %dma_start3A_536 = arith.constant 0 : i32
      %dma_start3A_537 = arith.constant 0 : i32
      %dma_start3A_538 = tpu.memref_slice %arg18[%dma_start3A_536, %dma_start3A_537] : memref<10000x128xf32, #tpu.memory_space<vmem_shared>> -> memref<10000x128xf32, #tpu.memory_space<vmem_shared>>
      tpu.enqueue_indirect_dma source(%arg16 : memref<40x128xf32, #tpu.memory_space<vmem>>) target(%dma_start3A_538 : memref<10000x128xf32, #tpu.memory_space<vmem_shared>>) offsets(%dma_start3A_535 : memref<40xi32, #tpu.memory_space<vmem>>) semaphore(%arg33 : memref<!tpu.dma_semaphore, #tpu.memory_space<semaphore_mem>>) {add = true}
      %add3A_539 = arith.constant 4 : i32
      %add3A_540 = arith.addi %add3A_512, %add3A_539 : i32
      %sub3A_541 = arith.constant 1 : i32
      %sub3A_542 = arith.subi %add3A_540, %sub3A_541 : i32
      %lt3A_543 = arith.constant 250 : i32
      %lt3A_544 = arith.cmpi slt, %sub3A_542, %lt3A_543 : i32
      %ge3A_545 = arith.constant 4 : i32
      %ge3A_546 = arith.cmpi sge, %sub3A_542, %ge3A_545 : i32
      %and3A_547 = arith.andi %lt3A_544, %ge3A_546 : i1
      %convert_element_type3A_548 = arith.extui %and3A_547 : i1 to i32
      %cond3A_549 = arith.constant 0 : i32
      %cond3A_550 = arith.cmpi ne, %convert_element_type3A_548, %cond3A_549 : i32
      scf.if %cond3A_550 {
        %dma_wait3A_627 = arith.constant 1 : i32
        %dma_wait3A_628 = arith.constant 0 : i32
        %dma_wait3A_629 = tpu.memref_slice %arg7[%dma_wait3A_627, %dma_wait3A_628] : memref<2x40xi32, #tpu.memory_space<vmem>> -> memref<1x40xi32, #tpu.memory_space<vmem>>
        %dma_wait3A_630 = tpu.memref_squeeze %dma_wait3A_629 : memref<1x40xi32, #tpu.memory_space<vmem>> -> memref<40xi32, #tpu.memory_space<vmem>>
        %dma_wait3A_631 = arith.constant 0 : i32
        %dma_wait3A_632 = arith.constant 0 : i32
        %dma_wait3A_633 = tpu.memref_slice %arg18[%dma_wait3A_631, %dma_wait3A_632] : memref<10000x128xf32, #tpu.memory_space<vmem_shared>> -> memref<10000x128xf32, #tpu.memory_space<vmem_shared>>
        tpu.wait_indirect_dma semaphore(%arg32 : memref<!tpu.dma_semaphore, #tpu.memory_space<semaphore_mem>>) src(%arg15 : memref<40x128xf32, #tpu.memory_space<vmem>>) dst(%dma_wait3A_633 : memref<10000x128xf32, #tpu.memory_space<vmem_shared>>)
      } else {
      }
      %lt3A_551 = arith.constant 250 : i32
      %lt3A_552 = arith.cmpi slt, %sub3A_542, %lt3A_551 : i32
      %convert_element_type3A_553 = arith.extui %lt3A_552 : i1 to i32
      %cond3A_554 = arith.constant 0 : i32
      %cond3A_555 = arith.cmpi ne, %convert_element_type3A_553, %cond3A_554 : i32
      scf.if %cond3A_555 {
        %dma_start3A_627 = arith.constant 0 : i32
        %dma_start3A_628 = arith.constant 0 : i32
        %dma_start3A_629 = tpu.memref_slice %arg4[%add3A, %sub3A_542, %dma_start3A_627, %dma_start3A_628] : memref<32x250x2x40xi32, #tpu.memory_space<hbm>> -> memref<1x1x2x40xi32, #tpu.memory_space<hbm>>
        %dma_start3A_630 = tpu.memref_squeeze %dma_start3A_629 : memref<1x1x2x40xi32, #tpu.memory_space<hbm>> -> memref<2x40xi32, #tpu.memory_space<hbm>>
        %dma_start3A_631 = arith.constant 0 : i32
        %dma_start3A_632 = arith.constant 0 : i32
        %dma_start3A_633 = tpu.memref_slice %arg4[%add3A, %sub3A_542, %dma_start3A_631, %dma_start3A_632] : memref<32x250x2x40xi32, #tpu.memory_space<hbm>> -> memref<1x1x2x40xi32, #tpu.memory_space<hbm>>
        %dma_start3A_634 = tpu.memref_squeeze %dma_start3A_633 : memref<1x1x2x40xi32, #tpu.memory_space<hbm>> -> memref<2x40xi32, #tpu.memory_space<hbm>>
        tpu.enqueue_dma source(%dma_start3A_634 : memref<2x40xi32, #tpu.memory_space<hbm>>) target(%arg7 : memref<2x40xi32, #tpu.memory_space<vmem>>) target_semaphore(%arg20 : memref<!tpu.dma_semaphore, #tpu.memory_space<semaphore_mem>>)
      } else {
      }
      %add3A_556 = arith.constant 4 : i32
      %add3A_557 = arith.addi %add3A_512, %add3A_556 : i32
      %sub3A_558 = arith.constant 2 : i32
      %sub3A_559 = arith.subi %add3A_557, %sub3A_558 : i32
      %lt3A_560 = arith.constant 250 : i32
      %lt3A_561 = arith.cmpi slt, %sub3A_559, %lt3A_560 : i32
      %ge3A_562 = arith.constant 2 : i32
      %ge3A_563 = arith.cmpi sge, %sub3A_559, %ge3A_562 : i32
      %and3A_564 = arith.andi %lt3A_561, %ge3A_563 : i1
      %convert_element_type3A_565 = arith.extui %and3A_564 : i1 to i32
      %cond3A_566 = arith.constant 0 : i32
      %cond3A_567 = arith.cmpi ne, %convert_element_type3A_565, %cond3A_566 : i32
      scf.if %cond3A_567 {
        %dma_wait3A_627 = arith.constant 0 : i32
        %dma_wait3A_628 = arith.constant 0 : i32
        %dma_wait3A_629 = arith.constant 0 : i32
        %dma_wait3A_630 = arith.constant 0 : i32
        %dma_wait3A_631 = tpu.memref_slice %arg4[%dma_wait3A_627, %dma_wait3A_628, %dma_wait3A_629, %dma_wait3A_630] : memref<32x250x2x40xi32, #tpu.memory_space<hbm>> -> memref<1x1x2x40xi32, #tpu.memory_space<hbm>>
        %dma_wait3A_632 = tpu.memref_squeeze %dma_wait3A_631 : memref<1x1x2x40xi32, #tpu.memory_space<hbm>> -> memref<2x40xi32, #tpu.memory_space<hbm>>
        %dma_wait3A_633 = arith.constant 0 : i32
        %dma_wait3A_634 = arith.constant 0 : i32
        %dma_wait3A_635 = tpu.memref_slice %arg4[%dma_wait3A_627, %dma_wait3A_628, %dma_wait3A_633, %dma_wait3A_634] : memref<32x250x2x40xi32, #tpu.memory_space<hbm>> -> memref<1x1x2x40xi32, #tpu.memory_space<hbm>>
        %dma_wait3A_636 = tpu.memref_squeeze %dma_wait3A_635 : memref<1x1x2x40xi32, #tpu.memory_space<hbm>> -> memref<2x40xi32, #tpu.memory_space<hbm>>
        tpu.wait_dma2 semaphore(%arg19 : memref<!tpu.dma_semaphore, #tpu.memory_space<semaphore_mem>>) src(%dma_wait3A_636 : memref<2x40xi32, #tpu.memory_space<hbm>>) dst(%arg6 : memref<2x40xi32, #tpu.memory_space<vmem>>)
        %dma_start3A_637 = arith.constant 0 : i32
        %dma_start3A_638 = arith.constant 0 : i32
        %dma_start3A_639 = tpu.memref_slice %arg6[%dma_start3A_637, %dma_start3A_638] : memref<2x40xi32, #tpu.memory_space<vmem>> -> memref<1x40xi32, #tpu.memory_space<vmem>>
        %dma_start3A_640 = tpu.memref_squeeze %dma_start3A_639 : memref<1x40xi32, #tpu.memory_space<vmem>> -> memref<40xi32, #tpu.memory_space<vmem>>
        %dma_start3A_641 = arith.constant 0 : i32
        %dma_start3A_642 = arith.constant 0 : i32
        %dma_start3A_643 = tpu.memref_slice %arg2[%dma_start3A_641, %dma_start3A_642] : memref<10000x128xf32, #tpu.memory_space<hbm>> -> memref<10000x128xf32, #tpu.memory_space<hbm>>
        tpu.enqueue_indirect_dma source(%dma_start3A_643 : memref<10000x128xf32, #tpu.memory_space<hbm>>) target(%arg14 : memref<40x128xf32, #tpu.memory_space<vmem>>) offsets(%dma_start3A_640 : memref<40xi32, #tpu.memory_space<vmem>>) semaphore(%arg23 : memref<!tpu.dma_semaphore, #tpu.memory_space<semaphore_mem>>)
        %mul3A_644 = arith.constant 250 : i32
        %mul3A_645 = arith.muli %add3A, %mul3A_644 : i32
        %add3A_646 = arith.addi %mul3A_645, %sub3A_559 : i32
        %mul3A_647 = arith.constant 40 : i32
        %mul3A_648 = arith.muli %add3A_646, %mul3A_647 : i32
        %dma_start3A_649 = arith.constant 0 : i32
        %dma_start3A_650 = tpu.memref_slice %arg3[%mul3A_648, %dma_start3A_649] : memref<320000x16xf32, #tpu.memory_space<hbm>> -> memref<40x16xf32, #tpu.memory_space<hbm>>
        %dma_start3A_651 = arith.constant 0 : i32
        %dma_start3A_652 = tpu.memref_slice %arg3[%mul3A_648, %dma_start3A_651] : memref<320000x16xf32, #tpu.memory_space<hbm>> -> memref<40x16xf32, #tpu.memory_space<hbm>>
        tpu.enqueue_dma source(%dma_start3A_652 : memref<40x16xf32, #tpu.memory_space<hbm>>) target(%arg10 : memref<40x16xf32, #tpu.memory_space<vmem>>) target_semaphore(%arg27 : memref<!tpu.dma_semaphore, #tpu.memory_space<semaphore_mem>>)
      } else {
      }
      %mul3A_568 = arith.constant 4 : i32
      %mul3A_569 = arith.muli %scan3A_393, %mul3A_568 : i32
      %add3A_570 = arith.constant 3 : i32
      %add3A_571 = arith.addi %mul3A_569, %add3A_570 : i32
      %dma_wait3A_572 = arith.constant 0 : i32
      %dma_wait3A_573 = arith.constant 0 : i32
      %dma_wait3A_574 = tpu.memref_slice %arg9[%dma_wait3A_572, %dma_wait3A_573] : memref<2x40xi32, #tpu.memory_space<vmem>> -> memref<1x40xi32, #tpu.memory_space<vmem>>
      %dma_wait3A_575 = tpu.memref_squeeze %dma_wait3A_574 : memref<1x40xi32, #tpu.memory_space<vmem>> -> memref<40xi32, #tpu.memory_space<vmem>>
      %dma_wait3A_576 = arith.constant 0 : i32
      %dma_wait3A_577 = arith.constant 0 : i32
      %dma_wait3A_578 = tpu.memref_slice %arg2[%dma_wait3A_576, %dma_wait3A_577] : memref<10000x128xf32, #tpu.memory_space<hbm>> -> memref<10000x128xf32, #tpu.memory_space<hbm>>
      tpu.wait_indirect_dma semaphore(%arg26 : memref<!tpu.dma_semaphore, #tpu.memory_space<semaphore_mem>>) src(%dma_wait3A_578 : memref<10000x128xf32, #tpu.memory_space<hbm>>) dst(%arg17 : memref<40x128xf32, #tpu.memory_space<vmem>>)
      %dma_wait3A_579 = arith.constant 0 : i32
      %dma_wait3A_580 = arith.constant 0 : i32
      %dma_wait3A_581 = tpu.memref_slice %arg3[%dma_wait3A_579, %dma_wait3A_580] : memref<320000x16xf32, #tpu.memory_space<hbm>> -> memref<40x16xf32, #tpu.memory_space<hbm>>
      %dma_wait3A_582 = arith.constant 0 : i32
      %dma_wait3A_583 = arith.constant 0 : i32
      %dma_wait3A_584 = tpu.memref_slice %arg3[%dma_wait3A_582, %dma_wait3A_583] : memref<320000x16xf32, #tpu.memory_space<hbm>> -> memref<40x16xf32, #tpu.memory_space<hbm>>
      tpu.wait_dma2 semaphore(%arg30 : memref<!tpu.dma_semaphore, #tpu.memory_space<semaphore_mem>>) src(%dma_wait3A_584 : memref<40x16xf32, #tpu.memory_space<hbm>>) dst(%arg13 : memref<40x16xf32, #tpu.memory_space<vmem>>)
      %scan3A_585 = arith.constant 0 : i32
      %scan3A_586 = arith.constant 0 : i32
      %scan3A_587 = arith.constant 40 : i32
      %scan3A_588 = arith.addi %scan3A_586, %scan3A_587 : i32
      %scan3A_589 = arith.constant 1 : i32
      scf.for %scan3A_627 = %scan3A_586 to %scan3A_588 step %scan3A_589  : i32 {
        %get3A = arith.index_cast %scan3A_627 : i32 to index
        %get3A_628 = arith.constant 0 : index
        %get3A_629 = tpu.vector_load %arg13[%get3A, %get3A_628] {strides = array<i32>} : memref<40x16xf32, #tpu.memory_space<vmem>>, vector<1x16xf32>,
        %get3A_630 = vector.shape_cast %get3A_629 : vector<1x16xf32> to vector<16xf32>
        %get3A_631 = arith.index_cast %scan3A_627 : i32 to index
        %get3A_632 = arith.constant 0 : index
        %get3A_633 = tpu.vector_load %arg17[%get3A_631, %get3A_632] {strides = array<i32>} : memref<40x128xf32, #tpu.memory_space<vmem>>, vector<1x16xf32>,
        %get3A_634 = vector.shape_cast %get3A_633 : vector<1x16xf32> to vector<16xf32>
        %mul3A_635 = arith.mulf %get3A_634, %get3A_630 : vector<16xf32>
        %swap3A = arith.index_cast %scan3A_627 : i32 to index
        %swap3A_636 = arith.constant 0 : index
        %swap3A_637 = tpu.vector_load %arg17[%swap3A, %swap3A_636] {strides = array<i32>} : memref<40x128xf32, #tpu.memory_space<vmem>>, vector<1x16xf32>,
        %swap3A_638 = vector.shape_cast %swap3A_637 : vector<1x16xf32> to vector<16xf32>
        %swap3A_639 = vector.shape_cast %mul3A_635 : vector<16xf32> to vector<1x16xf32>
        tpu.vector_store %arg17[%swap3A, %swap3A_636], %swap3A_639 {strides = array<i32>} : memref<40x128xf32, #tpu.memory_space<vmem>>, vector<1x16xf32>,
        %get3A_640 = arith.index_cast %scan3A_627 : i32 to index
        %get3A_641 = arith.constant 16 : index
        %get3A_642 = tpu.vector_load %arg17[%get3A_640, %get3A_641] {strides = array<i32>} : memref<40x128xf32, #tpu.memory_space<vmem>>, vector<1x16xf32>,
        %get3A_643 = vector.shape_cast %get3A_642 : vector<1x16xf32> to vector<16xf32>
        %mul3A_644 = arith.mulf %get3A_643, %get3A_630 : vector<16xf32>
        %swap3A_645 = arith.index_cast %scan3A_627 : i32 to index
        %swap3A_646 = arith.constant 16 : index
        %swap3A_647 = tpu.vector_load %arg17[%swap3A_645, %swap3A_646] {strides = array<i32>} : memref<40x128xf32, #tpu.memory_space<vmem>>, vector<1x16xf32>,
        %swap3A_648 = vector.shape_cast %swap3A_647 : vector<1x16xf32> to vector<16xf32>
        %swap3A_649 = vector.shape_cast %mul3A_644 : vector<16xf32> to vector<1x16xf32>
        tpu.vector_store %arg17[%swap3A_645, %swap3A_646], %swap3A_649 {strides = array<i32>} : memref<40x128xf32, #tpu.memory_space<vmem>>, vector<1x16xf32>,
        %get3A_650 = arith.index_cast %scan3A_627 : i32 to index
        %get3A_651 = arith.constant 32 : index
        %get3A_652 = tpu.vector_load %arg17[%get3A_650, %get3A_651] {strides = array<i32>} : memref<40x128xf32, #tpu.memory_space<vmem>>, vector<1x16xf32>,
        %get3A_653 = vector.shape_cast %get3A_652 : vector<1x16xf32> to vector<16xf32>
        %mul3A_654 = arith.mulf %get3A_653, %get3A_630 : vector<16xf32>
        %swap3A_655 = arith.index_cast %scan3A_627 : i32 to index
        %swap3A_656 = arith.constant 32 : index
        %swap3A_657 = tpu.vector_load %arg17[%swap3A_655, %swap3A_656] {strides = array<i32>} : memref<40x128xf32, #tpu.memory_space<vmem>>, vector<1x16xf32>,
        %swap3A_658 = vector.shape_cast %swap3A_657 : vector<1x16xf32> to vector<16xf32>
        %swap3A_659 = vector.shape_cast %mul3A_654 : vector<16xf32> to vector<1x16xf32>
        tpu.vector_store %arg17[%swap3A_655, %swap3A_656], %swap3A_659 {strides = array<i32>} : memref<40x128xf32, #tpu.memory_space<vmem>>, vector<1x16xf32>,
        %get3A_660 = arith.index_cast %scan3A_627 : i32 to index
        %get3A_661 = arith.constant 48 : index
        %get3A_662 = tpu.vector_load %arg17[%get3A_660, %get3A_661] {strides = array<i32>} : memref<40x128xf32, #tpu.memory_space<vmem>>, vector<1x16xf32>,
        %get3A_663 = vector.shape_cast %get3A_662 : vector<1x16xf32> to vector<16xf32>
        %mul3A_664 = arith.mulf %get3A_663, %get3A_630 : vector<16xf32>
        %swap3A_665 = arith.index_cast %scan3A_627 : i32 to index
        %swap3A_666 = arith.constant 48 : index
        %swap3A_667 = tpu.vector_load %arg17[%swap3A_665, %swap3A_666] {strides = array<i32>} : memref<40x128xf32, #tpu.memory_space<vmem>>, vector<1x16xf32>,
        %swap3A_668 = vector.shape_cast %swap3A_667 : vector<1x16xf32> to vector<16xf32>
        %swap3A_669 = vector.shape_cast %mul3A_664 : vector<16xf32> to vector<1x16xf32>
        tpu.vector_store %arg17[%swap3A_665, %swap3A_666], %swap3A_669 {strides = array<i32>} : memref<40x128xf32, #tpu.memory_space<vmem>>, vector<1x16xf32>,
        %get3A_670 = arith.index_cast %scan3A_627 : i32 to index
        %get3A_671 = arith.constant 64 : index
        %get3A_672 = tpu.vector_load %arg17[%get3A_670, %get3A_671] {strides = array<i32>} : memref<40x128xf32, #tpu.memory_space<vmem>>, vector<1x16xf32>,
        %get3A_673 = vector.shape_cast %get3A_672 : vector<1x16xf32> to vector<16xf32>
        %mul3A_674 = arith.mulf %get3A_673, %get3A_630 : vector<16xf32>
        %swap3A_675 = arith.index_cast %scan3A_627 : i32 to index
        %swap3A_676 = arith.constant 64 : index
        %swap3A_677 = tpu.vector_load %arg17[%swap3A_675, %swap3A_676] {strides = array<i32>} : memref<40x128xf32, #tpu.memory_space<vmem>>, vector<1x16xf32>,
        %swap3A_678 = vector.shape_cast %swap3A_677 : vector<1x16xf32> to vector<16xf32>
        %swap3A_679 = vector.shape_cast %mul3A_674 : vector<16xf32> to vector<1x16xf32>
        tpu.vector_store %arg17[%swap3A_675, %swap3A_676], %swap3A_679 {strides = array<i32>} : memref<40x128xf32, #tpu.memory_space<vmem>>, vector<1x16xf32>,
        %get3A_680 = arith.index_cast %scan3A_627 : i32 to index
        %get3A_681 = arith.constant 80 : index
        %get3A_682 = tpu.vector_load %arg17[%get3A_680, %get3A_681] {strides = array<i32>} : memref<40x128xf32, #tpu.memory_space<vmem>>, vector<1x16xf32>,
        %get3A_683 = vector.shape_cast %get3A_682 : vector<1x16xf32> to vector<16xf32>
        %mul3A_684 = arith.mulf %get3A_683, %get3A_630 : vector<16xf32>
        %swap3A_685 = arith.index_cast %scan3A_627 : i32 to index
        %swap3A_686 = arith.constant 80 : index
        %swap3A_687 = tpu.vector_load %arg17[%swap3A_685, %swap3A_686] {strides = array<i32>} : memref<40x128xf32, #tpu.memory_space<vmem>>, vector<1x16xf32>,
        %swap3A_688 = vector.shape_cast %swap3A_687 : vector<1x16xf32> to vector<16xf32>
        %swap3A_689 = vector.shape_cast %mul3A_684 : vector<16xf32> to vector<1x16xf32>
        tpu.vector_store %arg17[%swap3A_685, %swap3A_686], %swap3A_689 {strides = array<i32>} : memref<40x128xf32, #tpu.memory_space<vmem>>, vector<1x16xf32>,
        %get3A_690 = arith.index_cast %scan3A_627 : i32 to index
        %get3A_691 = arith.constant 96 : index
        %get3A_692 = tpu.vector_load %arg17[%get3A_690, %get3A_691] {strides = array<i32>} : memref<40x128xf32, #tpu.memory_space<vmem>>, vector<1x16xf32>,
        %get3A_693 = vector.shape_cast %get3A_692 : vector<1x16xf32> to vector<16xf32>
        %mul3A_694 = arith.mulf %get3A_693, %get3A_630 : vector<16xf32>
        %swap3A_695 = arith.index_cast %scan3A_627 : i32 to index
        %swap3A_696 = arith.constant 96 : index
        %swap3A_697 = tpu.vector_load %arg17[%swap3A_695, %swap3A_696] {strides = array<i32>} : memref<40x128xf32, #tpu.memory_space<vmem>>, vector<1x16xf32>,
        %swap3A_698 = vector.shape_cast %swap3A_697 : vector<1x16xf32> to vector<16xf32>
        %swap3A_699 = vector.shape_cast %mul3A_694 : vector<16xf32> to vector<1x16xf32>
        tpu.vector_store %arg17[%swap3A_695, %swap3A_696], %swap3A_699 {strides = array<i32>} : memref<40x128xf32, #tpu.memory_space<vmem>>, vector<1x16xf32>,
        %get3A_700 = arith.index_cast %scan3A_627 : i32 to index
        %get3A_701 = arith.constant 112 : index
        %get3A_702 = tpu.vector_load %arg17[%get3A_700, %get3A_701] {strides = array<i32>} : memref<40x128xf32, #tpu.memory_space<vmem>>, vector<1x16xf32>,
        %get3A_703 = vector.shape_cast %get3A_702 : vector<1x16xf32> to vector<16xf32>
        %mul3A_704 = arith.mulf %get3A_703, %get3A_630 : vector<16xf32>
        %swap3A_705 = arith.index_cast %scan3A_627 : i32 to index
        %swap3A_706 = arith.constant 112 : index
        %swap3A_707 = tpu.vector_load %arg17[%swap3A_705, %swap3A_706] {strides = array<i32>} : memref<40x128xf32, #tpu.memory_space<vmem>>, vector<1x16xf32>,
        %swap3A_708 = vector.shape_cast %swap3A_707 : vector<1x16xf32> to vector<16xf32>
        %swap3A_709 = vector.shape_cast %mul3A_704 : vector<16xf32> to vector<1x16xf32>
        tpu.vector_store %arg17[%swap3A_705, %swap3A_706], %swap3A_709 {strides = array<i32>} : memref<40x128xf32, #tpu.memory_space<vmem>>, vector<1x16xf32>,
      }
      %scan3A_590 = arith.constant 40 : i32
      %dma_start3A_591 = arith.constant 1 : i32
      %dma_start3A_592 = arith.constant 0 : i32
      %dma_start3A_593 = tpu.memref_slice %arg9[%dma_start3A_591, %dma_start3A_592] : memref<2x40xi32, #tpu.memory_space<vmem>> -> memref<1x40xi32, #tpu.memory_space<vmem>>
      %dma_start3A_594 = tpu.memref_squeeze %dma_start3A_593 : memref<1x40xi32, #tpu.memory_space<vmem>> -> memref<40xi32, #tpu.memory_space<vmem>>
      %dma_start3A_595 = arith.constant 0 : i32
      %dma_start3A_596 = arith.constant 0 : i32
      %dma_start3A_597 = tpu.memref_slice %arg18[%dma_start3A_595, %dma_start3A_596] : memref<10000x128xf32, #tpu.memory_space<vmem_shared>> -> memref<10000x128xf32, #tpu.memory_space<vmem_shared>>
      tpu.enqueue_indirect_dma source(%arg17 : memref<40x128xf32, #tpu.memory_space<vmem>>) target(%dma_start3A_597 : memref<10000x128xf32, #tpu.memory_space<vmem_shared>>) offsets(%dma_start3A_594 : memref<40xi32, #tpu.memory_space<vmem>>) semaphore(%arg34 : memref<!tpu.dma_semaphore, #tpu.memory_space<semaphore_mem>>) {add = true}
      %add3A_598 = arith.constant 4 : i32
      %add3A_599 = arith.addi %add3A_571, %add3A_598 : i32
      %sub3A_600 = arith.constant 1 : i32
      %sub3A_601 = arith.subi %add3A_599, %sub3A_600 : i32
      %lt3A_602 = arith.constant 250 : i32
      %lt3A_603 = arith.cmpi slt, %sub3A_601, %lt3A_602 : i32
      %ge3A_604 = arith.constant 4 : i32
      %ge3A_605 = arith.cmpi sge, %sub3A_601, %ge3A_604 : i32
      %and3A_606 = arith.andi %lt3A_603, %ge3A_605 : i1
      %convert_element_type3A_607 = arith.extui %and3A_606 : i1 to i32
      %cond3A_608 = arith.constant 0 : i32
      %cond3A_609 = arith.cmpi ne, %convert_element_type3A_607, %cond3A_608 : i32
      scf.if %cond3A_609 {
        %dma_wait3A_627 = arith.constant 1 : i32
        %dma_wait3A_628 = arith.constant 0 : i32
        %dma_wait3A_629 = tpu.memref_slice %arg8[%dma_wait3A_627, %dma_wait3A_628] : memref<2x40xi32, #tpu.memory_space<vmem>> -> memref<1x40xi32, #tpu.memory_space<vmem>>
        %dma_wait3A_630 = tpu.memref_squeeze %dma_wait3A_629 : memref<1x40xi32, #tpu.memory_space<vmem>> -> memref<40xi32, #tpu.memory_space<vmem>>
        %dma_wait3A_631 = arith.constant 0 : i32
        %dma_wait3A_632 = arith.constant 0 : i32
        %dma_wait3A_633 = tpu.memref_slice %arg18[%dma_wait3A_631, %dma_wait3A_632] : memref<10000x128xf32, #tpu.memory_space<vmem_shared>> -> memref<10000x128xf32, #tpu.memory_space<vmem_shared>>
        tpu.wait_indirect_dma semaphore(%arg33 : memref<!tpu.dma_semaphore, #tpu.memory_space<semaphore_mem>>) src(%arg16 : memref<40x128xf32, #tpu.memory_space<vmem>>) dst(%dma_wait3A_633 : memref<10000x128xf32, #tpu.memory_space<vmem_shared>>)
      } else {
      }
      %lt3A_610 = arith.constant 250 : i32
      %lt3A_611 = arith.cmpi slt, %sub3A_601, %lt3A_610 : i32
      %convert_element_type3A_612 = arith.extui %lt3A_611 : i1 to i32
      %cond3A_613 = arith.constant 0 : i32
      %cond3A_614 = arith.cmpi ne, %convert_element_type3A_612, %cond3A_613 : i32
      scf.if %cond3A_614 {
        %dma_start3A_627 = arith.constant 0 : i32
        %dma_start3A_628 = arith.constant 0 : i32
        %dma_start3A_629 = tpu.memref_slice %arg4[%add3A, %sub3A_601, %dma_start3A_627, %dma_start3A_628] : memref<32x250x2x40xi32, #tpu.memory_space<hbm>> -> memref<1x1x2x40xi32, #tpu.memory_space<hbm>>
        %dma_start3A_630 = tpu.memref_squeeze %dma_start3A_629 : memref<1x1x2x40xi32, #tpu.memory_space<hbm>> -> memref<2x40xi32, #tpu.memory_space<hbm>>
        %dma_start3A_631 = arith.constant 0 : i32
        %dma_start3A_632 = arith.constant 0 : i32
        %dma_start3A_633 = tpu.memref_slice %arg4[%add3A, %sub3A_601, %dma_start3A_631, %dma_start3A_632] : memref<32x250x2x40xi32, #tpu.memory_space<hbm>> -> memref<1x1x2x40xi32, #tpu.memory_space<hbm>>
        %dma_start3A_634 = tpu.memref_squeeze %dma_start3A_633 : memref<1x1x2x40xi32, #tpu.memory_space<hbm>> -> memref<2x40xi32, #tpu.memory_space<hbm>>
        tpu.enqueue_dma source(%dma_start3A_634 : memref<2x40xi32, #tpu.memory_space<hbm>>) target(%arg8 : memref<2x40xi32, #tpu.memory_space<vmem>>) target_semaphore(%arg21 : memref<!tpu.dma_semaphore, #tpu.memory_space<semaphore_mem>>)
      } else {
      }
      %add3A_615 = arith.constant 4 : i32
      %add3A_616 = arith.addi %add3A_571, %add3A_615 : i32
      %sub3A_617 = arith.constant 2 : i32
      %sub3A_618 = arith.subi %add3A_616, %sub3A_617 : i32
      %lt3A_619 = arith.constant 250 : i32
      %lt3A_620 = arith.cmpi slt, %sub3A_618, %lt3A_619 : i32
      %ge3A_621 = arith.constant 2 : i32
      %ge3A_622 = arith.cmpi sge, %sub3A_618, %ge3A_621 : i32
      %and3A_623 = arith.andi %lt3A_620, %ge3A_622 : i1
      %convert_element_type3A_624 = arith.extui %and3A_623 : i1 to i32
      %cond3A_625 = arith.constant 0 : i32
      %cond3A_626 = arith.cmpi ne, %convert_element_type3A_624, %cond3A_625 : i32
      scf.if %cond3A_626 {
        %dma_wait3A_627 = arith.constant 0 : i32
        %dma_wait3A_628 = arith.constant 0 : i32
        %dma_wait3A_629 = arith.constant 0 : i32
        %dma_wait3A_630 = arith.constant 0 : i32
        %dma_wait3A_631 = tpu.memref_slice %arg4[%dma_wait3A_627, %dma_wait3A_628, %dma_wait3A_629, %dma_wait3A_630] : memref<32x250x2x40xi32, #tpu.memory_space<hbm>> -> memref<1x1x2x40xi32, #tpu.memory_space<hbm>>
        %dma_wait3A_632 = tpu.memref_squeeze %dma_wait3A_631 : memref<1x1x2x40xi32, #tpu.memory_space<hbm>> -> memref<2x40xi32, #tpu.memory_space<hbm>>
        %dma_wait3A_633 = arith.constant 0 : i32
        %dma_wait3A_634 = arith.constant 0 : i32
        %dma_wait3A_635 = tpu.memref_slice %arg4[%dma_wait3A_627, %dma_wait3A_628, %dma_wait3A_633, %dma_wait3A_634] : memref<32x250x2x40xi32, #tpu.memory_space<hbm>> -> memref<1x1x2x40xi32, #tpu.memory_space<hbm>>
        %dma_wait3A_636 = tpu.memref_squeeze %dma_wait3A_635 : memref<1x1x2x40xi32, #tpu.memory_space<hbm>> -> memref<2x40xi32, #tpu.memory_space<hbm>>
        tpu.wait_dma2 semaphore(%arg20 : memref<!tpu.dma_semaphore, #tpu.memory_space<semaphore_mem>>) src(%dma_wait3A_636 : memref<2x40xi32, #tpu.memory_space<hbm>>) dst(%arg7 : memref<2x40xi32, #tpu.memory_space<vmem>>)
        %dma_start3A_637 = arith.constant 0 : i32
        %dma_start3A_638 = arith.constant 0 : i32
        %dma_start3A_639 = tpu.memref_slice %arg7[%dma_start3A_637, %dma_start3A_638] : memref<2x40xi32, #tpu.memory_space<vmem>> -> memref<1x40xi32, #tpu.memory_space<vmem>>
        %dma_start3A_640 = tpu.memref_squeeze %dma_start3A_639 : memref<1x40xi32, #tpu.memory_space<vmem>> -> memref<40xi32, #tpu.memory_space<vmem>>
        %dma_start3A_641 = arith.constant 0 : i32
        %dma_start3A_642 = arith.constant 0 : i32
        %dma_start3A_643 = tpu.memref_slice %arg2[%dma_start3A_641, %dma_start3A_642] : memref<10000x128xf32, #tpu.memory_space<hbm>> -> memref<10000x128xf32, #tpu.memory_space<hbm>>
        tpu.enqueue_indirect_dma source(%dma_start3A_643 : memref<10000x128xf32, #tpu.memory_space<hbm>>) target(%arg15 : memref<40x128xf32, #tpu.memory_space<vmem>>) offsets(%dma_start3A_640 : memref<40xi32, #tpu.memory_space<vmem>>) semaphore(%arg24 : memref<!tpu.dma_semaphore, #tpu.memory_space<semaphore_mem>>)
        %mul3A_644 = arith.constant 250 : i32
        %mul3A_645 = arith.muli %add3A, %mul3A_644 : i32
        %add3A_646 = arith.addi %mul3A_645, %sub3A_618 : i32
        %mul3A_647 = arith.constant 40 : i32
        %mul3A_648 = arith.muli %add3A_646, %mul3A_647 : i32
        %dma_start3A_649 = arith.constant 0 : i32
        %dma_start3A_650 = tpu.memref_slice %arg3[%mul3A_648, %dma_start3A_649] : memref<320000x16xf32, #tpu.memory_space<hbm>> -> memref<40x16xf32, #tpu.memory_space<hbm>>
        %dma_start3A_651 = arith.constant 0 : i32
        %dma_start3A_652 = tpu.memref_slice %arg3[%mul3A_648, %dma_start3A_651] : memref<320000x16xf32, #tpu.memory_space<hbm>> -> memref<40x16xf32, #tpu.memory_space<hbm>>
        tpu.enqueue_dma source(%dma_start3A_652 : memref<40x16xf32, #tpu.memory_space<hbm>>) target(%arg11 : memref<40x16xf32, #tpu.memory_space<vmem>>) target_semaphore(%arg28 : memref<!tpu.dma_semaphore, #tpu.memory_space<semaphore_mem>>)
      } else {
      }
    }
    %scan3A_199 = arith.constant 62 : i32
    %dma_wait3A_200 = arith.constant 0 : i32
    %dma_wait3A_201 = arith.constant 0 : i32
    %dma_wait3A_202 = tpu.memref_slice %arg6[%dma_wait3A_200, %dma_wait3A_201] : memref<2x40xi32, #tpu.memory_space<vmem>> -> memref<1x40xi32, #tpu.memory_space<vmem>>
    %dma_wait3A_203 = tpu.memref_squeeze %dma_wait3A_202 : memref<1x40xi32, #tpu.memory_space<vmem>> -> memref<40xi32, #tpu.memory_space<vmem>>
    %dma_wait3A_204 = arith.constant 0 : i32
    %dma_wait3A_205 = arith.constant 0 : i32
    %dma_wait3A_206 = tpu.memref_slice %arg2[%dma_wait3A_204, %dma_wait3A_205] : memref<10000x128xf32, #tpu.memory_space<hbm>> -> memref<10000x128xf32, #tpu.memory_space<hbm>>
    tpu.wait_indirect_dma semaphore(%arg23 : memref<!tpu.dma_semaphore, #tpu.memory_space<semaphore_mem>>) src(%dma_wait3A_206 : memref<10000x128xf32, #tpu.memory_space<hbm>>) dst(%arg14 : memref<40x128xf32, #tpu.memory_space<vmem>>)
    %dma_wait3A_207 = arith.constant 0 : i32
    %dma_wait3A_208 = arith.constant 0 : i32
    %dma_wait3A_209 = tpu.memref_slice %arg3[%dma_wait3A_207, %dma_wait3A_208] : memref<320000x16xf32, #tpu.memory_space<hbm>> -> memref<40x16xf32, #tpu.memory_space<hbm>>
    %dma_wait3A_210 = arith.constant 0 : i32
    %dma_wait3A_211 = arith.constant 0 : i32
    %dma_wait3A_212 = tpu.memref_slice %arg3[%dma_wait3A_210, %dma_wait3A_211] : memref<320000x16xf32, #tpu.memory_space<hbm>> -> memref<40x16xf32, #tpu.memory_space<hbm>>
    tpu.wait_dma2 semaphore(%arg27 : memref<!tpu.dma_semaphore, #tpu.memory_space<semaphore_mem>>) src(%dma_wait3A_212 : memref<40x16xf32, #tpu.memory_space<hbm>>) dst(%arg10 : memref<40x16xf32, #tpu.memory_space<vmem>>)
    %scan3A_213 = arith.constant 0 : i32
    %scan3A_214 = arith.constant 0 : i32
    %scan3A_215 = arith.constant 40 : i32
    %scan3A_216 = arith.addi %scan3A_214, %scan3A_215 : i32
    %scan3A_217 = arith.constant 1 : i32
    scf.for %scan3A_393 = %scan3A_214 to %scan3A_216 step %scan3A_217  : i32 {
      %get3A = arith.index_cast %scan3A_393 : i32 to index
      %get3A_394 = arith.constant 0 : index
      %get3A_395 = tpu.vector_load %arg10[%get3A, %get3A_394] {strides = array<i32>} : memref<40x16xf32, #tpu.memory_space<vmem>>, vector<1x16xf32>,
      %get3A_396 = vector.shape_cast %get3A_395 : vector<1x16xf32> to vector<16xf32>
      %get3A_397 = arith.index_cast %scan3A_393 : i32 to index
      %get3A_398 = arith.constant 0 : index
      %get3A_399 = tpu.vector_load %arg14[%get3A_397, %get3A_398] {strides = array<i32>} : memref<40x128xf32, #tpu.memory_space<vmem>>, vector<1x16xf32>,
      %get3A_400 = vector.shape_cast %get3A_399 : vector<1x16xf32> to vector<16xf32>
      %mul3A_401 = arith.mulf %get3A_400, %get3A_396 : vector<16xf32>
      %swap3A = arith.index_cast %scan3A_393 : i32 to index
      %swap3A_402 = arith.constant 0 : index
      %swap3A_403 = tpu.vector_load %arg14[%swap3A, %swap3A_402] {strides = array<i32>} : memref<40x128xf32, #tpu.memory_space<vmem>>, vector<1x16xf32>,
      %swap3A_404 = vector.shape_cast %swap3A_403 : vector<1x16xf32> to vector<16xf32>
      %swap3A_405 = vector.shape_cast %mul3A_401 : vector<16xf32> to vector<1x16xf32>
      tpu.vector_store %arg14[%swap3A, %swap3A_402], %swap3A_405 {strides = array<i32>} : memref<40x128xf32, #tpu.memory_space<vmem>>, vector<1x16xf32>,
      %get3A_406 = arith.index_cast %scan3A_393 : i32 to index
      %get3A_407 = arith.constant 16 : index
      %get3A_408 = tpu.vector_load %arg14[%get3A_406, %get3A_407] {strides = array<i32>} : memref<40x128xf32, #tpu.memory_space<vmem>>, vector<1x16xf32>,
      %get3A_409 = vector.shape_cast %get3A_408 : vector<1x16xf32> to vector<16xf32>
      %mul3A_410 = arith.mulf %get3A_409, %get3A_396 : vector<16xf32>
      %swap3A_411 = arith.index_cast %scan3A_393 : i32 to index
      %swap3A_412 = arith.constant 16 : index
      %swap3A_413 = tpu.vector_load %arg14[%swap3A_411, %swap3A_412] {strides = array<i32>} : memref<40x128xf32, #tpu.memory_space<vmem>>, vector<1x16xf32>,
      %swap3A_414 = vector.shape_cast %swap3A_413 : vector<1x16xf32> to vector<16xf32>
      %swap3A_415 = vector.shape_cast %mul3A_410 : vector<16xf32> to vector<1x16xf32>
      tpu.vector_store %arg14[%swap3A_411, %swap3A_412], %swap3A_415 {strides = array<i32>} : memref<40x128xf32, #tpu.memory_space<vmem>>, vector<1x16xf32>,
      %get3A_416 = arith.index_cast %scan3A_393 : i32 to index
      %get3A_417 = arith.constant 32 : index
      %get3A_418 = tpu.vector_load %arg14[%get3A_416, %get3A_417] {strides = array<i32>} : memref<40x128xf32, #tpu.memory_space<vmem>>, vector<1x16xf32>,
      %get3A_419 = vector.shape_cast %get3A_418 : vector<1x16xf32> to vector<16xf32>
      %mul3A_420 = arith.mulf %get3A_419, %get3A_396 : vector<16xf32>
      %swap3A_421 = arith.index_cast %scan3A_393 : i32 to index
      %swap3A_422 = arith.constant 32 : index
      %swap3A_423 = tpu.vector_load %arg14[%swap3A_421, %swap3A_422] {strides = array<i32>} : memref<40x128xf32, #tpu.memory_space<vmem>>, vector<1x16xf32>,
      %swap3A_424 = vector.shape_cast %swap3A_423 : vector<1x16xf32> to vector<16xf32>
      %swap3A_425 = vector.shape_cast %mul3A_420 : vector<16xf32> to vector<1x16xf32>
      tpu.vector_store %arg14[%swap3A_421, %swap3A_422], %swap3A_425 {strides = array<i32>} : memref<40x128xf32, #tpu.memory_space<vmem>>, vector<1x16xf32>,
      %get3A_426 = arith.index_cast %scan3A_393 : i32 to index
      %get3A_427 = arith.constant 48 : index
      %get3A_428 = tpu.vector_load %arg14[%get3A_426, %get3A_427] {strides = array<i32>} : memref<40x128xf32, #tpu.memory_space<vmem>>, vector<1x16xf32>,
      %get3A_429 = vector.shape_cast %get3A_428 : vector<1x16xf32> to vector<16xf32>
      %mul3A_430 = arith.mulf %get3A_429, %get3A_396 : vector<16xf32>
      %swap3A_431 = arith.index_cast %scan3A_393 : i32 to index
      %swap3A_432 = arith.constant 48 : index
      %swap3A_433 = tpu.vector_load %arg14[%swap3A_431, %swap3A_432] {strides = array<i32>} : memref<40x128xf32, #tpu.memory_space<vmem>>, vector<1x16xf32>,
      %swap3A_434 = vector.shape_cast %swap3A_433 : vector<1x16xf32> to vector<16xf32>
      %swap3A_435 = vector.shape_cast %mul3A_430 : vector<16xf32> to vector<1x16xf32>
      tpu.vector_store %arg14[%swap3A_431, %swap3A_432], %swap3A_435 {strides = array<i32>} : memref<40x128xf32, #tpu.memory_space<vmem>>, vector<1x16xf32>,
      %get3A_436 = arith.index_cast %scan3A_393 : i32 to index
      %get3A_437 = arith.constant 64 : index
      %get3A_438 = tpu.vector_load %arg14[%get3A_436, %get3A_437] {strides = array<i32>} : memref<40x128xf32, #tpu.memory_space<vmem>>, vector<1x16xf32>,
      %get3A_439 = vector.shape_cast %get3A_438 : vector<1x16xf32> to vector<16xf32>
      %mul3A_440 = arith.mulf %get3A_439, %get3A_396 : vector<16xf32>
      %swap3A_441 = arith.index_cast %scan3A_393 : i32 to index
      %swap3A_442 = arith.constant 64 : index
      %swap3A_443 = tpu.vector_load %arg14[%swap3A_441, %swap3A_442] {strides = array<i32>} : memref<40x128xf32, #tpu.memory_space<vmem>>, vector<1x16xf32>,
      %swap3A_444 = vector.shape_cast %swap3A_443 : vector<1x16xf32> to vector<16xf32>
      %swap3A_445 = vector.shape_cast %mul3A_440 : vector<16xf32> to vector<1x16xf32>
      tpu.vector_store %arg14[%swap3A_441, %swap3A_442], %swap3A_445 {strides = array<i32>} : memref<40x128xf32, #tpu.memory_space<vmem>>, vector<1x16xf32>,
      %get3A_446 = arith.index_cast %scan3A_393 : i32 to index
      %get3A_447 = arith.constant 80 : index
      %get3A_448 = tpu.vector_load %arg14[%get3A_446, %get3A_447] {strides = array<i32>} : memref<40x128xf32, #tpu.memory_space<vmem>>, vector<1x16xf32>,
      %get3A_449 = vector.shape_cast %get3A_448 : vector<1x16xf32> to vector<16xf32>
      %mul3A_450 = arith.mulf %get3A_449, %get3A_396 : vector<16xf32>
      %swap3A_451 = arith.index_cast %scan3A_393 : i32 to index
      %swap3A_452 = arith.constant 80 : index
      %swap3A_453 = tpu.vector_load %arg14[%swap3A_451, %swap3A_452] {strides = array<i32>} : memref<40x128xf32, #tpu.memory_space<vmem>>, vector<1x16xf32>,
      %swap3A_454 = vector.shape_cast %swap3A_453 : vector<1x16xf32> to vector<16xf32>
      %swap3A_455 = vector.shape_cast %mul3A_450 : vector<16xf32> to vector<1x16xf32>
      tpu.vector_store %arg14[%swap3A_451, %swap3A_452], %swap3A_455 {strides = array<i32>} : memref<40x128xf32, #tpu.memory_space<vmem>>, vector<1x16xf32>,
      %get3A_456 = arith.index_cast %scan3A_393 : i32 to index
      %get3A_457 = arith.constant 96 : index
      %get3A_458 = tpu.vector_load %arg14[%get3A_456, %get3A_457] {strides = array<i32>} : memref<40x128xf32, #tpu.memory_space<vmem>>, vector<1x16xf32>,
      %get3A_459 = vector.shape_cast %get3A_458 : vector<1x16xf32> to vector<16xf32>
      %mul3A_460 = arith.mulf %get3A_459, %get3A_396 : vector<16xf32>
      %swap3A_461 = arith.index_cast %scan3A_393 : i32 to index
      %swap3A_462 = arith.constant 96 : index
      %swap3A_463 = tpu.vector_load %arg14[%swap3A_461, %swap3A_462] {strides = array<i32>} : memref<40x128xf32, #tpu.memory_space<vmem>>, vector<1x16xf32>,
      %swap3A_464 = vector.shape_cast %swap3A_463 : vector<1x16xf32> to vector<16xf32>
      %swap3A_465 = vector.shape_cast %mul3A_460 : vector<16xf32> to vector<1x16xf32>
      tpu.vector_store %arg14[%swap3A_461, %swap3A_462], %swap3A_465 {strides = array<i32>} : memref<40x128xf32, #tpu.memory_space<vmem>>, vector<1x16xf32>,
      %get3A_466 = arith.index_cast %scan3A_393 : i32 to index
      %get3A_467 = arith.constant 112 : index
      %get3A_468 = tpu.vector_load %arg14[%get3A_466, %get3A_467] {strides = array<i32>} : memref<40x128xf32, #tpu.memory_space<vmem>>, vector<1x16xf32>,
      %get3A_469 = vector.shape_cast %get3A_468 : vector<1x16xf32> to vector<16xf32>
      %mul3A_470 = arith.mulf %get3A_469, %get3A_396 : vector<16xf32>
      %swap3A_471 = arith.index_cast %scan3A_393 : i32 to index
      %swap3A_472 = arith.constant 112 : index
      %swap3A_473 = tpu.vector_load %arg14[%swap3A_471, %swap3A_472] {strides = array<i32>} : memref<40x128xf32, #tpu.memory_space<vmem>>, vector<1x16xf32>,
      %swap3A_474 = vector.shape_cast %swap3A_473 : vector<1x16xf32> to vector<16xf32>
      %swap3A_475 = vector.shape_cast %mul3A_470 : vector<16xf32> to vector<1x16xf32>
      tpu.vector_store %arg14[%swap3A_471, %swap3A_472], %swap3A_475 {strides = array<i32>} : memref<40x128xf32, #tpu.memory_space<vmem>>, vector<1x16xf32>,
    }
    %scan3A_218 = arith.constant 40 : i32
    %dma_start3A_219 = arith.constant 1 : i32
    %dma_start3A_220 = arith.constant 0 : i32
    %dma_start3A_221 = tpu.memref_slice %arg6[%dma_start3A_219, %dma_start3A_220] : memref<2x40xi32, #tpu.memory_space<vmem>> -> memref<1x40xi32, #tpu.memory_space<vmem>>
    %dma_start3A_222 = tpu.memref_squeeze %dma_start3A_221 : memref<1x40xi32, #tpu.memory_space<vmem>> -> memref<40xi32, #tpu.memory_space<vmem>>
    %dma_start3A_223 = arith.constant 0 : i32
    %dma_start3A_224 = arith.constant 0 : i32
    %dma_start3A_225 = tpu.memref_slice %arg18[%dma_start3A_223, %dma_start3A_224] : memref<10000x128xf32, #tpu.memory_space<vmem_shared>> -> memref<10000x128xf32, #tpu.memory_space<vmem_shared>>
    tpu.enqueue_indirect_dma source(%arg14 : memref<40x128xf32, #tpu.memory_space<vmem>>) target(%dma_start3A_225 : memref<10000x128xf32, #tpu.memory_space<vmem_shared>>) offsets(%dma_start3A_222 : memref<40xi32, #tpu.memory_space<vmem>>) semaphore(%arg31 : memref<!tpu.dma_semaphore, #tpu.memory_space<semaphore_mem>>) {add = true}
    %dma_wait3A_226 = arith.constant 0 : i32
    %dma_wait3A_227 = arith.constant 0 : i32
    %dma_wait3A_228 = tpu.memref_slice %arg7[%dma_wait3A_226, %dma_wait3A_227] : memref<2x40xi32, #tpu.memory_space<vmem>> -> memref<1x40xi32, #tpu.memory_space<vmem>>
    %dma_wait3A_229 = tpu.memref_squeeze %dma_wait3A_228 : memref<1x40xi32, #tpu.memory_space<vmem>> -> memref<40xi32, #tpu.memory_space<vmem>>
    %dma_wait3A_230 = arith.constant 0 : i32
    %dma_wait3A_231 = arith.constant 0 : i32
    %dma_wait3A_232 = tpu.memref_slice %arg2[%dma_wait3A_230, %dma_wait3A_231] : memref<10000x128xf32, #tpu.memory_space<hbm>> -> memref<10000x128xf32, #tpu.memory_space<hbm>>
    tpu.wait_indirect_dma semaphore(%arg24 : memref<!tpu.dma_semaphore, #tpu.memory_space<semaphore_mem>>) src(%dma_wait3A_232 : memref<10000x128xf32, #tpu.memory_space<hbm>>) dst(%arg15 : memref<40x128xf32, #tpu.memory_space<vmem>>)
    %dma_wait3A_233 = arith.constant 0 : i32
    %dma_wait3A_234 = arith.constant 0 : i32
    %dma_wait3A_235 = tpu.memref_slice %arg3[%dma_wait3A_233, %dma_wait3A_234] : memref<320000x16xf32, #tpu.memory_space<hbm>> -> memref<40x16xf32, #tpu.memory_space<hbm>>
    %dma_wait3A_236 = arith.constant 0 : i32
    %dma_wait3A_237 = arith.constant 0 : i32
    %dma_wait3A_238 = tpu.memref_slice %arg3[%dma_wait3A_236, %dma_wait3A_237] : memref<320000x16xf32, #tpu.memory_space<hbm>> -> memref<40x16xf32, #tpu.memory_space<hbm>>
    tpu.wait_dma2 semaphore(%arg28 : memref<!tpu.dma_semaphore, #tpu.memory_space<semaphore_mem>>) src(%dma_wait3A_238 : memref<40x16xf32, #tpu.memory_space<hbm>>) dst(%arg11 : memref<40x16xf32, #tpu.memory_space<vmem>>)
    %scan3A_239 = arith.constant 0 : i32
    %scan3A_240 = arith.constant 0 : i32
    %scan3A_241 = arith.constant 40 : i32
    %scan3A_242 = arith.addi %scan3A_240, %scan3A_241 : i32
    %scan3A_243 = arith.constant 1 : i32
    scf.for %scan3A_393 = %scan3A_240 to %scan3A_242 step %scan3A_243  : i32 {
      %get3A = arith.index_cast %scan3A_393 : i32 to index
      %get3A_394 = arith.constant 0 : index
      %get3A_395 = tpu.vector_load %arg11[%get3A, %get3A_394] {strides = array<i32>} : memref<40x16xf32, #tpu.memory_space<vmem>>, vector<1x16xf32>,
      %get3A_396 = vector.shape_cast %get3A_395 : vector<1x16xf32> to vector<16xf32>
      %get3A_397 = arith.index_cast %scan3A_393 : i32 to index
      %get3A_398 = arith.constant 0 : index
      %get3A_399 = tpu.vector_load %arg15[%get3A_397, %get3A_398] {strides = array<i32>} : memref<40x128xf32, #tpu.memory_space<vmem>>, vector<1x16xf32>,
      %get3A_400 = vector.shape_cast %get3A_399 : vector<1x16xf32> to vector<16xf32>
      %mul3A_401 = arith.mulf %get3A_400, %get3A_396 : vector<16xf32>
      %swap3A = arith.index_cast %scan3A_393 : i32 to index
      %swap3A_402 = arith.constant 0 : index
      %swap3A_403 = tpu.vector_load %arg15[%swap3A, %swap3A_402] {strides = array<i32>} : memref<40x128xf32, #tpu.memory_space<vmem>>, vector<1x16xf32>,
      %swap3A_404 = vector.shape_cast %swap3A_403 : vector<1x16xf32> to vector<16xf32>
      %swap3A_405 = vector.shape_cast %mul3A_401 : vector<16xf32> to vector<1x16xf32>
      tpu.vector_store %arg15[%swap3A, %swap3A_402], %swap3A_405 {strides = array<i32>} : memref<40x128xf32, #tpu.memory_space<vmem>>, vector<1x16xf32>,
      %get3A_406 = arith.index_cast %scan3A_393 : i32 to index
      %get3A_407 = arith.constant 16 : index
      %get3A_408 = tpu.vector_load %arg15[%get3A_406, %get3A_407] {strides = array<i32>} : memref<40x128xf32, #tpu.memory_space<vmem>>, vector<1x16xf32>,
      %get3A_409 = vector.shape_cast %get3A_408 : vector<1x16xf32> to vector<16xf32>
      %mul3A_410 = arith.mulf %get3A_409, %get3A_396 : vector<16xf32>
      %swap3A_411 = arith.index_cast %scan3A_393 : i32 to index
      %swap3A_412 = arith.constant 16 : index
      %swap3A_413 = tpu.vector_load %arg15[%swap3A_411, %swap3A_412] {strides = array<i32>} : memref<40x128xf32, #tpu.memory_space<vmem>>, vector<1x16xf32>,
      %swap3A_414 = vector.shape_cast %swap3A_413 : vector<1x16xf32> to vector<16xf32>
      %swap3A_415 = vector.shape_cast %mul3A_410 : vector<16xf32> to vector<1x16xf32>
      tpu.vector_store %arg15[%swap3A_411, %swap3A_412], %swap3A_415 {strides = array<i32>} : memref<40x128xf32, #tpu.memory_space<vmem>>, vector<1x16xf32>,
      %get3A_416 = arith.index_cast %scan3A_393 : i32 to index
      %get3A_417 = arith.constant 32 : index
      %get3A_418 = tpu.vector_load %arg15[%get3A_416, %get3A_417] {strides = array<i32>} : memref<40x128xf32, #tpu.memory_space<vmem>>, vector<1x16xf32>,
      %get3A_419 = vector.shape_cast %get3A_418 : vector<1x16xf32> to vector<16xf32>
      %mul3A_420 = arith.mulf %get3A_419, %get3A_396 : vector<16xf32>
      %swap3A_421 = arith.index_cast %scan3A_393 : i32 to index
      %swap3A_422 = arith.constant 32 : index
      %swap3A_423 = tpu.vector_load %arg15[%swap3A_421, %swap3A_422] {strides = array<i32>} : memref<40x128xf32, #tpu.memory_space<vmem>>, vector<1x16xf32>,
      %swap3A_424 = vector.shape_cast %swap3A_423 : vector<1x16xf32> to vector<16xf32>
      %swap3A_425 = vector.shape_cast %mul3A_420 : vector<16xf32> to vector<1x16xf32>
      tpu.vector_store %arg15[%swap3A_421, %swap3A_422], %swap3A_425 {strides = array<i32>} : memref<40x128xf32, #tpu.memory_space<vmem>>, vector<1x16xf32>,
      %get3A_426 = arith.index_cast %scan3A_393 : i32 to index
      %get3A_427 = arith.constant 48 : index
      %get3A_428 = tpu.vector_load %arg15[%get3A_426, %get3A_427] {strides = array<i32>} : memref<40x128xf32, #tpu.memory_space<vmem>>, vector<1x16xf32>,
      %get3A_429 = vector.shape_cast %get3A_428 : vector<1x16xf32> to vector<16xf32>
      %mul3A_430 = arith.mulf %get3A_429, %get3A_396 : vector<16xf32>
      %swap3A_431 = arith.index_cast %scan3A_393 : i32 to index
      %swap3A_432 = arith.constant 48 : index
      %swap3A_433 = tpu.vector_load %arg15[%swap3A_431, %swap3A_432] {strides = array<i32>} : memref<40x128xf32, #tpu.memory_space<vmem>>, vector<1x16xf32>,
      %swap3A_434 = vector.shape_cast %swap3A_433 : vector<1x16xf32> to vector<16xf32>
      %swap3A_435 = vector.shape_cast %mul3A_430 : vector<16xf32> to vector<1x16xf32>
      tpu.vector_store %arg15[%swap3A_431, %swap3A_432], %swap3A_435 {strides = array<i32>} : memref<40x128xf32, #tpu.memory_space<vmem>>, vector<1x16xf32>,
      %get3A_436 = arith.index_cast %scan3A_393 : i32 to index
      %get3A_437 = arith.constant 64 : index
      %get3A_438 = tpu.vector_load %arg15[%get3A_436, %get3A_437] {strides = array<i32>} : memref<40x128xf32, #tpu.memory_space<vmem>>, vector<1x16xf32>,
      %get3A_439 = vector.shape_cast %get3A_438 : vector<1x16xf32> to vector<16xf32>
      %mul3A_440 = arith.mulf %get3A_439, %get3A_396 : vector<16xf32>
      %swap3A_441 = arith.index_cast %scan3A_393 : i32 to index
      %swap3A_442 = arith.constant 64 : index
      %swap3A_443 = tpu.vector_load %arg15[%swap3A_441, %swap3A_442] {strides = array<i32>} : memref<40x128xf32, #tpu.memory_space<vmem>>, vector<1x16xf32>,
      %swap3A_444 = vector.shape_cast %swap3A_443 : vector<1x16xf32> to vector<16xf32>
      %swap3A_445 = vector.shape_cast %mul3A_440 : vector<16xf32> to vector<1x16xf32>
      tpu.vector_store %arg15[%swap3A_441, %swap3A_442], %swap3A_445 {strides = array<i32>} : memref<40x128xf32, #tpu.memory_space<vmem>>, vector<1x16xf32>,
      %get3A_446 = arith.index_cast %scan3A_393 : i32 to index
      %get3A_447 = arith.constant 80 : index
      %get3A_448 = tpu.vector_load %arg15[%get3A_446, %get3A_447] {strides = array<i32>} : memref<40x128xf32, #tpu.memory_space<vmem>>, vector<1x16xf32>,
      %get3A_449 = vector.shape_cast %get3A_448 : vector<1x16xf32> to vector<16xf32>
      %mul3A_450 = arith.mulf %get3A_449, %get3A_396 : vector<16xf32>
      %swap3A_451 = arith.index_cast %scan3A_393 : i32 to index
      %swap3A_452 = arith.constant 80 : index
      %swap3A_453 = tpu.vector_load %arg15[%swap3A_451, %swap3A_452] {strides = array<i32>} : memref<40x128xf32, #tpu.memory_space<vmem>>, vector<1x16xf32>,
      %swap3A_454 = vector.shape_cast %swap3A_453 : vector<1x16xf32> to vector<16xf32>
      %swap3A_455 = vector.shape_cast %mul3A_450 : vector<16xf32> to vector<1x16xf32>
      tpu.vector_store %arg15[%swap3A_451, %swap3A_452], %swap3A_455 {strides = array<i32>} : memref<40x128xf32, #tpu.memory_space<vmem>>, vector<1x16xf32>,
      %get3A_456 = arith.index_cast %scan3A_393 : i32 to index
      %get3A_457 = arith.constant 96 : index
      %get3A_458 = tpu.vector_load %arg15[%get3A_456, %get3A_457] {strides = array<i32>} : memref<40x128xf32, #tpu.memory_space<vmem>>, vector<1x16xf32>,
      %get3A_459 = vector.shape_cast %get3A_458 : vector<1x16xf32> to vector<16xf32>
      %mul3A_460 = arith.mulf %get3A_459, %get3A_396 : vector<16xf32>
      %swap3A_461 = arith.index_cast %scan3A_393 : i32 to index
      %swap3A_462 = arith.constant 96 : index
      %swap3A_463 = tpu.vector_load %arg15[%swap3A_461, %swap3A_462] {strides = array<i32>} : memref<40x128xf32, #tpu.memory_space<vmem>>, vector<1x16xf32>,
      %swap3A_464 = vector.shape_cast %swap3A_463 : vector<1x16xf32> to vector<16xf32>
      %swap3A_465 = vector.shape_cast %mul3A_460 : vector<16xf32> to vector<1x16xf32>
      tpu.vector_store %arg15[%swap3A_461, %swap3A_462], %swap3A_465 {strides = array<i32>} : memref<40x128xf32, #tpu.memory_space<vmem>>, vector<1x16xf32>,
      %get3A_466 = arith.index_cast %scan3A_393 : i32 to index
      %get3A_467 = arith.constant 112 : index
      %get3A_468 = tpu.vector_load %arg15[%get3A_466, %get3A_467] {strides = array<i32>} : memref<40x128xf32, #tpu.memory_space<vmem>>, vector<1x16xf32>,
      %get3A_469 = vector.shape_cast %get3A_468 : vector<1x16xf32> to vector<16xf32>
      %mul3A_470 = arith.mulf %get3A_469, %get3A_396 : vector<16xf32>
      %swap3A_471 = arith.index_cast %scan3A_393 : i32 to index
      %swap3A_472 = arith.constant 112 : index
      %swap3A_473 = tpu.vector_load %arg15[%swap3A_471, %swap3A_472] {strides = array<i32>} : memref<40x128xf32, #tpu.memory_space<vmem>>, vector<1x16xf32>,
      %swap3A_474 = vector.shape_cast %swap3A_473 : vector<1x16xf32> to vector<16xf32>
      %swap3A_475 = vector.shape_cast %mul3A_470 : vector<16xf32> to vector<1x16xf32>
      tpu.vector_store %arg15[%swap3A_471, %swap3A_472], %swap3A_475 {strides = array<i32>} : memref<40x128xf32, #tpu.memory_space<vmem>>, vector<1x16xf32>,
    }
    %scan3A_244 = arith.constant 40 : i32
    %dma_start3A_245 = arith.constant 1 : i32
    %dma_start3A_246 = arith.constant 0 : i32
    %dma_start3A_247 = tpu.memref_slice %arg7[%dma_start3A_245, %dma_start3A_246] : memref<2x40xi32, #tpu.memory_space<vmem>> -> memref<1x40xi32, #tpu.memory_space<vmem>>
    %dma_start3A_248 = tpu.memref_squeeze %dma_start3A_247 : memref<1x40xi32, #tpu.memory_space<vmem>> -> memref<40xi32, #tpu.memory_space<vmem>>
    %dma_start3A_249 = arith.constant 0 : i32
    %dma_start3A_250 = arith.constant 0 : i32
    %dma_start3A_251 = tpu.memref_slice %arg18[%dma_start3A_249, %dma_start3A_250] : memref<10000x128xf32, #tpu.memory_space<vmem_shared>> -> memref<10000x128xf32, #tpu.memory_space<vmem_shared>>
    tpu.enqueue_indirect_dma source(%arg15 : memref<40x128xf32, #tpu.memory_space<vmem>>) target(%dma_start3A_251 : memref<10000x128xf32, #tpu.memory_space<vmem_shared>>) offsets(%dma_start3A_248 : memref<40xi32, #tpu.memory_space<vmem>>) semaphore(%arg32 : memref<!tpu.dma_semaphore, #tpu.memory_space<semaphore_mem>>) {add = true}
    %dma_wait3A_252 = arith.constant 1 : i32
    %dma_wait3A_253 = arith.constant 0 : i32
    %dma_wait3A_254 = tpu.memref_slice %arg6[%dma_wait3A_252, %dma_wait3A_253] : memref<2x40xi32, #tpu.memory_space<vmem>> -> memref<1x40xi32, #tpu.memory_space<vmem>>
    %dma_wait3A_255 = tpu.memref_squeeze %dma_wait3A_254 : memref<1x40xi32, #tpu.memory_space<vmem>> -> memref<40xi32, #tpu.memory_space<vmem>>
    %dma_wait3A_256 = arith.constant 0 : i32
    %dma_wait3A_257 = arith.constant 0 : i32
    %dma_wait3A_258 = tpu.memref_slice %arg18[%dma_wait3A_256, %dma_wait3A_257] : memref<10000x128xf32, #tpu.memory_space<vmem_shared>> -> memref<10000x128xf32, #tpu.memory_space<vmem_shared>>
    tpu.wait_indirect_dma semaphore(%arg31 : memref<!tpu.dma_semaphore, #tpu.memory_space<semaphore_mem>>) src(%arg14 : memref<40x128xf32, #tpu.memory_space<vmem>>) dst(%dma_wait3A_258 : memref<10000x128xf32, #tpu.memory_space<vmem_shared>>)
    %dma_wait3A_259 = arith.constant 1 : i32
    %dma_wait3A_260 = arith.constant 0 : i32
    %dma_wait3A_261 = tpu.memref_slice %arg7[%dma_wait3A_259, %dma_wait3A_260] : memref<2x40xi32, #tpu.memory_space<vmem>> -> memref<1x40xi32, #tpu.memory_space<vmem>>
    %dma_wait3A_262 = tpu.memref_squeeze %dma_wait3A_261 : memref<1x40xi32, #tpu.memory_space<vmem>> -> memref<40xi32, #tpu.memory_space<vmem>>
    %dma_wait3A_263 = arith.constant 0 : i32
    %dma_wait3A_264 = arith.constant 0 : i32
    %dma_wait3A_265 = tpu.memref_slice %arg18[%dma_wait3A_263, %dma_wait3A_264] : memref<10000x128xf32, #tpu.memory_space<vmem_shared>> -> memref<10000x128xf32, #tpu.memory_space<vmem_shared>>
    tpu.wait_indirect_dma semaphore(%arg32 : memref<!tpu.dma_semaphore, #tpu.memory_space<semaphore_mem>>) src(%arg15 : memref<40x128xf32, #tpu.memory_space<vmem>>) dst(%dma_wait3A_265 : memref<10000x128xf32, #tpu.memory_space<vmem_shared>>)
    %dma_wait3A_266 = arith.constant 1 : i32
    %dma_wait3A_267 = arith.constant 0 : i32
    %dma_wait3A_268 = tpu.memref_slice %arg8[%dma_wait3A_266, %dma_wait3A_267] : memref<2x40xi32, #tpu.memory_space<vmem>> -> memref<1x40xi32, #tpu.memory_space<vmem>>
    %dma_wait3A_269 = tpu.memref_squeeze %dma_wait3A_268 : memref<1x40xi32, #tpu.memory_space<vmem>> -> memref<40xi32, #tpu.memory_space<vmem>>
    %dma_wait3A_270 = arith.constant 0 : i32
    %dma_wait3A_271 = arith.constant 0 : i32
    %dma_wait3A_272 = tpu.memref_slice %arg18[%dma_wait3A_270, %dma_wait3A_271] : memref<10000x128xf32, #tpu.memory_space<vmem_shared>> -> memref<10000x128xf32, #tpu.memory_space<vmem_shared>>
    tpu.wait_indirect_dma semaphore(%arg33 : memref<!tpu.dma_semaphore, #tpu.memory_space<semaphore_mem>>) src(%arg16 : memref<40x128xf32, #tpu.memory_space<vmem>>) dst(%dma_wait3A_272 : memref<10000x128xf32, #tpu.memory_space<vmem_shared>>)
    %dma_wait3A_273 = arith.constant 1 : i32
    %dma_wait3A_274 = arith.constant 0 : i32
    %dma_wait3A_275 = tpu.memref_slice %arg9[%dma_wait3A_273, %dma_wait3A_274] : memref<2x40xi32, #tpu.memory_space<vmem>> -> memref<1x40xi32, #tpu.memory_space<vmem>>
    %dma_wait3A_276 = tpu.memref_squeeze %dma_wait3A_275 : memref<1x40xi32, #tpu.memory_space<vmem>> -> memref<40xi32, #tpu.memory_space<vmem>>
    %dma_wait3A_277 = arith.constant 0 : i32
    %dma_wait3A_278 = arith.constant 0 : i32
    %dma_wait3A_279 = tpu.memref_slice %arg18[%dma_wait3A_277, %dma_wait3A_278] : memref<10000x128xf32, #tpu.memory_space<vmem_shared>> -> memref<10000x128xf32, #tpu.memory_space<vmem_shared>>
    tpu.wait_indirect_dma semaphore(%arg34 : memref<!tpu.dma_semaphore, #tpu.memory_space<semaphore_mem>>) src(%arg17 : memref<40x128xf32, #tpu.memory_space<vmem>>) dst(%dma_wait3A_279 : memref<10000x128xf32, #tpu.memory_space<vmem_shared>>)
    %barrier3A_280 = arith.constant 0 : index
    tpu.barrier barrier_id(%barrier3A_280)
    %add3A_281 = arith.constant 0 : i32
    %add3A_282 = arith.addi %add3A_281, %arg1 : i32
    %lt3A_283 = arith.constant 250 : i32
    %lt3A_284 = arith.cmpi slt, %add3A_282, %lt3A_283 : i32
    %convert_element_type3A_285 = arith.extui %lt3A_284 : i1 to i32
    %cond3A_286 = arith.constant 0 : i32
    %cond3A_287 = arith.cmpi ne, %convert_element_type3A_285, %cond3A_286 : i32
    scf.if %cond3A_287 {
      %mul3A_393 = arith.constant 40 : i32
      %mul3A_394 = arith.muli %add3A_282, %mul3A_393 : i32
      %mul3A_395 = arith.constant 40 : i32
      %mul3A_396 = arith.muli %add3A_282, %mul3A_395 : i32
      "tpu.region"() ({
        %run_scoped3A = tpu.sem_alloc : memref<!tpu.dma_semaphore, #tpu.memory_space<semaphore_mem>>
        %dma_start3A_397 = arith.constant 0 : i32
        %dma_start3A_398 = tpu.memref_slice %arg5[%arg0, %mul3A_396, %dma_start3A_397] : memref<2x10000x128xf32, #tpu.memory_space<hbm>> -> memref<1x40x128xf32, #tpu.memory_space<hbm>>
        %dma_start3A_399 = tpu.memref_squeeze %dma_start3A_398 : memref<1x40x128xf32, #tpu.memory_space<hbm>> -> memref<40x128xf32, #tpu.memory_space<hbm>>
        %dma_start3A_400 = arith.constant 0 : i32
        %dma_start3A_401 = tpu.memref_slice %arg18[%mul3A_394, %dma_start3A_400] : memref<10000x128xf32, #tpu.memory_space<vmem_shared>> -> memref<40x128xf32, #tpu.memory_space<vmem_shared>>
        tpu.enqueue_dma source(%dma_start3A_401 : memref<40x128xf32, #tpu.memory_space<vmem_shared>>) target(%dma_start3A_399 : memref<40x128xf32, #tpu.memory_space<hbm>>) target_semaphore(%run_scoped3A : memref<!tpu.dma_semaphore, #tpu.memory_space<semaphore_mem>>)
        %dma_wait3A_402 = arith.constant 0 : i32
        %dma_wait3A_403 = tpu.memref_slice %arg5[%arg0, %mul3A_396, %dma_wait3A_402] : memref<2x10000x128xf32, #tpu.memory_space<hbm>> -> memref<1x40x128xf32, #tpu.memory_space<hbm>>
        %dma_wait3A_404 = tpu.memref_squeeze %dma_wait3A_403 : memref<1x40x128xf32, #tpu.memory_space<hbm>> -> memref<40x128xf32, #tpu.memory_space<hbm>>
        %dma_wait3A_405 = arith.constant 0 : i32
        %dma_wait3A_406 = tpu.memref_slice %arg18[%mul3A_394, %dma_wait3A_405] : memref<10000x128xf32, #tpu.memory_space<vmem_shared>> -> memref<40x128xf32, #tpu.memory_space<vmem_shared>>
        tpu.wait_dma2 semaphore(%run_scoped3A : memref<!tpu.dma_semaphore, #tpu.memory_space<semaphore_mem>>) src(%dma_wait3A_406 : memref<40x128xf32, #tpu.memory_space<vmem_shared>>) dst(%dma_wait3A_404 : memref<40x128xf32, #tpu.memory_space<hbm>>)
        tpu.yield
      }) : () -> ()
    } else {
    }
    %add3A_288 = arith.constant 16 : i32
    %add3A_289 = arith.addi %add3A_288, %arg1 : i32
    %lt3A_290 = arith.constant 250 : i32
    %lt3A_291 = arith.cmpi slt, %add3A_289, %lt3A_290 : i32
    %convert_element_type3A_292 = arith.extui %lt3A_291 : i1 to i32
    %cond3A_293 = arith.constant 0 : i32
    %cond3A_294 = arith.cmpi ne, %convert_element_type3A_292, %cond3A_293 : i32
    scf.if %cond3A_294 {
      %mul3A_393 = arith.constant 40 : i32
      %mul3A_394 = arith.muli %add3A_289, %mul3A_393 : i32
      %mul3A_395 = arith.constant 40 : i32
      %mul3A_396 = arith.muli %add3A_289, %mul3A_395 : i32
      "tpu.region"() ({
        %run_scoped3A = tpu.sem_alloc : memref<!tpu.dma_semaphore, #tpu.memory_space<semaphore_mem>>
        %dma_start3A_397 = arith.constant 0 : i32
        %dma_start3A_398 = tpu.memref_slice %arg5[%arg0, %mul3A_396, %dma_start3A_397] : memref<2x10000x128xf32, #tpu.memory_space<hbm>> -> memref<1x40x128xf32, #tpu.memory_space<hbm>>
        %dma_start3A_399 = tpu.memref_squeeze %dma_start3A_398 : memref<1x40x128xf32, #tpu.memory_space<hbm>> -> memref<40x128xf32, #tpu.memory_space<hbm>>
        %dma_start3A_400 = arith.constant 0 : i32
        %dma_start3A_401 = tpu.memref_slice %arg18[%mul3A_394, %dma_start3A_400] : memref<10000x128xf32, #tpu.memory_space<vmem_shared>> -> memref<40x128xf32, #tpu.memory_space<vmem_shared>>
        tpu.enqueue_dma source(%dma_start3A_401 : memref<40x128xf32, #tpu.memory_space<vmem_shared>>) target(%dma_start3A_399 : memref<40x128xf32, #tpu.memory_space<hbm>>) target_semaphore(%run_scoped3A : memref<!tpu.dma_semaphore, #tpu.memory_space<semaphore_mem>>)
        %dma_wait3A_402 = arith.constant 0 : i32
        %dma_wait3A_403 = tpu.memref_slice %arg5[%arg0, %mul3A_396, %dma_wait3A_402] : memref<2x10000x128xf32, #tpu.memory_space<hbm>> -> memref<1x40x128xf32, #tpu.memory_space<hbm>>
        %dma_wait3A_404 = tpu.memref_squeeze %dma_wait3A_403 : memref<1x40x128xf32, #tpu.memory_space<hbm>> -> memref<40x128xf32, #tpu.memory_space<hbm>>
        %dma_wait3A_405 = arith.constant 0 : i32
        %dma_wait3A_406 = tpu.memref_slice %arg18[%mul3A_394, %dma_wait3A_405] : memref<10000x128xf32, #tpu.memory_space<vmem_shared>> -> memref<40x128xf32, #tpu.memory_space<vmem_shared>>
        tpu.wait_dma2 semaphore(%run_scoped3A : memref<!tpu.dma_semaphore, #tpu.memory_space<semaphore_mem>>) src(%dma_wait3A_406 : memref<40x128xf32, #tpu.memory_space<vmem_shared>>) dst(%dma_wait3A_404 : memref<40x128xf32, #tpu.memory_space<hbm>>)
        tpu.yield
      }) : () -> ()
    } else {
    }
    %add3A_295 = arith.constant 32 : i32
    %add3A_296 = arith.addi %add3A_295, %arg1 : i32
    %lt3A_297 = arith.constant 250 : i32
    %lt3A_298 = arith.cmpi slt, %add3A_296, %lt3A_297 : i32
    %convert_element_type3A_299 = arith.extui %lt3A_298 : i1 to i32
    %cond3A_300 = arith.constant 0 : i32
    %cond3A_301 = arith.cmpi ne, %convert_element_type3A_299, %cond3A_300 : i32
    scf.if %cond3A_301 {
      %mul3A_393 = arith.constant 40 : i32
      %mul3A_394 = arith.muli %add3A_296, %mul3A_393 : i32
      %mul3A_395 = arith.constant 40 : i32
      %mul3A_396 = arith.muli %add3A_296, %mul3A_395 : i32
      "tpu.region"() ({
        %run_scoped3A = tpu.sem_alloc : memref<!tpu.dma_semaphore, #tpu.memory_space<semaphore_mem>>
        %dma_start3A_397 = arith.constant 0 : i32
        %dma_start3A_398 = tpu.memref_slice %arg5[%arg0, %mul3A_396, %dma_start3A_397] : memref<2x10000x128xf32, #tpu.memory_space<hbm>> -> memref<1x40x128xf32, #tpu.memory_space<hbm>>
        %dma_start3A_399 = tpu.memref_squeeze %dma_start3A_398 : memref<1x40x128xf32, #tpu.memory_space<hbm>> -> memref<40x128xf32, #tpu.memory_space<hbm>>
        %dma_start3A_400 = arith.constant 0 : i32
        %dma_start3A_401 = tpu.memref_slice %arg18[%mul3A_394, %dma_start3A_400] : memref<10000x128xf32, #tpu.memory_space<vmem_shared>> -> memref<40x128xf32, #tpu.memory_space<vmem_shared>>
        tpu.enqueue_dma source(%dma_start3A_401 : memref<40x128xf32, #tpu.memory_space<vmem_shared>>) target(%dma_start3A_399 : memref<40x128xf32, #tpu.memory_space<hbm>>) target_semaphore(%run_scoped3A : memref<!tpu.dma_semaphore, #tpu.memory_space<semaphore_mem>>)
        %dma_wait3A_402 = arith.constant 0 : i32
        %dma_wait3A_403 = tpu.memref_slice %arg5[%arg0, %mul3A_396, %dma_wait3A_402] : memref<2x10000x128xf32, #tpu.memory_space<hbm>> -> memref<1x40x128xf32, #tpu.memory_space<hbm>>
        %dma_wait3A_404 = tpu.memref_squeeze %dma_wait3A_403 : memref<1x40x128xf32, #tpu.memory_space<hbm>> -> memref<40x128xf32, #tpu.memory_space<hbm>>
        %dma_wait3A_405 = arith.constant 0 : i32
        %dma_wait3A_406 = tpu.memref_slice %arg18[%mul3A_394, %dma_wait3A_405] : memref<10000x128xf32, #tpu.memory_space<vmem_shared>> -> memref<40x128xf32, #tpu.memory_space<vmem_shared>>
        tpu.wait_dma2 semaphore(%run_scoped3A : memref<!tpu.dma_semaphore, #tpu.memory_space<semaphore_mem>>) src(%dma_wait3A_406 : memref<40x128xf32, #tpu.memory_space<vmem_shared>>) dst(%dma_wait3A_404 : memref<40x128xf32, #tpu.memory_space<hbm>>)
        tpu.yield
      }) : () -> ()
    } else {
    }
    %add3A_302 = arith.constant 48 : i32
    %add3A_303 = arith.addi %add3A_302, %arg1 : i32
    %lt3A_304 = arith.constant 250 : i32
    %lt3A_305 = arith.cmpi slt, %add3A_303, %lt3A_304 : i32
    %convert_element_type3A_306 = arith.extui %lt3A_305 : i1 to i32
    %cond3A_307 = arith.constant 0 : i32
    %cond3A_308 = arith.cmpi ne, %convert_element_type3A_306, %cond3A_307 : i32
    scf.if %cond3A_308 {
      %mul3A_393 = arith.constant 40 : i32
      %mul3A_394 = arith.muli %add3A_303, %mul3A_393 : i32
      %mul3A_395 = arith.constant 40 : i32
      %mul3A_396 = arith.muli %add3A_303, %mul3A_395 : i32
      "tpu.region"() ({
        %run_scoped3A = tpu.sem_alloc : memref<!tpu.dma_semaphore, #tpu.memory_space<semaphore_mem>>
        %dma_start3A_397 = arith.constant 0 : i32
        %dma_start3A_398 = tpu.memref_slice %arg5[%arg0, %mul3A_396, %dma_start3A_397] : memref<2x10000x128xf32, #tpu.memory_space<hbm>> -> memref<1x40x128xf32, #tpu.memory_space<hbm>>
        %dma_start3A_399 = tpu.memref_squeeze %dma_start3A_398 : memref<1x40x128xf32, #tpu.memory_space<hbm>> -> memref<40x128xf32, #tpu.memory_space<hbm>>
        %dma_start3A_400 = arith.constant 0 : i32
        %dma_start3A_401 = tpu.memref_slice %arg18[%mul3A_394, %dma_start3A_400] : memref<10000x128xf32, #tpu.memory_space<vmem_shared>> -> memref<40x128xf32, #tpu.memory_space<vmem_shared>>
        tpu.enqueue_dma source(%dma_start3A_401 : memref<40x128xf32, #tpu.memory_space<vmem_shared>>) target(%dma_start3A_399 : memref<40x128xf32, #tpu.memory_space<hbm>>) target_semaphore(%run_scoped3A : memref<!tpu.dma_semaphore, #tpu.memory_space<semaphore_mem>>)
        %dma_wait3A_402 = arith.constant 0 : i32
        %dma_wait3A_403 = tpu.memref_slice %arg5[%arg0, %mul3A_396, %dma_wait3A_402] : memref<2x10000x128xf32, #tpu.memory_space<hbm>> -> memref<1x40x128xf32, #tpu.memory_space<hbm>>
        %dma_wait3A_404 = tpu.memref_squeeze %dma_wait3A_403 : memref<1x40x128xf32, #tpu.memory_space<hbm>> -> memref<40x128xf32, #tpu.memory_space<hbm>>
        %dma_wait3A_405 = arith.constant 0 : i32
        %dma_wait3A_406 = tpu.memref_slice %arg18[%mul3A_394, %dma_wait3A_405] : memref<10000x128xf32, #tpu.memory_space<vmem_shared>> -> memref<40x128xf32, #tpu.memory_space<vmem_shared>>
        tpu.wait_dma2 semaphore(%run_scoped3A : memref<!tpu.dma_semaphore, #tpu.memory_space<semaphore_mem>>) src(%dma_wait3A_406 : memref<40x128xf32, #tpu.memory_space<vmem_shared>>) dst(%dma_wait3A_404 : memref<40x128xf32, #tpu.memory_space<hbm>>)
        tpu.yield
      }) : () -> ()
    } else {
    }
    %add3A_309 = arith.constant 64 : i32
    %add3A_310 = arith.addi %add3A_309, %arg1 : i32
    %lt3A_311 = arith.constant 250 : i32
    %lt3A_312 = arith.cmpi slt, %add3A_310, %lt3A_311 : i32
    %convert_element_type3A_313 = arith.extui %lt3A_312 : i1 to i32
    %cond3A_314 = arith.constant 0 : i32
    %cond3A_315 = arith.cmpi ne, %convert_element_type3A_313, %cond3A_314 : i32
    scf.if %cond3A_315 {
      %mul3A_393 = arith.constant 40 : i32
      %mul3A_394 = arith.muli %add3A_310, %mul3A_393 : i32
      %mul3A_395 = arith.constant 40 : i32
      %mul3A_396 = arith.muli %add3A_310, %mul3A_395 : i32
      "tpu.region"() ({
        %run_scoped3A = tpu.sem_alloc : memref<!tpu.dma_semaphore, #tpu.memory_space<semaphore_mem>>
        %dma_start3A_397 = arith.constant 0 : i32
        %dma_start3A_398 = tpu.memref_slice %arg5[%arg0, %mul3A_396, %dma_start3A_397] : memref<2x10000x128xf32, #tpu.memory_space<hbm>> -> memref<1x40x128xf32, #tpu.memory_space<hbm>>
        %dma_start3A_399 = tpu.memref_squeeze %dma_start3A_398 : memref<1x40x128xf32, #tpu.memory_space<hbm>> -> memref<40x128xf32, #tpu.memory_space<hbm>>
        %dma_start3A_400 = arith.constant 0 : i32
        %dma_start3A_401 = tpu.memref_slice %arg18[%mul3A_394, %dma_start3A_400] : memref<10000x128xf32, #tpu.memory_space<vmem_shared>> -> memref<40x128xf32, #tpu.memory_space<vmem_shared>>
        tpu.enqueue_dma source(%dma_start3A_401 : memref<40x128xf32, #tpu.memory_space<vmem_shared>>) target(%dma_start3A_399 : memref<40x128xf32, #tpu.memory_space<hbm>>) target_semaphore(%run_scoped3A : memref<!tpu.dma_semaphore, #tpu.memory_space<semaphore_mem>>)
        %dma_wait3A_402 = arith.constant 0 : i32
        %dma_wait3A_403 = tpu.memref_slice %arg5[%arg0, %mul3A_396, %dma_wait3A_402] : memref<2x10000x128xf32, #tpu.memory_space<hbm>> -> memref<1x40x128xf32, #tpu.memory_space<hbm>>
        %dma_wait3A_404 = tpu.memref_squeeze %dma_wait3A_403 : memref<1x40x128xf32, #tpu.memory_space<hbm>> -> memref<40x128xf32, #tpu.memory_space<hbm>>
        %dma_wait3A_405 = arith.constant 0 : i32
        %dma_wait3A_406 = tpu.memref_slice %arg18[%mul3A_394, %dma_wait3A_405] : memref<10000x128xf32, #tpu.memory_space<vmem_shared>> -> memref<40x128xf32, #tpu.memory_space<vmem_shared>>
        tpu.wait_dma2 semaphore(%run_scoped3A : memref<!tpu.dma_semaphore, #tpu.memory_space<semaphore_mem>>) src(%dma_wait3A_406 : memref<40x128xf32, #tpu.memory_space<vmem_shared>>) dst(%dma_wait3A_404 : memref<40x128xf32, #tpu.memory_space<hbm>>)
        tpu.yield
      }) : () -> ()
    } else {
    }
    %add3A_316 = arith.constant 80 : i32
    %add3A_317 = arith.addi %add3A_316, %arg1 : i32
    %lt3A_318 = arith.constant 250 : i32
    %lt3A_319 = arith.cmpi slt, %add3A_317, %lt3A_318 : i32
    %convert_element_type3A_320 = arith.extui %lt3A_319 : i1 to i32
    %cond3A_321 = arith.constant 0 : i32
    %cond3A_322 = arith.cmpi ne, %convert_element_type3A_320, %cond3A_321 : i32
    scf.if %cond3A_322 {
      %mul3A_393 = arith.constant 40 : i32
      %mul3A_394 = arith.muli %add3A_317, %mul3A_393 : i32
      %mul3A_395 = arith.constant 40 : i32
      %mul3A_396 = arith.muli %add3A_317, %mul3A_395 : i32
      "tpu.region"() ({
        %run_scoped3A = tpu.sem_alloc : memref<!tpu.dma_semaphore, #tpu.memory_space<semaphore_mem>>
        %dma_start3A_397 = arith.constant 0 : i32
        %dma_start3A_398 = tpu.memref_slice %arg5[%arg0, %mul3A_396, %dma_start3A_397] : memref<2x10000x128xf32, #tpu.memory_space<hbm>> -> memref<1x40x128xf32, #tpu.memory_space<hbm>>
        %dma_start3A_399 = tpu.memref_squeeze %dma_start3A_398 : memref<1x40x128xf32, #tpu.memory_space<hbm>> -> memref<40x128xf32, #tpu.memory_space<hbm>>
        %dma_start3A_400 = arith.constant 0 : i32
        %dma_start3A_401 = tpu.memref_slice %arg18[%mul3A_394, %dma_start3A_400] : memref<10000x128xf32, #tpu.memory_space<vmem_shared>> -> memref<40x128xf32, #tpu.memory_space<vmem_shared>>
        tpu.enqueue_dma source(%dma_start3A_401 : memref<40x128xf32, #tpu.memory_space<vmem_shared>>) target(%dma_start3A_399 : memref<40x128xf32, #tpu.memory_space<hbm>>) target_semaphore(%run_scoped3A : memref<!tpu.dma_semaphore, #tpu.memory_space<semaphore_mem>>)
        %dma_wait3A_402 = arith.constant 0 : i32
        %dma_wait3A_403 = tpu.memref_slice %arg5[%arg0, %mul3A_396, %dma_wait3A_402] : memref<2x10000x128xf32, #tpu.memory_space<hbm>> -> memref<1x40x128xf32, #tpu.memory_space<hbm>>
        %dma_wait3A_404 = tpu.memref_squeeze %dma_wait3A_403 : memref<1x40x128xf32, #tpu.memory_space<hbm>> -> memref<40x128xf32, #tpu.memory_space<hbm>>
        %dma_wait3A_405 = arith.constant 0 : i32
        %dma_wait3A_406 = tpu.memref_slice %arg18[%mul3A_394, %dma_wait3A_405] : memref<10000x128xf32, #tpu.memory_space<vmem_shared>> -> memref<40x128xf32, #tpu.memory_space<vmem_shared>>
        tpu.wait_dma2 semaphore(%run_scoped3A : memref<!tpu.dma_semaphore, #tpu.memory_space<semaphore_mem>>) src(%dma_wait3A_406 : memref<40x128xf32, #tpu.memory_space<vmem_shared>>) dst(%dma_wait3A_404 : memref<40x128xf32, #tpu.memory_space<hbm>>)
        tpu.yield
      }) : () -> ()
    } else {
    }
    %add3A_323 = arith.constant 96 : i32
    %add3A_324 = arith.addi %add3A_323, %arg1 : i32
    %lt3A_325 = arith.constant 250 : i32
    %lt3A_326 = arith.cmpi slt, %add3A_324, %lt3A_325 : i32
    %convert_element_type3A_327 = arith.extui %lt3A_326 : i1 to i32
    %cond3A_328 = arith.constant 0 : i32
    %cond3A_329 = arith.cmpi ne, %convert_element_type3A_327, %cond3A_328 : i32
    scf.if %cond3A_329 {
      %mul3A_393 = arith.constant 40 : i32
      %mul3A_394 = arith.muli %add3A_324, %mul3A_393 : i32
      %mul3A_395 = arith.constant 40 : i32
      %mul3A_396 = arith.muli %add3A_324, %mul3A_395 : i32
      "tpu.region"() ({
        %run_scoped3A = tpu.sem_alloc : memref<!tpu.dma_semaphore, #tpu.memory_space<semaphore_mem>>
        %dma_start3A_397 = arith.constant 0 : i32
        %dma_start3A_398 = tpu.memref_slice %arg5[%arg0, %mul3A_396, %dma_start3A_397] : memref<2x10000x128xf32, #tpu.memory_space<hbm>> -> memref<1x40x128xf32, #tpu.memory_space<hbm>>
        %dma_start3A_399 = tpu.memref_squeeze %dma_start3A_398 : memref<1x40x128xf32, #tpu.memory_space<hbm>> -> memref<40x128xf32, #tpu.memory_space<hbm>>
        %dma_start3A_400 = arith.constant 0 : i32
        %dma_start3A_401 = tpu.memref_slice %arg18[%mul3A_394, %dma_start3A_400] : memref<10000x128xf32, #tpu.memory_space<vmem_shared>> -> memref<40x128xf32, #tpu.memory_space<vmem_shared>>
        tpu.enqueue_dma source(%dma_start3A_401 : memref<40x128xf32, #tpu.memory_space<vmem_shared>>) target(%dma_start3A_399 : memref<40x128xf32, #tpu.memory_space<hbm>>) target_semaphore(%run_scoped3A : memref<!tpu.dma_semaphore, #tpu.memory_space<semaphore_mem>>)
        %dma_wait3A_402 = arith.constant 0 : i32
        %dma_wait3A_403 = tpu.memref_slice %arg5[%arg0, %mul3A_396, %dma_wait3A_402] : memref<2x10000x128xf32, #tpu.memory_space<hbm>> -> memref<1x40x128xf32, #tpu.memory_space<hbm>>
        %dma_wait3A_404 = tpu.memref_squeeze %dma_wait3A_403 : memref<1x40x128xf32, #tpu.memory_space<hbm>> -> memref<40x128xf32, #tpu.memory_space<hbm>>
        %dma_wait3A_405 = arith.constant 0 : i32
        %dma_wait3A_406 = tpu.memref_slice %arg18[%mul3A_394, %dma_wait3A_405] : memref<10000x128xf32, #tpu.memory_space<vmem_shared>> -> memref<40x128xf32, #tpu.memory_space<vmem_shared>>
        tpu.wait_dma2 semaphore(%run_scoped3A : memref<!tpu.dma_semaphore, #tpu.memory_space<semaphore_mem>>) src(%dma_wait3A_406 : memref<40x128xf32, #tpu.memory_space<vmem_shared>>) dst(%dma_wait3A_404 : memref<40x128xf32, #tpu.memory_space<hbm>>)
        tpu.yield
      }) : () -> ()
    } else {
    }
    %add3A_330 = arith.constant 112 : i32
    %add3A_331 = arith.addi %add3A_330, %arg1 : i32
    %lt3A_332 = arith.constant 250 : i32
    %lt3A_333 = arith.cmpi slt, %add3A_331, %lt3A_332 : i32
    %convert_element_type3A_334 = arith.extui %lt3A_333 : i1 to i32
    %cond3A_335 = arith.constant 0 : i32
    %cond3A_336 = arith.cmpi ne, %convert_element_type3A_334, %cond3A_335 : i32
    scf.if %cond3A_336 {
      %mul3A_393 = arith.constant 40 : i32
      %mul3A_394 = arith.muli %add3A_331, %mul3A_393 : i32
      %mul3A_395 = arith.constant 40 : i32
      %mul3A_396 = arith.muli %add3A_331, %mul3A_395 : i32
      "tpu.region"() ({
        %run_scoped3A = tpu.sem_alloc : memref<!tpu.dma_semaphore, #tpu.memory_space<semaphore_mem>>
        %dma_start3A_397 = arith.constant 0 : i32
        %dma_start3A_398 = tpu.memref_slice %arg5[%arg0, %mul3A_396, %dma_start3A_397] : memref<2x10000x128xf32, #tpu.memory_space<hbm>> -> memref<1x40x128xf32, #tpu.memory_space<hbm>>
        %dma_start3A_399 = tpu.memref_squeeze %dma_start3A_398 : memref<1x40x128xf32, #tpu.memory_space<hbm>> -> memref<40x128xf32, #tpu.memory_space<hbm>>
        %dma_start3A_400 = arith.constant 0 : i32
        %dma_start3A_401 = tpu.memref_slice %arg18[%mul3A_394, %dma_start3A_400] : memref<10000x128xf32, #tpu.memory_space<vmem_shared>> -> memref<40x128xf32, #tpu.memory_space<vmem_shared>>
        tpu.enqueue_dma source(%dma_start3A_401 : memref<40x128xf32, #tpu.memory_space<vmem_shared>>) target(%dma_start3A_399 : memref<40x128xf32, #tpu.memory_space<hbm>>) target_semaphore(%run_scoped3A : memref<!tpu.dma_semaphore, #tpu.memory_space<semaphore_mem>>)
        %dma_wait3A_402 = arith.constant 0 : i32
        %dma_wait3A_403 = tpu.memref_slice %arg5[%arg0, %mul3A_396, %dma_wait3A_402] : memref<2x10000x128xf32, #tpu.memory_space<hbm>> -> memref<1x40x128xf32, #tpu.memory_space<hbm>>
        %dma_wait3A_404 = tpu.memref_squeeze %dma_wait3A_403 : memref<1x40x128xf32, #tpu.memory_space<hbm>> -> memref<40x128xf32, #tpu.memory_space<hbm>>
        %dma_wait3A_405 = arith.constant 0 : i32
        %dma_wait3A_406 = tpu.memref_slice %arg18[%mul3A_394, %dma_wait3A_405] : memref<10000x128xf32, #tpu.memory_space<vmem_shared>> -> memref<40x128xf32, #tpu.memory_space<vmem_shared>>
        tpu.wait_dma2 semaphore(%run_scoped3A : memref<!tpu.dma_semaphore, #tpu.memory_space<semaphore_mem>>) src(%dma_wait3A_406 : memref<40x128xf32, #tpu.memory_space<vmem_shared>>) dst(%dma_wait3A_404 : memref<40x128xf32, #tpu.memory_space<hbm>>)
        tpu.yield
      }) : () -> ()
    } else {
    }
    %add3A_337 = arith.constant 128 : i32
    %add3A_338 = arith.addi %add3A_337, %arg1 : i32
    %lt3A_339 = arith.constant 250 : i32
    %lt3A_340 = arith.cmpi slt, %add3A_338, %lt3A_339 : i32
    %convert_element_type3A_341 = arith.extui %lt3A_340 : i1 to i32
    %cond3A_342 = arith.constant 0 : i32
    %cond3A_343 = arith.cmpi ne, %convert_element_type3A_341, %cond3A_342 : i32
    scf.if %cond3A_343 {
      %mul3A_393 = arith.constant 40 : i32
      %mul3A_394 = arith.muli %add3A_338, %mul3A_393 : i32
      %mul3A_395 = arith.constant 40 : i32
      %mul3A_396 = arith.muli %add3A_338, %mul3A_395 : i32
      "tpu.region"() ({
        %run_scoped3A = tpu.sem_alloc : memref<!tpu.dma_semaphore, #tpu.memory_space<semaphore_mem>>
        %dma_start3A_397 = arith.constant 0 : i32
        %dma_start3A_398 = tpu.memref_slice %arg5[%arg0, %mul3A_396, %dma_start3A_397] : memref<2x10000x128xf32, #tpu.memory_space<hbm>> -> memref<1x40x128xf32, #tpu.memory_space<hbm>>
        %dma_start3A_399 = tpu.memref_squeeze %dma_start3A_398 : memref<1x40x128xf32, #tpu.memory_space<hbm>> -> memref<40x128xf32, #tpu.memory_space<hbm>>
        %dma_start3A_400 = arith.constant 0 : i32
        %dma_start3A_401 = tpu.memref_slice %arg18[%mul3A_394, %dma_start3A_400] : memref<10000x128xf32, #tpu.memory_space<vmem_shared>> -> memref<40x128xf32, #tpu.memory_space<vmem_shared>>
        tpu.enqueue_dma source(%dma_start3A_401 : memref<40x128xf32, #tpu.memory_space<vmem_shared>>) target(%dma_start3A_399 : memref<40x128xf32, #tpu.memory_space<hbm>>) target_semaphore(%run_scoped3A : memref<!tpu.dma_semaphore, #tpu.memory_space<semaphore_mem>>)
        %dma_wait3A_402 = arith.constant 0 : i32
        %dma_wait3A_403 = tpu.memref_slice %arg5[%arg0, %mul3A_396, %dma_wait3A_402] : memref<2x10000x128xf32, #tpu.memory_space<hbm>> -> memref<1x40x128xf32, #tpu.memory_space<hbm>>
        %dma_wait3A_404 = tpu.memref_squeeze %dma_wait3A_403 : memref<1x40x128xf32, #tpu.memory_space<hbm>> -> memref<40x128xf32, #tpu.memory_space<hbm>>
        %dma_wait3A_405 = arith.constant 0 : i32
        %dma_wait3A_406 = tpu.memref_slice %arg18[%mul3A_394, %dma_wait3A_405] : memref<10000x128xf32, #tpu.memory_space<vmem_shared>> -> memref<40x128xf32, #tpu.memory_space<vmem_shared>>
        tpu.wait_dma2 semaphore(%run_scoped3A : memref<!tpu.dma_semaphore, #tpu.memory_space<semaphore_mem>>) src(%dma_wait3A_406 : memref<40x128xf32, #tpu.memory_space<vmem_shared>>) dst(%dma_wait3A_404 : memref<40x128xf32, #tpu.memory_space<hbm>>)
        tpu.yield
      }) : () -> ()
    } else {
    }
    %add3A_344 = arith.constant 144 : i32
    %add3A_345 = arith.addi %add3A_344, %arg1 : i32
    %lt3A_346 = arith.constant 250 : i32
    %lt3A_347 = arith.cmpi slt, %add3A_345, %lt3A_346 : i32
    %convert_element_type3A_348 = arith.extui %lt3A_347 : i1 to i32
    %cond3A_349 = arith.constant 0 : i32
    %cond3A_350 = arith.cmpi ne, %convert_element_type3A_348, %cond3A_349 : i32
    scf.if %cond3A_350 {
      %mul3A_393 = arith.constant 40 : i32
      %mul3A_394 = arith.muli %add3A_345, %mul3A_393 : i32
      %mul3A_395 = arith.constant 40 : i32
      %mul3A_396 = arith.muli %add3A_345, %mul3A_395 : i32
      "tpu.region"() ({
        %run_scoped3A = tpu.sem_alloc : memref<!tpu.dma_semaphore, #tpu.memory_space<semaphore_mem>>
        %dma_start3A_397 = arith.constant 0 : i32
        %dma_start3A_398 = tpu.memref_slice %arg5[%arg0, %mul3A_396, %dma_start3A_397] : memref<2x10000x128xf32, #tpu.memory_space<hbm>> -> memref<1x40x128xf32, #tpu.memory_space<hbm>>
        %dma_start3A_399 = tpu.memref_squeeze %dma_start3A_398 : memref<1x40x128xf32, #tpu.memory_space<hbm>> -> memref<40x128xf32, #tpu.memory_space<hbm>>
        %dma_start3A_400 = arith.constant 0 : i32
        %dma_start3A_401 = tpu.memref_slice %arg18[%mul3A_394, %dma_start3A_400] : memref<10000x128xf32, #tpu.memory_space<vmem_shared>> -> memref<40x128xf32, #tpu.memory_space<vmem_shared>>
        tpu.enqueue_dma source(%dma_start3A_401 : memref<40x128xf32, #tpu.memory_space<vmem_shared>>) target(%dma_start3A_399 : memref<40x128xf32, #tpu.memory_space<hbm>>) target_semaphore(%run_scoped3A : memref<!tpu.dma_semaphore, #tpu.memory_space<semaphore_mem>>)
        %dma_wait3A_402 = arith.constant 0 : i32
        %dma_wait3A_403 = tpu.memref_slice %arg5[%arg0, %mul3A_396, %dma_wait3A_402] : memref<2x10000x128xf32, #tpu.memory_space<hbm>> -> memref<1x40x128xf32, #tpu.memory_space<hbm>>
        %dma_wait3A_404 = tpu.memref_squeeze %dma_wait3A_403 : memref<1x40x128xf32, #tpu.memory_space<hbm>> -> memref<40x128xf32, #tpu.memory_space<hbm>>
        %dma_wait3A_405 = arith.constant 0 : i32
        %dma_wait3A_406 = tpu.memref_slice %arg18[%mul3A_394, %dma_wait3A_405] : memref<10000x128xf32, #tpu.memory_space<vmem_shared>> -> memref<40x128xf32, #tpu.memory_space<vmem_shared>>
        tpu.wait_dma2 semaphore(%run_scoped3A : memref<!tpu.dma_semaphore, #tpu.memory_space<semaphore_mem>>) src(%dma_wait3A_406 : memref<40x128xf32, #tpu.memory_space<vmem_shared>>) dst(%dma_wait3A_404 : memref<40x128xf32, #tpu.memory_space<hbm>>)
        tpu.yield
      }) : () -> ()
    } else {
    }
    %add3A_351 = arith.constant 160 : i32
    %add3A_352 = arith.addi %add3A_351, %arg1 : i32
    %lt3A_353 = arith.constant 250 : i32
    %lt3A_354 = arith.cmpi slt, %add3A_352, %lt3A_353 : i32
    %convert_element_type3A_355 = arith.extui %lt3A_354 : i1 to i32
    %cond3A_356 = arith.constant 0 : i32
    %cond3A_357 = arith.cmpi ne, %convert_element_type3A_355, %cond3A_356 : i32
    scf.if %cond3A_357 {
      %mul3A_393 = arith.constant 40 : i32
      %mul3A_394 = arith.muli %add3A_352, %mul3A_393 : i32
      %mul3A_395 = arith.constant 40 : i32
      %mul3A_396 = arith.muli %add3A_352, %mul3A_395 : i32
      "tpu.region"() ({
        %run_scoped3A = tpu.sem_alloc : memref<!tpu.dma_semaphore, #tpu.memory_space<semaphore_mem>>
        %dma_start3A_397 = arith.constant 0 : i32
        %dma_start3A_398 = tpu.memref_slice %arg5[%arg0, %mul3A_396, %dma_start3A_397] : memref<2x10000x128xf32, #tpu.memory_space<hbm>> -> memref<1x40x128xf32, #tpu.memory_space<hbm>>
        %dma_start3A_399 = tpu.memref_squeeze %dma_start3A_398 : memref<1x40x128xf32, #tpu.memory_space<hbm>> -> memref<40x128xf32, #tpu.memory_space<hbm>>
        %dma_start3A_400 = arith.constant 0 : i32
        %dma_start3A_401 = tpu.memref_slice %arg18[%mul3A_394, %dma_start3A_400] : memref<10000x128xf32, #tpu.memory_space<vmem_shared>> -> memref<40x128xf32, #tpu.memory_space<vmem_shared>>
        tpu.enqueue_dma source(%dma_start3A_401 : memref<40x128xf32, #tpu.memory_space<vmem_shared>>) target(%dma_start3A_399 : memref<40x128xf32, #tpu.memory_space<hbm>>) target_semaphore(%run_scoped3A : memref<!tpu.dma_semaphore, #tpu.memory_space<semaphore_mem>>)
        %dma_wait3A_402 = arith.constant 0 : i32
        %dma_wait3A_403 = tpu.memref_slice %arg5[%arg0, %mul3A_396, %dma_wait3A_402] : memref<2x10000x128xf32, #tpu.memory_space<hbm>> -> memref<1x40x128xf32, #tpu.memory_space<hbm>>
        %dma_wait3A_404 = tpu.memref_squeeze %dma_wait3A_403 : memref<1x40x128xf32, #tpu.memory_space<hbm>> -> memref<40x128xf32, #tpu.memory_space<hbm>>
        %dma_wait3A_405 = arith.constant 0 : i32
        %dma_wait3A_406 = tpu.memref_slice %arg18[%mul3A_394, %dma_wait3A_405] : memref<10000x128xf32, #tpu.memory_space<vmem_shared>> -> memref<40x128xf32, #tpu.memory_space<vmem_shared>>
        tpu.wait_dma2 semaphore(%run_scoped3A : memref<!tpu.dma_semaphore, #tpu.memory_space<semaphore_mem>>) src(%dma_wait3A_406 : memref<40x128xf32, #tpu.memory_space<vmem_shared>>) dst(%dma_wait3A_404 : memref<40x128xf32, #tpu.memory_space<hbm>>)
        tpu.yield
      }) : () -> ()
    } else {
    }
    %add3A_358 = arith.constant 176 : i32
    %add3A_359 = arith.addi %add3A_358, %arg1 : i32
    %lt3A_360 = arith.constant 250 : i32
    %lt3A_361 = arith.cmpi slt, %add3A_359, %lt3A_360 : i32
    %convert_element_type3A_362 = arith.extui %lt3A_361 : i1 to i32
    %cond3A_363 = arith.constant 0 : i32
    %cond3A_364 = arith.cmpi ne, %convert_element_type3A_362, %cond3A_363 : i32
    scf.if %cond3A_364 {
      %mul3A_393 = arith.constant 40 : i32
      %mul3A_394 = arith.muli %add3A_359, %mul3A_393 : i32
      %mul3A_395 = arith.constant 40 : i32
      %mul3A_396 = arith.muli %add3A_359, %mul3A_395 : i32
      "tpu.region"() ({
        %run_scoped3A = tpu.sem_alloc : memref<!tpu.dma_semaphore, #tpu.memory_space<semaphore_mem>>
        %dma_start3A_397 = arith.constant 0 : i32
        %dma_start3A_398 = tpu.memref_slice %arg5[%arg0, %mul3A_396, %dma_start3A_397] : memref<2x10000x128xf32, #tpu.memory_space<hbm>> -> memref<1x40x128xf32, #tpu.memory_space<hbm>>
        %dma_start3A_399 = tpu.memref_squeeze %dma_start3A_398 : memref<1x40x128xf32, #tpu.memory_space<hbm>> -> memref<40x128xf32, #tpu.memory_space<hbm>>
        %dma_start3A_400 = arith.constant 0 : i32
        %dma_start3A_401 = tpu.memref_slice %arg18[%mul3A_394, %dma_start3A_400] : memref<10000x128xf32, #tpu.memory_space<vmem_shared>> -> memref<40x128xf32, #tpu.memory_space<vmem_shared>>
        tpu.enqueue_dma source(%dma_start3A_401 : memref<40x128xf32, #tpu.memory_space<vmem_shared>>) target(%dma_start3A_399 : memref<40x128xf32, #tpu.memory_space<hbm>>) target_semaphore(%run_scoped3A : memref<!tpu.dma_semaphore, #tpu.memory_space<semaphore_mem>>)
        %dma_wait3A_402 = arith.constant 0 : i32
        %dma_wait3A_403 = tpu.memref_slice %arg5[%arg0, %mul3A_396, %dma_wait3A_402] : memref<2x10000x128xf32, #tpu.memory_space<hbm>> -> memref<1x40x128xf32, #tpu.memory_space<hbm>>
        %dma_wait3A_404 = tpu.memref_squeeze %dma_wait3A_403 : memref<1x40x128xf32, #tpu.memory_space<hbm>> -> memref<40x128xf32, #tpu.memory_space<hbm>>
        %dma_wait3A_405 = arith.constant 0 : i32
        %dma_wait3A_406 = tpu.memref_slice %arg18[%mul3A_394, %dma_wait3A_405] : memref<10000x128xf32, #tpu.memory_space<vmem_shared>> -> memref<40x128xf32, #tpu.memory_space<vmem_shared>>
        tpu.wait_dma2 semaphore(%run_scoped3A : memref<!tpu.dma_semaphore, #tpu.memory_space<semaphore_mem>>) src(%dma_wait3A_406 : memref<40x128xf32, #tpu.memory_space<vmem_shared>>) dst(%dma_wait3A_404 : memref<40x128xf32, #tpu.memory_space<hbm>>)
        tpu.yield
      }) : () -> ()
    } else {
    }
    %add3A_365 = arith.constant 192 : i32
    %add3A_366 = arith.addi %add3A_365, %arg1 : i32
    %lt3A_367 = arith.constant 250 : i32
    %lt3A_368 = arith.cmpi slt, %add3A_366, %lt3A_367 : i32
    %convert_element_type3A_369 = arith.extui %lt3A_368 : i1 to i32
    %cond3A_370 = arith.constant 0 : i32
    %cond3A_371 = arith.cmpi ne, %convert_element_type3A_369, %cond3A_370 : i32
    scf.if %cond3A_371 {
      %mul3A_393 = arith.constant 40 : i32
      %mul3A_394 = arith.muli %add3A_366, %mul3A_393 : i32
      %mul3A_395 = arith.constant 40 : i32
      %mul3A_396 = arith.muli %add3A_366, %mul3A_395 : i32
      "tpu.region"() ({
        %run_scoped3A = tpu.sem_alloc : memref<!tpu.dma_semaphore, #tpu.memory_space<semaphore_mem>>
        %dma_start3A_397 = arith.constant 0 : i32
        %dma_start3A_398 = tpu.memref_slice %arg5[%arg0, %mul3A_396, %dma_start3A_397] : memref<2x10000x128xf32, #tpu.memory_space<hbm>> -> memref<1x40x128xf32, #tpu.memory_space<hbm>>
        %dma_start3A_399 = tpu.memref_squeeze %dma_start3A_398 : memref<1x40x128xf32, #tpu.memory_space<hbm>> -> memref<40x128xf32, #tpu.memory_space<hbm>>
        %dma_start3A_400 = arith.constant 0 : i32
        %dma_start3A_401 = tpu.memref_slice %arg18[%mul3A_394, %dma_start3A_400] : memref<10000x128xf32, #tpu.memory_space<vmem_shared>> -> memref<40x128xf32, #tpu.memory_space<vmem_shared>>
        tpu.enqueue_dma source(%dma_start3A_401 : memref<40x128xf32, #tpu.memory_space<vmem_shared>>) target(%dma_start3A_399 : memref<40x128xf32, #tpu.memory_space<hbm>>) target_semaphore(%run_scoped3A : memref<!tpu.dma_semaphore, #tpu.memory_space<semaphore_mem>>)
        %dma_wait3A_402 = arith.constant 0 : i32
        %dma_wait3A_403 = tpu.memref_slice %arg5[%arg0, %mul3A_396, %dma_wait3A_402] : memref<2x10000x128xf32, #tpu.memory_space<hbm>> -> memref<1x40x128xf32, #tpu.memory_space<hbm>>
        %dma_wait3A_404 = tpu.memref_squeeze %dma_wait3A_403 : memref<1x40x128xf32, #tpu.memory_space<hbm>> -> memref<40x128xf32, #tpu.memory_space<hbm>>
        %dma_wait3A_405 = arith.constant 0 : i32
        %dma_wait3A_406 = tpu.memref_slice %arg18[%mul3A_394, %dma_wait3A_405] : memref<10000x128xf32, #tpu.memory_space<vmem_shared>> -> memref<40x128xf32, #tpu.memory_space<vmem_shared>>
        tpu.wait_dma2 semaphore(%run_scoped3A : memref<!tpu.dma_semaphore, #tpu.memory_space<semaphore_mem>>) src(%dma_wait3A_406 : memref<40x128xf32, #tpu.memory_space<vmem_shared>>) dst(%dma_wait3A_404 : memref<40x128xf32, #tpu.memory_space<hbm>>)
        tpu.yield
      }) : () -> ()
    } else {
    }
    %add3A_372 = arith.constant 208 : i32
    %add3A_373 = arith.addi %add3A_372, %arg1 : i32
    %lt3A_374 = arith.constant 250 : i32
    %lt3A_375 = arith.cmpi slt, %add3A_373, %lt3A_374 : i32
    %convert_element_type3A_376 = arith.extui %lt3A_375 : i1 to i32
    %cond3A_377 = arith.constant 0 : i32
    %cond3A_378 = arith.cmpi ne, %convert_element_type3A_376, %cond3A_377 : i32
    scf.if %cond3A_378 {
      %mul3A_393 = arith.constant 40 : i32
      %mul3A_394 = arith.muli %add3A_373, %mul3A_393 : i32
      %mul3A_395 = arith.constant 40 : i32
      %mul3A_396 = arith.muli %add3A_373, %mul3A_395 : i32
      "tpu.region"() ({
        %run_scoped3A = tpu.sem_alloc : memref<!tpu.dma_semaphore, #tpu.memory_space<semaphore_mem>>
        %dma_start3A_397 = arith.constant 0 : i32
        %dma_start3A_398 = tpu.memref_slice %arg5[%arg0, %mul3A_396, %dma_start3A_397] : memref<2x10000x128xf32, #tpu.memory_space<hbm>> -> memref<1x40x128xf32, #tpu.memory_space<hbm>>
        %dma_start3A_399 = tpu.memref_squeeze %dma_start3A_398 : memref<1x40x128xf32, #tpu.memory_space<hbm>> -> memref<40x128xf32, #tpu.memory_space<hbm>>
        %dma_start3A_400 = arith.constant 0 : i32
        %dma_start3A_401 = tpu.memref_slice %arg18[%mul3A_394, %dma_start3A_400] : memref<10000x128xf32, #tpu.memory_space<vmem_shared>> -> memref<40x128xf32, #tpu.memory_space<vmem_shared>>
        tpu.enqueue_dma source(%dma_start3A_401 : memref<40x128xf32, #tpu.memory_space<vmem_shared>>) target(%dma_start3A_399 : memref<40x128xf32, #tpu.memory_space<hbm>>) target_semaphore(%run_scoped3A : memref<!tpu.dma_semaphore, #tpu.memory_space<semaphore_mem>>)
        %dma_wait3A_402 = arith.constant 0 : i32
        %dma_wait3A_403 = tpu.memref_slice %arg5[%arg0, %mul3A_396, %dma_wait3A_402] : memref<2x10000x128xf32, #tpu.memory_space<hbm>> -> memref<1x40x128xf32, #tpu.memory_space<hbm>>
        %dma_wait3A_404 = tpu.memref_squeeze %dma_wait3A_403 : memref<1x40x128xf32, #tpu.memory_space<hbm>> -> memref<40x128xf32, #tpu.memory_space<hbm>>
        %dma_wait3A_405 = arith.constant 0 : i32
        %dma_wait3A_406 = tpu.memref_slice %arg18[%mul3A_394, %dma_wait3A_405] : memref<10000x128xf32, #tpu.memory_space<vmem_shared>> -> memref<40x128xf32, #tpu.memory_space<vmem_shared>>
        tpu.wait_dma2 semaphore(%run_scoped3A : memref<!tpu.dma_semaphore, #tpu.memory_space<semaphore_mem>>) src(%dma_wait3A_406 : memref<40x128xf32, #tpu.memory_space<vmem_shared>>) dst(%dma_wait3A_404 : memref<40x128xf32, #tpu.memory_space<hbm>>)
        tpu.yield
      }) : () -> ()
    } else {
    }
    %add3A_379 = arith.constant 224 : i32
    %add3A_380 = arith.addi %add3A_379, %arg1 : i32
    %lt3A_381 = arith.constant 250 : i32
    %lt3A_382 = arith.cmpi slt, %add3A_380, %lt3A_381 : i32
    %convert_element_type3A_383 = arith.extui %lt3A_382 : i1 to i32
    %cond3A_384 = arith.constant 0 : i32
    %cond3A_385 = arith.cmpi ne, %convert_element_type3A_383, %cond3A_384 : i32
    scf.if %cond3A_385 {
      %mul3A_393 = arith.constant 40 : i32
      %mul3A_394 = arith.muli %add3A_380, %mul3A_393 : i32
      %mul3A_395 = arith.constant 40 : i32
      %mul3A_396 = arith.muli %add3A_380, %mul3A_395 : i32
      "tpu.region"() ({
        %run_scoped3A = tpu.sem_alloc : memref<!tpu.dma_semaphore, #tpu.memory_space<semaphore_mem>>
        %dma_start3A_397 = arith.constant 0 : i32
        %dma_start3A_398 = tpu.memref_slice %arg5[%arg0, %mul3A_396, %dma_start3A_397] : memref<2x10000x128xf32, #tpu.memory_space<hbm>> -> memref<1x40x128xf32, #tpu.memory_space<hbm>>
        %dma_start3A_399 = tpu.memref_squeeze %dma_start3A_398 : memref<1x40x128xf32, #tpu.memory_space<hbm>> -> memref<40x128xf32, #tpu.memory_space<hbm>>
        %dma_start3A_400 = arith.constant 0 : i32
        %dma_start3A_401 = tpu.memref_slice %arg18[%mul3A_394, %dma_start3A_400] : memref<10000x128xf32, #tpu.memory_space<vmem_shared>> -> memref<40x128xf32, #tpu.memory_space<vmem_shared>>
        tpu.enqueue_dma source(%dma_start3A_401 : memref<40x128xf32, #tpu.memory_space<vmem_shared>>) target(%dma_start3A_399 : memref<40x128xf32, #tpu.memory_space<hbm>>) target_semaphore(%run_scoped3A : memref<!tpu.dma_semaphore, #tpu.memory_space<semaphore_mem>>)
        %dma_wait3A_402 = arith.constant 0 : i32
        %dma_wait3A_403 = tpu.memref_slice %arg5[%arg0, %mul3A_396, %dma_wait3A_402] : memref<2x10000x128xf32, #tpu.memory_space<hbm>> -> memref<1x40x128xf32, #tpu.memory_space<hbm>>
        %dma_wait3A_404 = tpu.memref_squeeze %dma_wait3A_403 : memref<1x40x128xf32, #tpu.memory_space<hbm>> -> memref<40x128xf32, #tpu.memory_space<hbm>>
        %dma_wait3A_405 = arith.constant 0 : i32
        %dma_wait3A_406 = tpu.memref_slice %arg18[%mul3A_394, %dma_wait3A_405] : memref<10000x128xf32, #tpu.memory_space<vmem_shared>> -> memref<40x128xf32, #tpu.memory_space<vmem_shared>>
        tpu.wait_dma2 semaphore(%run_scoped3A : memref<!tpu.dma_semaphore, #tpu.memory_space<semaphore_mem>>) src(%dma_wait3A_406 : memref<40x128xf32, #tpu.memory_space<vmem_shared>>) dst(%dma_wait3A_404 : memref<40x128xf32, #tpu.memory_space<hbm>>)
        tpu.yield
      }) : () -> ()
    } else {
    }
    %add3A_386 = arith.constant 240 : i32
    %add3A_387 = arith.addi %add3A_386, %arg1 : i32
    %lt3A_388 = arith.constant 250 : i32
    %lt3A_389 = arith.cmpi slt, %add3A_387, %lt3A_388 : i32
    %convert_element_type3A_390 = arith.extui %lt3A_389 : i1 to i32
    %cond3A_391 = arith.constant 0 : i32
    %cond3A_392 = arith.cmpi ne, %convert_element_type3A_390, %cond3A_391 : i32
    scf.if %cond3A_392 {
      %mul3A_393 = arith.constant 40 : i32
      %mul3A_394 = arith.muli %add3A_387, %mul3A_393 : i32
      %mul3A_395 = arith.constant 40 : i32
      %mul3A_396 = arith.muli %add3A_387, %mul3A_395 : i32
      "tpu.region"() ({
        %run_scoped3A = tpu.sem_alloc : memref<!tpu.dma_semaphore, #tpu.memory_space<semaphore_mem>>
        %dma_start3A_397 = arith.constant 0 : i32
        %dma_start3A_398 = tpu.memref_slice %arg5[%arg0, %mul3A_396, %dma_start3A_397] : memref<2x10000x128xf32, #tpu.memory_space<hbm>> -> memref<1x40x128xf32, #tpu.memory_space<hbm>>
        %dma_start3A_399 = tpu.memref_squeeze %dma_start3A_398 : memref<1x40x128xf32, #tpu.memory_space<hbm>> -> memref<40x128xf32, #tpu.memory_space<hbm>>
        %dma_start3A_400 = arith.constant 0 : i32
        %dma_start3A_401 = tpu.memref_slice %arg18[%mul3A_394, %dma_start3A_400] : memref<10000x128xf32, #tpu.memory_space<vmem_shared>> -> memref<40x128xf32, #tpu.memory_space<vmem_shared>>
        tpu.enqueue_dma source(%dma_start3A_401 : memref<40x128xf32, #tpu.memory_space<vmem_shared>>) target(%dma_start3A_399 : memref<40x128xf32, #tpu.memory_space<hbm>>) target_semaphore(%run_scoped3A : memref<!tpu.dma_semaphore, #tpu.memory_space<semaphore_mem>>)
        %dma_wait3A_402 = arith.constant 0 : i32
        %dma_wait3A_403 = tpu.memref_slice %arg5[%arg0, %mul3A_396, %dma_wait3A_402] : memref<2x10000x128xf32, #tpu.memory_space<hbm>> -> memref<1x40x128xf32, #tpu.memory_space<hbm>>
        %dma_wait3A_404 = tpu.memref_squeeze %dma_wait3A_403 : memref<1x40x128xf32, #tpu.memory_space<hbm>> -> memref<40x128xf32, #tpu.memory_space<hbm>>
        %dma_wait3A_405 = arith.constant 0 : i32
        %dma_wait3A_406 = tpu.memref_slice %arg18[%mul3A_394, %dma_wait3A_405] : memref<10000x128xf32, #tpu.memory_space<vmem_shared>> -> memref<40x128xf32, #tpu.memory_space<vmem_shared>>
        tpu.wait_dma2 semaphore(%run_scoped3A : memref<!tpu.dma_semaphore, #tpu.memory_space<semaphore_mem>>) src(%dma_wait3A_406 : memref<40x128xf32, #tpu.memory_space<vmem_shared>>) dst(%dma_wait3A_404 : memref<40x128xf32, #tpu.memory_space<hbm>>)
        tpu.yield
      }) : () -> ()
    } else {
    }
    return
  }
}

module attributes {stable_mosaic.version = 14 : i64} {
  func.func @_gate_body(%arg0: i32, %arg1: memref<4000x128xf32, #tpu.memory_space<vmem>>, %arg2: memref<128x128xf32, #tpu.memory_space<vmem>>, %arg3: memref<4000x128xf32, #tpu.memory_space<vmem>>) attributes {dimension_semantics = [#tpu.dimension_semantics<arbitrary>], iteration_bounds = array<i64: 10>, scalar_prefetch = 0 : i64, scratch_operands = 0 : i64, tpu.core_type = #tpu.core_type<tc>, window_params = [{transform_indices = @transform_0, window_bounds = array<i64: 4000, 128>}, {pipeline_mode = #tpu.pipeline_mode<synchronous>, transform_indices = @transform_1, window_bounds = array<i64: 128, 128>}, {transform_indices = @transform_2, window_bounds = array<i64: 4000, 128>}]} {
    %get3A = arith.constant 0 : index
    %get3A_0 = arith.constant 0 : index
    %get3A_1 = vector.load %arg1[%get3A, %get3A_0] : memref<4000x128xf32, #tpu.memory_space<vmem>>, vector<4000x128xf32>
    %get3A_2 = arith.constant 0 : index
    %get3A_3 = arith.constant 0 : index
    %get3A_4 = vector.load %arg2[%get3A_2, %get3A_3] : memref<128x128xf32, #tpu.memory_space<vmem>>, vector<128x128xf32>
    %dot_general3A = arith.constant dense<0.000000e+00> : vector<4000x128xf32>
    %dot_general3A_5 = tpu.matmul %get3A_1, %get3A_4, %dot_general3A {dimension_numbers = #tpu.dot_dimension_numbers<[1], [0], [0], [1], [0, 0, 1, 1], [], []>, transpose_lhs_hint = false} : vector<4000x128xf32>, vector<128x128xf32>, vector<4000x128xf32> -> vector<4000x128xf32>
    %swap3A = arith.constant 0 : index
    %swap3A_6 = arith.constant 0 : index
    %swap3A_7 = vector.load %arg3[%swap3A, %swap3A_6] : memref<4000x128xf32, #tpu.memory_space<vmem>>, vector<4000x128xf32>
    tpu.vector_store %arg3[%swap3A, %swap3A_6], %dot_general3A_5 {strides = array<i32>} : memref<4000x128xf32, #tpu.memory_space<vmem>>, vector<4000x128xf32>,
    return
  }
  func.func @transform_0(%arg0: i32) -> (i32, i32) {
    %c0_i32 = arith.constant 0 : i32
    %c0_i32_0 = arith.constant 0 : i32
    return %arg0, %c0_i32 : i32, i32
  }
  func.func @transform_1(%arg0: i32) -> (i32, i32) {
    %c0_i32 = arith.constant 0 : i32
    %c0_i32_0 = arith.constant 0 : i32
    %c0_i32_1 = arith.constant 0 : i32
    return %c0_i32, %c0_i32_0 : i32, i32
  }
  func.func @transform_2(%arg0: i32) -> (i32, i32) {
    %c0_i32 = arith.constant 0 : i32
    %c0_i32_0 = arith.constant 0 : i32
    return %arg0, %c0_i32 : i32, i32
  }
}

module attributes {stable_mosaic.version = 14 : i64} {
  func.func @_combine_body(%arg0: i32, %arg1: memref<2x2000x128xf32, #tpu.memory_space<vmem>>, %arg2: memref<2000x128xf32, #tpu.memory_space<vmem>>) attributes {dimension_semantics = [#tpu.dimension_semantics<arbitrary>], iteration_bounds = array<i64: 5>, scalar_prefetch = 0 : i64, scratch_operands = 0 : i64, tpu.core_type = #tpu.core_type<tc>, window_params = [{transform_indices = @transform_0, window_bounds = array<i64: 2, 2000, 128>}, {transform_indices = @transform_1, window_bounds = array<i64: 2000, 128>}]} {
    %get3A = arith.constant 0 : index
    %get3A_0 = arith.constant 0 : index
    %get3A_1 = arith.constant 0 : index
    %get3A_2 = vector.load %arg1[%get3A, %get3A_0, %get3A_1] : memref<2x2000x128xf32, #tpu.memory_space<vmem>>, vector<1x2000x128xf32>
    %get3A_3 = vector.shape_cast %get3A_2 : vector<1x2000x128xf32> to vector<2000x128xf32>
    %get3A_4 = arith.constant 1 : index
    %get3A_5 = arith.constant 0 : index
    %get3A_6 = arith.constant 0 : index
    %get3A_7 = vector.load %arg1[%get3A_4, %get3A_5, %get3A_6] : memref<2x2000x128xf32, #tpu.memory_space<vmem>>, vector<1x2000x128xf32>
    %get3A_8 = vector.shape_cast %get3A_7 : vector<1x2000x128xf32> to vector<2000x128xf32>
    %add3A = arith.addf %get3A_3, %get3A_8 : vector<2000x128xf32>
    %swap3A = arith.constant 0 : index
    %swap3A_9 = arith.constant 0 : index
    %swap3A_10 = vector.load %arg2[%swap3A, %swap3A_9] : memref<2000x128xf32, #tpu.memory_space<vmem>>, vector<2000x128xf32>
    tpu.vector_store %arg2[%swap3A, %swap3A_9], %add3A {strides = array<i32>} : memref<2000x128xf32, #tpu.memory_space<vmem>>, vector<2000x128xf32>,
    return
  }
  func.func @transform_0(%arg0: i32) -> (i32, i32, i32) {
    %c0_i32 = arith.constant 0 : i32
    %c0_i32_0 = arith.constant 0 : i32
    %c0_i32_1 = arith.constant 0 : i32
    return %c0_i32, %arg0, %c0_i32_0 : i32, i32, i32
  }
  func.func @transform_1(%arg0: i32) -> (i32, i32) {
    %c0_i32 = arith.constant 0 : i32
    %c0_i32_0 = arith.constant 0 : i32
    return %arg0, %c0_i32 : i32, i32
  }
}

</mosaic_0001>

<sc_bundles>
// kernel: kernel.5.cloned.1.call-start
scs
__scs_entry_jumppad:
0x0: {  	(pc) =	sbr.rel $0x88, $3  }
0x1: {  	(tag) =	ssettag $0x0;
	lr =	simm.s32 $0x1  }
0x2: {  	[smem:$0x3F9C] =	sst lr;
	_ =	strace $0xD0000000  }
0x3: {  	_ = 	snop  }
0x4: {  	_ = 	snop  }
0x5: {  	_ = 	snop  }
0x6: {  	_ = 	snop  }
0x7: {  	_ = 	snop  }
__scs_overlays_trampoline_lowered:
0x8: {  	[smem:$0x3FAB] =	sst s0  }
0x9: {  	[smem:$0x3FAC] =	sst s1  }
0xa: {  	[smem:$0x3FAD] =	sst s2  }
0xb: {  	[smem:$0x3FAE] =	sst s3  }
0xc: {  	[smem:$0x3FAF] =	sst s4  }
0xd: {  	[smem:$0x3FB0] =	sst s5  }
0xe: {  	[smem:$0x3FB1] =	sst s6  }
0xf: {  	[smem:$0x3FB2] =	sst s7  }
0x10: {  	[smem:$0x3FB3] =	sst s8  }
0x11: {  	[smem:$0x3FB4] =	sst s9;
	s0 =	simm.s32 @!p0 $0x0  }
0x12: {  	s1 =	sld [smem:$0x3F9A];
	s0 =	simm.s32 @p0 $0x1  }
0x13: {  	[smem:$0x3FB5] =	sst s0;
	s0 =	simm.s32 @!p1 $0x0  }
0x14: {  	s2 =	sld [smem:$0x3F99];
	s0 =	simm.s32 @p1 $0x1  }
0x15: {  	[smem:$0x3FB6] =	sst s0;
	s0 =	simm.s32 @!p2 $0x0  }
0x16: {  	s3 =	sld [smem:$0x3FDB];
	s0 =	simm.s32 @p2 $0x1  }
0x17: {  	s4 =	simm.s32 $0x1BF5;
	[smem:$0x3FB8] =	sst s0  }
0x18: {  	s0 =	sld [smem:$0x3F9B];
	_ =	swait.ge [sflag:s4], $0x0  }
0x19: {  	s7 =	sld [smem:$0x3F9C]  }
0x1a: {  	s8 =	sadd.s32 $0xFFFFE003, lr  }
0x1b: {  	s9 =	sadd.s32 $0xFFFFFEF7, lr;
	s5 =	simm.s32 $0xFFFFFFFF;
	p2 =	slt.u32 s8, $0xFFFFF086  }
0x1c: {  	p1 =	slt.u32 s9, $0xF7A;
	s5 =	simm.s32 @!p2 $0x0  }
0x1d: {  	s5 =	simm.s32 @p1 $0x1;
	p0 =	seq.s32 s7, s2  }
0x1e: {  	s7 =	smul.u32 @!p0 $0xF7A, s2;
	p2 =	seq.s32 @!p0 s5, $0x0  }
0x1f: {  	s9 =	smul.u32 $0xF7A, s1;
	s8 =	simm.s32 @!p0 $0x1BF5;
	p2 =	por !p2, p0  }
0x20: {  	[sflag:s8] =	ssyncset.s32 @!p0 $0xFFFFF086;
	s6 =	sadd.s32 @!p0 s3, s7;
	s7 =	simm.s32 @!p0 $0x108  }
0x21: {  	s3 =	sadd.s32 s3, s9;
	s6 =	sadd.s32 @!p0 $0x88, s6;
	s7 =	simm.s32 @p2 $0x1082  }
0x22: {  	[simem:s7], [sflag:s8] =	dma.local @!p0 [hbm:s6], $0xF7A  }
0x23: {  	s9 =	sor.u32 $0xD0000000, s2;
	s6 =	simm.s32 $0x108;
	_ =	swait.ge @!p0 [sflag:s8], $0x0  }
0x24: {  	s3 =	sadd.s32 $0x88, s3;
	s6 =	simm.s32 @!p1 $0x1082;
	[sflag:s4] =	ssyncset.s32 $0xFFFFF086  }
0x25: {  	[simem:s6], [sflag:s4] =	dma.local [hbm:s3], $0xF7A  }
0x26: {  	[smem:$0x3F9C] =	sst s1;
	(tag) =	ssettag s2;
	_ =	strace s9  }
0x27: {  	s1 =	sld [smem:$0x3FAC]  }
0x28: {  	s2 =	sld [smem:$0x3FAD]  }
0x29: {  	s4 =	sld [smem:$0x3FAF]  }
0x2a: {  	p0 =	seq.s32 s5, $0x0;
	s5 =	sld [smem:$0x3FB0]  }
0x2b: {  	s6 =	sld [smem:$0x3FB1]  }
0x2c: {  	s7 =	sld [smem:$0x3FB2]  }
0x2d: {  	s3 =	simm.s32 $0x108;
	s8 =	sld [smem:$0x3FB3]  }
0x2e: {  	s3 =	simm.s32 @!p0 $0x1082;
	s9 =	sld [smem:$0x3FB4]  }
0x2f: {  	lr =	sadd.s32 s0, s3;
	s0 =	sld [smem:$0x3FAB]  }
0x30: {  	s3 =	sld [smem:$0x3FAE]  }
0x31: {  	[smem:$0x3FB7] =	sst s10  }
0x32: {  	s10 =	sld [smem:$0x3FB5];
	_ =	sdelay $0x3  }
0x33: {  	p0 =	seq.s32 s10, $0x1;
	s10 =	sld [smem:$0x3FB7];
	_ =	sdelay $0x3  }
0x34: {  	[smem:$0x3FB7] =	sst s10  }
0x35: {  	s10 =	sld [smem:$0x3FB6];
	_ =	sdelay $0x3  }
0x36: {  	p1 =	seq.s32 s10, $0x1;
	s10 =	sld [smem:$0x3FB7];
	_ =	sdelay $0x3  }
0x37: {  	[smem:$0x3FB7] =	sst s10  }
0x38: {  	s10 =	sld [smem:$0x3FB8]  }
0x39: {  	_ = 	snop;
	(pc) =	sbr.ind lr, $3  }
0x3a: {  	_ = 	snop  }
0x3b: {  	_ = 	snop  }
0x3c: {  	p2 =	seq.s32 s10, $0x1;
	s10 =	sld [smem:$0x3FB7]  }
0x3d: {  	_ =	shalt  }
0x3e: {  	_ =	shalt  }
0x3f: {  	_ =	shalt  }
0x40: {  	_ =	shalt  }
0x41: {  	_ =	shalt  }
0x42: {  	_ =	shalt  }
0x43: {  	_ =	shalt  }
0x44: {  	_ =	shalt  }
0x45: {  	_ =	shalt  }
0x46: {  	_ =	shalt  }
0x47: {  	_ =	shalt  }
0x48: {  	_ =	shalt  }
0x49: {  	_ =	shalt  }
0x4a: {  	_ =	shalt  }
0x4b: {  	_ =	shalt  }
0x4c: {  	_ =	shalt  }
0x4d: {  	_ =	shalt  }
0x4e: {  	_ =	shalt  }
0x4f: {  	_ =	shalt  }
0x50: {  	_ =	shalt  }
0x51: {  	_ =	shalt  }
0x52: {  	_ =	shalt  }
0x53: {  	_ =	shalt  }
0x54: {  	_ =	shalt  }
0x55: {  	_ =	shalt  }
0x56: {  	_ =	shalt  }
0x57: {  	_ =	shalt  }
0x58: {  	_ =	shalt  }
0x59: {  	_ =	shalt  }
0x5a: {  	_ =	shalt  }
0x5b: {  	_ =	shalt  }
0x5c: {  	_ =	shalt  }
0x5d: {  	_ =	shalt  }
0x5e: {  	_ =	shalt  }
0x5f: {  	_ =	shalt  }
0x60: {  	_ =	shalt  }
0x61: {  	_ =	shalt  }
0x62: {  	_ =	shalt  }
0x63: {  	_ =	shalt  }
0x64: {  	_ =	shalt  }
0x65: {  	_ =	shalt  }
0x66: {  	_ =	shalt  }
0x67: {  	_ =	shalt  }
0x68: {  	_ =	shalt  }
0x69: {  	_ =	shalt  }
0x6a: {  	_ =	shalt  }
0x6b: {  	_ =	shalt  }
0x6c: {  	_ =	shalt  }
0x6d: {  	_ =	shalt  }
0x6e: {  	_ =	shalt  }
0x6f: {  	_ =	shalt  }
0x70: {  	_ =	shalt  }
0x71: {  	_ =	shalt  }
0x72: {  	_ =	shalt  }
0x73: {  	_ =	shalt  }
0x74: {  	_ =	shalt  }
0x75: {  	_ =	shalt  }
0x76: {  	_ =	shalt  }
0x77: {  	_ =	shalt  }
0x78: {  	_ =	shalt  }
0x79: {  	_ =	shalt  }
0x7a: {  	_ =	shalt  }
0x7b: {  	_ =	shalt  }
0x7c: {  	_ =	shalt  }
0x7d: {  	_ =	shalt  }
0x7e: {  	_ =	shalt  }
0x7f: {  	_ =	shalt  }
0x80: {  	_ =	shalt  }
0x81: {  	_ =	shalt  }
0x82: {  	_ =	shalt  }
0x83: {  	_ =	shalt  }
0x84: {  	_ =	shalt  }
0x85: {  	_ =	shalt  }
0x86: {  	_ =	shalt  }
0x87: {  	_ =	shalt  }
.Lfunc_end0:
.L_simem_size_0:
called_computation_lowered:
.L_overlay_start_0:
0x88: {  	s2 =	sld [smem:$0x3FD9]  }
0x89: {  	s3 =	sld [smem:$0x3FFE];
	_ =	sdelay $0x1  }
0x8a: {  	s1 =	srdreg.scid  }
0x8b: {  	s0 =	sand.u32 $0x1, s1  }
0x8c: {  	s17 =	sshll.u32 s0, $0xA;
	s2 =	sadd.s32 s3, s2  }
0x8d: {  	s2 =	sadd.s32 s2, s17  }
0x8e: {  	[smem:$0x3FC3] =	sst s2  }
0x8f: {  	_ = 	snop  }
0x90: {  	s2 =	sld [smem:$0x3FD0];
	(tm) =	ssettm $0x1  }
0x91: {  	s18 =	sld [smem:$0x3FFB];
	_ =	sdelay $0x3  }
0x92: {  	_ =	strace s18  }
0x93: {  	s3 =	sld [smem:$0x3FFC];
	_ =	sdelay $0x3  }
0x94: {  	_ =	strace s3  }
0x95: {  	s3 =	sld [smem:$0x3FFD];
	_ =	sdelay $0x3  }
0x96: {  	_ =	strace s3  }
0x97: {  	_ =	strace $0x8FFFFFFF  }
0x98: {  	s19 =	sld [smem:$0x3FDB];
	_ =	sdelay $0x1  }
0x99: {  	s4 =	simm.s32 $_scs_section_size  }
0x9a: {  	s5 =	simm.s32 $_size__tile_overlayer_lowered;
	s6 =	simm.s32 $_tile_overlayer_lowered  }
0x9b: {  	s22 =	simm.s32 $0x1BFF;
	s21 =	sshll.u32 s6, $0x1;
	s3 =	sadd.s32 s4, s19  }
0x9c: {  	s7 =	simm.s32 $0x0;
	s20 =	sshll.u32 s5, $0x1;
	s5 =	sadd.s32 s21, s3  }
0x9d: {  	[timem:s7], [sflag:s22] =	dma.local [hbm:s5], s20  }
0x9e: {  	_ =	swait.ge [sflag:s22], s20  }
0x9f: {  	s4 =	ssub.s32 $0x0, s20;
	[sflag:s22] =	ssyncset.done $0x0  }
0xa0: {  	[sflag:s22] =	ssyncadd.s32 s4;
	_ =	sdelay $0x1  }
0xa1: {  	s23 =	simm.s32 $0x1B8B  }
0xa2: {  	_ =	swait.ge [sflag:s23], $0x1  }
0xa3: {  	[sflag:s23] =	ssyncset.done $0x0  }
0xa4: {  	s25 =	simm.s32 $0x1B8E;
	s24 =	sld [smem:$0x3FFE];
	[sflag:s23] =	ssyncadd.s32 $0xFFFFFFFF  }
0xa5: {  	s26 =	simm.s32 $execute0_lowered;
	[smem:$0x3FD2] =	sst s25  }
0xa6: {  	s5 =	sshll.u32 s26, $0x1;
	_ =	strace $0x80000046;
	[dreg:$0x1] =	wrdreg $0xFFFFFFFF  }
0xa7: {  	s28 =	simm.s32 $_size_execute0_lowered;
	s3 =	sadd.s32 s3, s5;
	[dreg:$0x0] =	wrdreg $0x0  }
0xa8: {  	s5 =	sshll.u32 s28, $0x1;
	[dreg:$0x2] =	wrdreg s3  }
0xa9: {  	[dreg:$0x3] =	wrdreg s5  }
0xaa: {  	[dreg:$0x4] =	wrdreg $0xC0  }
0xab: {  	_ =	task [dreg:s7], $0x5FFFF  }
0xac: {  	[dreg:$0x1] =	wrdreg $0xFFFFFFFF  }
0xad: {  	[dreg:$0x0] =	wrdreg $0x60  }
0xae: {  	[dreg:$0x2] =	wrdreg s2  }
0xaf: {  	[dreg:$0x3] =	wrdreg s24  }
0xb0: {  	[dreg:$0x4] =	wrdreg $0xA4000  }
0xb1: {  	[dreg:$0x5] =	wrdreg $0x9  }
0xb2: {  	_ =	task.clear_ibuf [dreg:s7], $0x6FFFF;
	_ =	strace $0x90000046  }
0xb3: {  	s29 =	simm.s32 $0x9;
	_ =	strace $0x80000048  }
0xb4: {  	_ =	swait.ge [sflag:s29], $0x1  }
0xb5: {  	[sflag:s29] =	ssyncadd.s32 $0xFFFFFFFF  }
0xb6: {  	_ =	strace $0x90000048  }
0xb7: {  	_ =	sfence  }
0xb8: {  	s30 =	sld [smem:$0x0];
	_ =	sdelay $0x2  }
0xb9: {  	s31 =	sshll.u32 s1, $0xD;
	s1 =	sshrl.u32 s1, $0x2  }
0xba: {  	s3 =	sand.u32 $0x4000, s31;
	s1 =	sadd.s32 s1, s30  }
0xbb: {  	s0 =	sor.u32 s3, s0;
	s1 =	sshll.u32 s1, $0x11  }
0xbc: {  	s0 =	sor.u32 s1, s0  }
0xbd: {  	s0 =	sadd.s32 $0x8F2B, s0  }
0xbe: {  	[sflag:s0] =	ssyncadd.remote.s32 $0x1  }
0xbf: {  	_ =	sfence.sel $0xFFFF  }
0xc0: {  	[dreg:$0x0] =	wrdreg $0xFFFFFFFF;
	(pc) =	sbr.abs _section_cstart, $3  }
0xc1: {  	[dreg:$0x1] =	wrdreg $0xFFFFFFFF  }
0xc2: {  	_ =	task.clear_ibuf [dreg:s7], $0x2FFFF;
	_ =	strace $0x9FFFFFFF  }
0xc3: {  	(tm) =	ssettm $0x7FFFFFFF  }
tec
execute0_lowered:
.L_overlay_start_1:
0x0: {  	(tag) =	ssettag $0x1  }
0x1: {  	s0 =	srdreg.scid;
	s3 =	stileid.u32  }
0x2: {  	s1 =	sand.u32 $0x1, s0;
	s11 =	smul.u32 $0x1400, s3  }
0x3: {  	s17 =	sor.u32 $0x10, s3;
	s16 =	smul.u32 $0x138800, s1  }
0x4: {  	s7 =	sor.u32 $0x20, s3;
	s12 =	smul.u32 $0x1400, s17  }
0x5: {  	s15 =	sor.u32 $0x30, s3;
	s13 =	smul.u32 $0x1400, s7  }
0x6: {  	s6 =	sor.u32 $0x40, s3;
	s14 =	smul.u32 $0x1400, s15  }
0x7: {  	s26 =	sshll.u32 s3, $0x1;
	s9 =	sor.u32 $0x50, s3;
	s18 =	smul.u32 $0x1400, s6  }
0x8: {  	s10 =	sor.u32 $0x60, s3;
	s30 =	sor.u32 $0x70, s3;
	s19 =	smul.u32 $0x1400, s9  }
0x9: {  	s4 =	sor.u32 $0x80, s3;
	s5 =	sor.u32 $0xA0, s3;
	s20 =	smul.u32 $0x1400, s10  }
0xa: {  	p0 =	sgt.u32 s3, $0x9;
	s0 =	ssub.s32 $0x2, s1;
	s21 =	smul.u32 $0x1400, s30  }
0xb: {  	s8 =	sor.u32 s1, s26;
	[smem:$0x7ED] =	sst s30;
	s23 =	smul.u32 $0x1400, s4  }
0xc: {  	[smem:$0x7EE] =	sst s4;
	s1 =	sor.u32 $0x90, s3;
	s29 =	smul.u32 $0x1400, s5  }
0xd: {  	[smem:$0x7F0] =	sst s5;
	s30 =	sor.u32 $0xB0, s3;
	s17 =	smul.u32 $0x5000, s17  }
0xe: {  	s2 =	sshrl.u32 s0, $0x1;
	[smem:$0x7EF] =	sst s1;
	s26 =	smul.u32 $0x1400, s1  }
0xf: {  	[smem:$0x7F1] =	sst s30;
	s30 =	smul.u32 $0x1400, s30;
	s0 =	ssub.s32 s0, s2  }
0x10: {  	s22 =	sadd.s32 s11, s16;
	s24 =	sadd.s32 s16, s12;
	s25 =	sadd.s32 s16, s13  }
0x11: {  	s28 =	sadd.s32 s16, s14;
	s18 =	sadd.s32 s16, s18;
	s19 =	sadd.s32 s16, s19  }
0x12: {  	s11 =	sor.u32 $0xC0, s3;
	s20 =	sadd.s32 s16, s20;
	s12 =	sor.u32 $0xD0, s3  }
0x13: {  	s21 =	sadd.s32 s16, s21;
	s13 =	sor.u32 $0xE0, s3;
	s31 =	smul.u32 $0x1400, s11  }
0x14: {  	s23 =	sadd.s32 s16, s23;
	s14 =	sor.u32 $0xF0, s3;
	s1 =	smul.u32 $0x1400, s12  }
0x15: {  	s29 =	sadd.s32 s16, s29;
	[smem:$0x7F8] =	sst s0;
	s4 =	smul.u32 $0x1400, s13  }
0x16: {  	s26 =	sadd.s32 s16, s26;
	s5 =	smul.u32 $0x1400, s14;
	s0 =	simm.s32 $0x0  }
0x17: {  	s30 =	sadd.s32 s16, s30;
	[smem:$0x7FF] =	sst s0;
	s2 =	sadd.s32 s16, s1  }
0x18: {  	s1 =	sadd.s32 s16, s4;
	s4 =	sadd.s32 s16, s5;
	s5 =	rddreg [dreg:$0x1]  }
0x19: {  	s31 =	sadd.s32 s16, s31;
	s16 =	sshrl.u32 s22, $0x3;
	s22 =	sadd.s32 $0x521C00, s5  }
0x1a: {  	s0 =	sshrl.u32 s24, $0x3;
	s24 =	sshrl.u32 s25, $0x3;
	s16 =	sadd.s32 s22, s16  }
0x1b: {  	s18 =	sshrl.u32 s18, $0x3;
	s24 =	sadd.s32 s22, s24;
	[dreg:$0x4] =	wrdreg s16  }
0x1c: {  	s2 =	sshrl.u32 s2, $0x3;
	s16 =	sadd.s32 s22, s0;
	[dreg:$0x6] =	wrdreg s24  }
0x1d: {  	s24 =	sshrl.u32 s19, $0x3;
	s19 =	sadd.s32 s22, s2;
	[dreg:$0x5] =	wrdreg s16  }
0x1e: {  	s25 =	sshrl.u32 s28, $0x3;
	s26 =	sshrl.u32 s26, $0x3;
	[dreg:$0x11] =	wrdreg s19  }
0x1f: {  	s28 =	simm.s32 $0x9;
	s16 =	sadd.s32 s22, s25;
	s19 =	rddreg [dreg:$0x2]  }
0x20: {  	s1 =	sshrl.u32 s1, $0x3;
	[dreg:$0x7] =	wrdreg s16;
	s16 =	sadd.s32 s22, s18  }
0x21: {  	s25 =	sshrl.u32 s20, $0x3;
	s18 =	sadd.s32 s22, s24;
	[dreg:$0x8] =	wrdreg s16  }
0x22: {  	s20 =	sadd.s32 s22, s25;
	s24 =	sshrl.u32 s21, $0x3;
	[dreg:$0x9] =	wrdreg s18  }
0x23: {  	s25 =	sshrl.u32 s23, $0x3;
	s23 =	sadd.s32 s22, s26;
	[dreg:$0xa] =	wrdreg s20  }
0x24: {  	s26 =	sshrl.u32 s31, $0x3;
	s20 =	sadd.s32 s22, s24;
	[dreg:$0xd] =	wrdreg s23  }
0x25: {  	s21 =	sadd.s32 s22, s25;
	s24 =	sshrl.u32 s29, $0x3;
	[dreg:$0xb] =	wrdreg s20  }
0x26: {  	s25 =	sshrl.u32 s30, $0x3;
	s18 =	sadd.s32 s22, s26;
	[dreg:$0xc] =	wrdreg s21  }
0x27: {  	s23 =	smul.u32 $0x5000, s3;
	s30 =	sadd.s32 s22, s24;
	[dreg:$0x10] =	wrdreg s18  }
0x28: {  	s26 =	smul.u32 $0x5000, s6;
	s16 =	sadd.s32 s22, s25;
	[dreg:$0xe] =	wrdreg s30  }
0x29: {  	s6 =	smul.u32 $0x5000, s10;
	s20 =	sadd.s32 s22, s1;
	[dreg:$0xf] =	wrdreg s16  }
0x2a: {  	s21 =	sshrl.u32 s4, $0x3;
	s24 =	smul.u32 $0x5000, s7;
	s16 =	rddreg [dreg:$0x0]  }
0x2b: {  	s25 =	smul.u32 $0x5000, s15;
	[dreg:$0x12] =	wrdreg s20;
	s0 =	sadd.s32 s22, s21  }
0x2c: {  	s1 =	sshrl.u32 s23, $0x2;
	s21 =	sadd.s32 $0x1400, s5;
	s30 =	sshrl.u32 s17, $0x2  }
0x2d: {  	[dreg:$0x13] =	wrdreg s0;
	s18 =	sadd.s32 s1, s19;
	s0 =	sshrl.u32 s24, $0x2  }
0x2e: {  	s29 =	sadd.s32 s30, s19;
	_ =	strace $0x80000047;
	[dreg:$0x14] =	wrdreg s18  }
0x2f: {  	s22 =	sadd.s32 $0x4E3400, s5;
	s0 =	sadd.s32 s0, s19;
	[dreg:$0x15] =	wrdreg s29  }
0x30: {  	s5 =	smul.u32 $0x5000, s9;
	s2 =	sshrl.u32 s25, $0x2;
	[dreg:$0x16] =	wrdreg s0  }
0x31: {  	s1 =	sshrl.u32 s26, $0x2;
	s2 =	sadd.s32 s2, s19;
	s9 =	sld [smem:$0x7ED]  }
0x32: {  	s7 =	smul.u32 $0x5000, s13;
	s1 =	sadd.s32 s1, s19;
	[dreg:$0x17] =	wrdreg s2  }
0x33: {  	s31 =	simm.s32 $0x3;
	s25 =	smul.u32 $0x5000, s11;
	[dreg:$0x18] =	wrdreg s1  }
0x34: {  	s3 =	simm.s32 $0xA;
	s30 =	smul.u32 $0x5000, s12;
	s10 =	sld [smem:$0x7EE]  }
0x35: {  	s12 =	smul.u32 $0x138800, s8;
	s15 =	sshrl.u32 s5, $0x2;
	s17 =	sld [smem:$0x7EF]  }
0x36: {  	s0 =	sshrl.u32 s6, $0x2;
	s20 =	sld [smem:$0x7F0];
	s4 =	smul.u32 $0x5000, s9  }
0x37: {  	s2 =	sadd.s32 s15, s19;
	s24 =	sld [smem:$0x7F1];
	s1 =	smul.u32 $0x5000, s10  }
0x38: {  	s11 =	sshrl.u32 s30, $0x2;
	s0 =	sadd.s32 s0, s19;
	s5 =	smul.u32 $0x5000, s17  }
0x39: {  	s6 =	simm.s32 $0xD;
	[dreg:$0x1a] =	wrdreg s0;
	s0 =	smul.u32 $0x5000, s20  }
0x3a: {  	[dreg:$0x19] =	wrdreg s2;
	s10 =	smul.u32 $0x5000, s14;
	s14 =	sshrl.u32 s12, $0x3  }
0x3b: {  	s17 =	smul.u32 $0x27100, s8;
	s12 =	simm.s32 $0x100;
	s20 =	sadd.s32 s21, s14  }
0x3c: {  	s14 =	simm.s32 $0x1;
	s23 =	sshrl.u32 s4, $0x2;
	s1 =	sshrl.u32 s1, $0x2  }
0x3d: {  	s4 =	smul.u32 $0x5000, s24;
	s26 =	sshrl.u32 s5, $0x2;
	s0 =	sshrl.u32 s0, $0x2  }
0x3e: {  	s5 =	smul.u32 $0xFA00, s8;
	s13 =	sshrl.u32 s10, $0x2;
	s24 =	sld [smem:$0x7F8]  }
0x3f: {  	s10 =	simm.s32 $0x11;
	s2 =	sadd.s32 s23, s19;
	s1 =	sadd.s32 s1, s19  }
0x40: {  	s0 =	sadd.s32 s0, s19;
	s23 =	sadd.s32 s21, s17;
	[dreg:$0x1b] =	wrdreg s2  }
0x41: {  	s17 =	simm.s32 $0x28;
	[dreg:$0x1c] =	wrdreg s1;
	s2 =	sadd.s32 s26, s19  }
0x42: {  	[dreg:$0x1e] =	wrdreg s0;
	s9 =	sshrl.u32 s4, $0x2;
	s1 =	sshrl.u32 s25, $0x2  }
0x43: {  	s0 =	sshrl.u32 s7, $0x2;
	s15 =	sshrl.u32 s5, $0x3;
	[smem:$0x7F6] =	sst s23  }
0x44: {  	s30 =	sadd.s32 $0x600, s5;
	s23 =	simm.s32 $0x2;
	[dreg:$0x1d] =	wrdreg s2  }
0x45: {  	s7 =	simm.s32 $0x4;
	s2 =	sadd.s32 s9, s19;
	[smem:$0x7FD] =	sst s30  }
0x46: {  	s1 =	sadd.s32 s1, s19;
	s0 =	sadd.s32 s0, s19;
	[dreg:$0x1f] =	wrdreg s2  }
0x47: {  	s9 =	simm.s32 $0x8;
	[smem:$0x7F2] =	sst s1;
	s1 =	sadd.s32 s11, s19  }
0x48: {  	[smem:$0x7F4] =	sst s0;
	s0 =	sadd.s32 s13, s19;
	s2 =	sadd.s32 s22, s15  }
0x49: {  	s11 =	smul.u32 $0xFA, s8;
	s13 =	simm.s32 $0xE;
	[smem:$0x7F3] =	sst s1  }
0x4a: {  	s15 =	simm.s32 $0x0;
	[smem:$0x7F5] =	sst s0;
	s0 =	sadd.s32 $0x280, s20  }
0x4b: {  	s25 =	sadd.s32 $0x20, s2;
	[smem:$0x7FB] =	sst s2;
	s26 =	sadd.s32 $0x40, s2  }
0x4c: {  	s20 =	simm.s32 $0x5400;
	s2 =	simm.s32 $0x6;
	[smem:$0x7F7] =	sst s0  }
0x4d: {  	s1 =	simm.s32 $0xB;
	s0 =	smax.u32 s24, $0x1;
	[smem:$0x7FA] =	sst s25  }
0x4e: {  	[smem:$0x7FC] =	sst s26;
	s24 =	simm.s32 $0x6800;
	s26 =	simm.s32 $0x5  }
0x4f: {  	v0 =	vimm.f32 $0.0e+00;
	s25 =	simm.s32 $0xC;
	[smem:$0x7F9] =	sst s0;
	s0 =	simm.s32 $0x7  }
.LBB2_1:
0x50: {  	[smem:$0x7EC] =	sst s15;
	s4 =	simm.s32 $0x0;
	s15 =	simm.s32 $0x200  }
.LBB2_2:
0x51: {  	p1 =	sne.s32 s15, $0x4E00;
	[tilespmem:s4+$0x5470] =	vst v0  }
0x52: {  	[tilespmem:s4+$0x5400] =	vst v0  }
0x53: {  	[tilespmem:s4+$0x5410] =	vst v0  }
.Ltmp0:
0x54: {  	[tilespmem:s4+$0x5420] =	vst v0;
	(pc) =	sbr.rel @p1 .LBB2_2-.Ltmp0, $4  }
0x55: {  	[tilespmem:s4+$0x5430] =	vst v0  }
0x56: {  	[tilespmem:s4+$0x5440] =	vst v0  }
0x57: {  	[tilespmem:s4+$0x5450] =	vst v0  }
0x58: {  	[tilespmem:s4+$0x5460] =	vst v0;
	s4 =	sshra.s32 s15, $0x2;
	s15 =	sadd.s32 $0x200, s15  }
0x59: {  	[tilespmem:s4+$0x5470] =	vst v0  }
0x5a: {  	[tilespmem:s4+$0x5400] =	vst v0  }
0x5b: {  	[tilespmem:s4+$0x5410] =	vst v0  }
0x5c: {  	[tilespmem:s4+$0x5420] =	vst v0  }
0x5d: {  	[tilespmem:s4+$0x5430] =	vst v0  }
0x5e: {  	[tilespmem:s4+$0x5440] =	vst v0  }
0x5f: {  	[tilespmem:s4+$0x5450] =	vst v0  }
0x60: {  	[tilespmem:s4+$0x5460] =	vst v0  }
0x61: {  	[spmem:s18] =	stream.linear.scatter [tilespmem:s20], [sflag:$0x11], $0x1400, $0x38;
	[tilespmem:$0x1DC80] =	vst v63  }
0x62: {  	_ =	swait.ge [sflag:s10], $0x1400  }
0x63: {  	[sflag:s10] =	ssyncset.done $0x0  }
0x64: {  	[sflag:s10] =	ssyncadd.s32 $0xFFFFEC00  }
0x65: {  	[spmem:s29] =	stream.linear.scatter [tilespmem:s20], [sflag:$0x11], $0x1400, $0x38;
	[tilespmem:$0x1DC80] =	vst v63  }
0x66: {  	_ =	swait.ge [sflag:s10], $0x1400  }
0x67: {  	[sflag:s10] =	ssyncset.done $0x0  }
0x68: {  	s30 =	rddreg [dreg:$0x16];
	[sflag:s10] =	ssyncadd.s32 $0xFFFFEC00  }
0x69: {  	[spmem:s30] =	stream.linear.scatter [tilespmem:s20], [sflag:$0x11], $0x1400, $0x38;
	[tilespmem:$0x1DC80] =	vst v63  }
0x6a: {  	_ =	swait.ge [sflag:s10], $0x1400  }
0x6b: {  	[sflag:s10] =	ssyncset.done $0x0  }
0x6c: {  	s8 =	rddreg [dreg:$0x17];
	[sflag:s10] =	ssyncadd.s32 $0xFFFFEC00  }
0x6d: {  	[spmem:s8] =	stream.linear.scatter [tilespmem:s20], [sflag:$0x11], $0x1400, $0x38;
	[tilespmem:$0x1DC80] =	vst v63  }
0x6e: {  	_ =	swait.ge [sflag:s10], $0x1400  }
0x6f: {  	[sflag:s10] =	ssyncset.done $0x0  }
0x70: {  	s15 =	rddreg [dreg:$0x18];
	[sflag:s10] =	ssyncadd.s32 $0xFFFFEC00  }
0x71: {  	[spmem:s15] =	stream.linear.scatter [tilespmem:s20], [sflag:$0x11], $0x1400, $0x38;
	[tilespmem:$0x1DC80] =	vst v63  }
0x72: {  	_ =	swait.ge [sflag:s10], $0x1400  }
0x73: {  	[sflag:s10] =	ssyncset.done $0x0  }
0x74: {  	s18 =	rddreg [dreg:$0x19];
	[sflag:s10] =	ssyncadd.s32 $0xFFFFEC00  }
0x75: {  	[spmem:s18] =	stream.linear.scatter [tilespmem:s20], [sflag:$0x11], $0x1400, $0x38;
	[tilespmem:$0x1DC80] =	vst v63  }
0x76: {  	_ =	swait.ge [sflag:s10], $0x1400  }
0x77: {  	[sflag:s10] =	ssyncset.done $0x0  }
0x78: {  	s30 =	rddreg [dreg:$0x1a];
	[sflag:s10] =	ssyncadd.s32 $0xFFFFEC00  }
0x79: {  	[spmem:s30] =	stream.linear.scatter [tilespmem:s20], [sflag:$0x11], $0x1400, $0x38;
	[tilespmem:$0x1DC80] =	vst v63  }
0x7a: {  	_ =	swait.ge [sflag:s10], $0x1400  }
0x7b: {  	[sflag:s10] =	ssyncset.done $0x0  }
0x7c: {  	s8 =	rddreg [dreg:$0x1b];
	[sflag:s10] =	ssyncadd.s32 $0xFFFFEC00  }
0x7d: {  	[spmem:s8] =	stream.linear.scatter [tilespmem:s20], [sflag:$0x11], $0x1400, $0x38;
	[tilespmem:$0x1DC80] =	vst v63  }
0x7e: {  	_ =	swait.ge [sflag:s10], $0x1400  }
0x7f: {  	[sflag:s10] =	ssyncset.done $0x0  }
0x80: {  	s15 =	rddreg [dreg:$0x1c];
	[sflag:s10] =	ssyncadd.s32 $0xFFFFEC00  }
0x81: {  	[spmem:s15] =	stream.linear.scatter [tilespmem:s20], [sflag:$0x11], $0x1400, $0x38;
	[tilespmem:$0x1DC80] =	vst v63  }
0x82: {  	_ =	swait.ge [sflag:s10], $0x1400  }
0x83: {  	[sflag:s10] =	ssyncset.done $0x0  }
0x84: {  	s18 =	rddreg [dreg:$0x1d];
	[sflag:s10] =	ssyncadd.s32 $0xFFFFEC00  }
0x85: {  	[spmem:s18] =	stream.linear.scatter [tilespmem:s20], [sflag:$0x11], $0x1400, $0x38;
	[tilespmem:$0x1DC80] =	vst v63  }
0x86: {  	_ =	swait.ge [sflag:s10], $0x1400  }
0x87: {  	[sflag:s10] =	ssyncset.done $0x0  }
0x88: {  	s30 =	rddreg [dreg:$0x1e];
	[sflag:s10] =	ssyncadd.s32 $0xFFFFEC00  }
0x89: {  	[spmem:s30] =	stream.linear.scatter [tilespmem:s20], [sflag:$0x11], $0x1400, $0x38;
	[tilespmem:$0x1DC80] =	vst v63  }
0x8a: {  	_ =	swait.ge [sflag:s10], $0x1400  }
0x8b: {  	[sflag:s10] =	ssyncset.done $0x0  }
0x8c: {  	s8 =	rddreg [dreg:$0x1f];
	[sflag:s10] =	ssyncadd.s32 $0xFFFFEC00  }
0x8d: {  	[spmem:s8] =	stream.linear.scatter [tilespmem:s20], [sflag:$0x11], $0x1400, $0x38;
	[tilespmem:$0x1DC80] =	vst v63  }
0x8e: {  	_ =	swait.ge [sflag:s10], $0x1400  }
0x8f: {  	s15 =	sld [smem:$0x7F2]  }
0x90: {  	[sflag:s10] =	ssyncset.done $0x0  }
0x91: {  	[sflag:s10] =	ssyncadd.s32 $0xFFFFEC00  }
0x92: {  	[spmem:s15] =	stream.linear.scatter [tilespmem:s20], [sflag:$0x11], $0x1400, $0x38;
	[tilespmem:$0x1DC80] =	vst v63  }
0x93: {  	_ =	swait.ge [sflag:s10], $0x1400  }
0x94: {  	s18 =	sld [smem:$0x7F3]  }
0x95: {  	[sflag:s10] =	ssyncset.done $0x0  }
0x96: {  	[sflag:s10] =	ssyncadd.s32 $0xFFFFEC00  }
0x97: {  	[spmem:s18] =	stream.linear.scatter [tilespmem:s20], [sflag:$0x11], $0x1400, $0x38;
	[tilespmem:$0x1DC80] =	vst v63  }
0x98: {  	_ =	swait.ge [sflag:s10], $0x1400  }
0x99: {  	s30 =	sld [smem:$0x7F4]  }
0x9a: {  	[sflag:s10] =	ssyncset.done $0x0  }
0x9b: {  	[sflag:s10] =	ssyncadd.s32 $0xFFFFEC00  }
0x9c: {  	[spmem:s30] =	stream.linear.scatter [tilespmem:s20], [sflag:$0x11], $0x1400, $0x38;
	[tilespmem:$0x1DC80] =	vst v63  }
0x9d: {  	_ =	swait.ge [sflag:s10], $0x1400  }
0x9e: {  	s8 =	sld [smem:$0x7F5]  }
0x9f: {  	[sflag:s10] =	ssyncset.done $0x0  }
0xa0: {  	s4 =	simm.s32 @!p0 $0x5400;
	[sflag:s10] =	ssyncadd.s32 $0xFFFFEC00  }
0xa1: {  	[spmem:s8] =	stream.linear.scatter @!p0 [tilespmem:s4], [sflag:$0x11], $0x1400, $0x38;
	[tilespmem:$0x1DC80] =	vst v63  }
0xa2: {  	s4 =	simm.s32 @!p0 $0x11  }
0xa3: {  	_ =	swait.ge @!p0 [sflag:s4], $0x1400  }
0xa4: {  	[sflag:s4] =	ssyncset.done @!p0 $0x0  }
0xa5: {  	[sflag:s4] =	ssyncadd.s32 @!p0 $0xFFFFEC00  }
0xa6: {  	[bflag:$0x0] =	sbarrier.arrive $0xFFFF  }
0xa7: {  	s8 =	sld [smem:$0x7FB];
	_ =	sdelay $0x1  }
0xa8: {  	s29 =	simm.s32 $0x0;
	s15 =	sld [smem:$0x7FA]  }
0xa9: {  	[tilespmem:s29], [sflag:$0x1] =	stream.linear.gather [hbm4b:s8+s29], $0x100, $0x38;
	[tilespmem:$0x1DC80] =	vst v63  }
0xaa: {  	s18 =	sld [smem:$0x7FC]  }
0xab: {  	[tilespmem:s12], [sflag:$0x2] =	stream.linear.gather [hbm4b:s15+s29], $0x100, $0x38;
	[tilespmem:$0x1DC80] =	vst v63  }
0xac: {  	s30 =	simm.s32 $0x200  }
0xad: {  	[tilespmem:s30], [sflag:$0x3] =	stream.linear.gather [hbm4b:s18+s29], $0x100, $0x38;
	[tilespmem:$0x1DC80] =	vst v63  }
0xae: {  	_ =	swait.ge [sflag:s14], $0x100  }
0xaf: {  	[sflag:s14] =	ssyncset.done $0x0  }
0xb0: {  	s8 =	sld [smem:$0x7F6];
	[sflag:s14] =	ssyncadd.s32 $0xFFFFFF00  }
0xb1: {  	[tilespmem:s20], [sflag:$0x5] =	stream.indirect.gather [hbm4b:s16+s17], $0x80, s29, s17, $0xb8;
	[tilespmem:$0x1DC80] =	vst v63  }
0xb2: {  	s15 =	simm.s32 $0x400  }
0xb3: {  	[tilespmem:s15], [sflag:$0x9] =	stream.linear.gather [hbm4b:s8+s29], $0x1400, $0x38;
	[tilespmem:$0x1DC80] =	vst v63  }
0xb4: {  	_ =	swait.ge [sflag:s23], $0x100  }
0xb5: {  	[sflag:s23] =	ssyncset.done $0x0  }
0xb6: {  	s18 =	sld [smem:$0x7F7];
	[sflag:s23] =	ssyncadd.s32 $0xFFFFFF00  }
0xb7: {  	[tilespmem:s24], [sflag:$0x6] =	stream.indirect.gather [hbm4b:s16+s17], $0x80, s12, s17, $0xb8;
	[tilespmem:$0x1DC80] =	vst v63  }
0xb8: {  	s30 =	simm.s32 $0x1800  }
0xb9: {  	[tilespmem:s30], [sflag:$0xA] =	stream.linear.gather [hbm4b:s18+s29], $0x1400, $0x38;
	[tilespmem:$0x1DC80] =	vst v63  }
.LBB2_4:
0xba: {  	_ =	swait.ge [sflag:s26], $0x1400  }
0xbb: {  	[sflag:s26] =	ssyncset.done $0x0  }
0xbc: {  	[sflag:s26] =	ssyncadd.s32 $0xFFFFEC00  }
0xbd: {  	_ =	swait.ge [sflag:s28], $0x1400  }
0xbe: {  	[sflag:s28] =	ssyncset.done $0x0  }
0xbf: {  	s4 =	simm.s32 $0x0;
	[sflag:s28] =	ssyncadd.s32 $0xFFFFEC00  }
0xc0: {  	v1 =	vld [tilespmem:s4+$0x400]  }
0xc1: {  	v5 =	vld [tilespmem:s4+$0x5400]  }
0xc2: {  	v7 =	vld [tilespmem:s4+$0x5410]  }
0xc3: {  	v6 =	vld [tilespmem:s4+$0x5420]  }
0xc4: {  	v4 =	vld [tilespmem:s4+$0x5430]  }
0xc5: {  	v2 =	vld [tilespmem:s4+$0x5440]  }
0xc6: {  	v3 =	vld [tilespmem:s4+$0x5450];
	v8 =	vmul.f32 v5, v1  }
0xc7: {  	s18 =	simm.s32 $0x200;
	v7 =	vmul.f32 v7, v1;
	v5 =	vld [tilespmem:s4+$0x5460]  }
.LBB2_5:
0xc8: {  	s15 =	sshra.s32 s18, $0x2;
	p1 =	sne.s32 s18, $0x4E00;
	[tilespmem:s4+$0x5400] =	vst v8;
	v6 =	vmul.f32 v6, v1;
	v8 =	vld [tilespmem:s4+$0x5470]  }
0xc9: {  	v9 =	vld [tilespmem:s15+$0x400];
	[tilespmem:s4+$0x5410] =	vst v7;
	v4 =	vmul.f32 v4, v1  }
0xca: {  	v7 =	vld [tilespmem:s15+$0x5400];
	[tilespmem:s4+$0x5420] =	vst v6;
	v2 =	vmul.f32 v2, v1  }
0xcb: {  	v10 =	vld [tilespmem:s15+$0x5410];
	[tilespmem:s4+$0x5430] =	vst v4;
	v3 =	vmul.f32 v3, v1  }
.Ltmp1:
0xcc: {  	v6 =	vld [tilespmem:s15+$0x5420];
	[tilespmem:s4+$0x5440] =	vst v2;
	v5 =	vmul.f32 v5, v1;
	(pc) =	sbr.rel @p1 .LBB2_5-.Ltmp1, $4  }
0xcd: {  	v4 =	vld [tilespmem:s15+$0x5430];
	[tilespmem:s4+$0x5450] =	vst v3;
	v11 =	vmul.f32 v8, v1  }
0xce: {  	v2 =	vld [tilespmem:s15+$0x5440];
	[tilespmem:s4+$0x5460] =	vst v5;
	v1 =	vmov v9  }
0xcf: {  	v8 =	vmul.f32 v7, v1;
	v3 =	vld [tilespmem:s15+$0x5450];
	[tilespmem:s4+$0x5470] =	vst v11;
	s4 =	smov.u32 s15  }
0xd0: {  	s18 =	sadd.s32 $0x200, s18;
	v7 =	vmul.f32 v10, v1;
	v5 =	vld [tilespmem:s4+$0x5460]  }
0xd1: {  	[tilespmem:s4+$0x5400] =	vst v8;
	v6 =	vmul.f32 v6, v1;
	v8 =	vld [tilespmem:s4+$0x5470]  }
0xd2: {  	[tilespmem:s4+$0x5410] =	vst v7;
	v4 =	vmul.f32 v4, v1  }
0xd3: {  	[tilespmem:s4+$0x5420] =	vst v6;
	v2 =	vmul.f32 v2, v1  }
0xd4: {  	[tilespmem:s4+$0x5430] =	vst v4;
	v3 =	vmul.f32 v3, v1  }
0xd5: {  	[tilespmem:s4+$0x5440] =	vst v2;
	v2 =	vmul.f32 v5, v1  }
0xd6: {  	s18 =	sshllo.u32 s29, $0x2;
	[tilespmem:s4+$0x5450] =	vst v3;
	v1 =	vmul.f32 v8, v1  }
0xd7: {  	p1 =	seq.s32 s29, $0x0;
	s15 =	sshll.u32 s18, $0x8;
	[tilespmem:s4+$0x5460] =	vst v2  }
0xd8: {  	s8 =	simm.s32 $0x80;
	s15 =	sadd.s32 s5, s15;
	[tilespmem:s4+$0x5470] =	vst v1;
	s4 =	simm.s32 @!p1 $0x10  }
0xd9: {  	[spmem:s19] =	stream.indirect.scatter.add.f32 [tilespmem:s20], [sflag:$0xD], $0x80, s8, s17, $0xb8;
	[tilespmem:$0x1DC80] =	vst v63  }
0xda: {  	s15 =	sshrl.u32 s15, $0x3;
	_ =	swait.ge @!p1 [sflag:s4], $0x1400  }
0xdb: {  	s12 =	sadd.s32 s22, s15;
	s15 =	simm.s32 $0x0;
	[sflag:s4] =	ssyncset.done @!p1 $0x0  }
0xdc: {  	s8 =	simm.s32 $0x300;
	[sflag:s4] =	ssyncadd.s32 @!p1 $0xFFFFEC00;
	s4 =	sshll.u32 s29, $0x2  }
0xdd: {  	[tilespmem:s8], [sflag:$0x4] =	stream.linear.gather [hbm4b:s12+s15], $0x100, $0x38;
	[tilespmem:$0x1DC80] =	vst v63  }
0xde: {  	s30 =	sadd.s32 s4, s11  }
0xdf: {  	_ =	swait.ge [sflag:s31], $0x100;
	s30 =	smul.u32 $0x280, s30  }
0xe0: {  	s8 =	simm.s32 $0x200;
	[sflag:s31] =	ssyncset.done $0x0  }
0xe1: {  	s12 =	simm.s32 $0x7C00;
	[sflag:s31] =	ssyncadd.s32 $0xFFFFFF00;
	s30 =	sadd.s32 s21, s30  }
0xe2: {  	[tilespmem:s12], [sflag:$0x7] =	stream.indirect.gather [hbm4b:s16+s17], $0x80, s8, s17, $0xb8;
	[tilespmem:$0x1DC80] =	vst v63  }
0xe3: {  	s30 =	sadd.s32 $0x500, s30;
	s12 =	simm.s32 $0x2C00  }
0xe4: {  	[tilespmem:s12], [sflag:$0xB] =	stream.linear.gather [hbm4b:s30+s15], $0x1400, $0x38;
	[tilespmem:$0x1DC80] =	vst v63  }
0xe5: {  	_ =	swait.ge [sflag:s2], $0x1400  }
0xe6: {  	[sflag:s2] =	ssyncset.done $0x0  }
0xe7: {  	[sflag:s2] =	ssyncadd.s32 $0xFFFFEC00  }
0xe8: {  	_ =	swait.ge [sflag:s3], $0x1400  }
0xe9: {  	[sflag:s3] =	ssyncset.done $0x0  }
0xea: {  	s30 =	simm.s32 $0x0;
	[sflag:s3] =	ssyncadd.s32 $0xFFFFEC00  }
0xeb: {  	v1 =	vld [tilespmem:s30+$0x1800]  }
0xec: {  	v5 =	vld [tilespmem:s30+$0x6800]  }
0xed: {  	v7 =	vld [tilespmem:s30+$0x6810]  }
0xee: {  	v6 =	vld [tilespmem:s30+$0x6820]  }
0xef: {  	v4 =	vld [tilespmem:s30+$0x6830]  }
0xf0: {  	v2 =	vld [tilespmem:s30+$0x6840]  }
0xf1: {  	v3 =	vld [tilespmem:s30+$0x6850];
	v8 =	vmul.f32 v5, v1  }
0xf2: {  	s15 =	simm.s32 $0x200;
	v7 =	vmul.f32 v7, v1;
	v5 =	vld [tilespmem:s30+$0x6860]  }
.LBB2_7:
0xf3: {  	s8 =	sshra.s32 s15, $0x2;
	p1 =	sne.s32 s15, $0x4E00;
	[tilespmem:s30+$0x6800] =	vst v8;
	v6 =	vmul.f32 v6, v1;
	v8 =	vld [tilespmem:s30+$0x6870]  }
0xf4: {  	v9 =	vld [tilespmem:s8+$0x1800];
	[tilespmem:s30+$0x6810] =	vst v7;
	v4 =	vmul.f32 v4, v1  }
0xf5: {  	v7 =	vld [tilespmem:s8+$0x6800];
	[tilespmem:s30+$0x6820] =	vst v6;
	v2 =	vmul.f32 v2, v1  }
0xf6: {  	v10 =	vld [tilespmem:s8+$0x6810];
	[tilespmem:s30+$0x6830] =	vst v4;
	v3 =	vmul.f32 v3, v1  }
.Ltmp2:
0xf7: {  	v6 =	vld [tilespmem:s8+$0x6820];
	[tilespmem:s30+$0x6840] =	vst v2;
	v5 =	vmul.f32 v5, v1;
	(pc) =	sbr.rel @p1 .LBB2_7-.Ltmp2, $4  }
0xf8: {  	v4 =	vld [tilespmem:s8+$0x6830];
	[tilespmem:s30+$0x6850] =	vst v3;
	v11 =	vmul.f32 v8, v1  }
0xf9: {  	v2 =	vld [tilespmem:s8+$0x6840];
	[tilespmem:s30+$0x6860] =	vst v5;
	v1 =	vmov v9  }
0xfa: {  	v8 =	vmul.f32 v7, v1;
	v3 =	vld [tilespmem:s8+$0x6850];
	[tilespmem:s30+$0x6870] =	vst v11;
	s30 =	smov.u32 s8  }
0xfb: {  	s15 =	sadd.s32 $0x200, s15;
	v7 =	vmul.f32 v10, v1;
	v5 =	vld [tilespmem:s30+$0x6860]  }
0xfc: {  	[tilespmem:s30+$0x6800] =	vst v8;
	v6 =	vmul.f32 v6, v1;
	v8 =	vld [tilespmem:s30+$0x6870]  }
0xfd: {  	[tilespmem:s30+$0x6810] =	vst v7;
	v4 =	vmul.f32 v4, v1  }
0xfe: {  	[tilespmem:s30+$0x6820] =	vst v6;
	v2 =	vmul.f32 v2, v1  }
0xff: {  	[tilespmem:s30+$0x6830] =	vst v4;
	v3 =	vmul.f32 v3, v1  }
0x100: {  	[tilespmem:s30+$0x6840] =	vst v2;
	v2 =	vmul.f32 v5, v1  }
0x101: {  	[tilespmem:s30+$0x6850] =	vst v3;
	v1 =	vmul.f32 v8, v1  }
0x102: {  	[tilespmem:s30+$0x6860] =	vst v2  }
0x103: {  	s8 =	simm.s32 $0x180;
	[tilespmem:s30+$0x6870] =	vst v1;
	s30 =	sadd.s32 $0x4, s4  }
0x104: {  	[spmem:s19] =	stream.indirect.scatter.add.f32 [tilespmem:s24], [sflag:$0xE], $0x80, s8, s17, $0xb8;
	[tilespmem:$0x1DC80] =	vst v63  }
0x105: {  	s15 =	sshll.u32 s30, $0x8  }
0x106: {  	_ =	swait.ge [sflag:s6], $0x1400;
	s8 =	sadd.s32 s5, s15  }
0x107: {  	[sflag:s6] =	ssyncset.done $0x0;
	s8 =	sshrl.u32 s8, $0x3  }
0x108: {  	s15 =	simm.s32 $0x0;
	[sflag:s6] =	ssyncadd.s32 $0xFFFFEC00;
	s8 =	sadd.s32 s22, s8  }
0x109: {  	[tilespmem:s15], [sflag:$0x1] =	stream.linear.gather [hbm4b:s8+s15], $0x100, $0x38;
	[tilespmem:$0x1DC80] =	vst v63  }
0x10a: {  	_ =	swait.ge [sflag:s7], $0x100  }
0x10b: {  	s12 =	sadd.s32 s11, s18;
	s18 =	simm.s32 $0x300;
	[sflag:s7] =	ssyncset.done $0x0  }
0x10c: {  	s8 =	smul.u32 $0x280, s12;
	s12 =	simm.s32 $0x9000;
	[sflag:s7] =	ssyncadd.s32 $0xFFFFFF00  }
0x10d: {  	[tilespmem:s12], [sflag:$0x8] =	stream.indirect.gather [hbm4b:s16+s17], $0x80, s18, s17, $0xb8;
	[tilespmem:$0x1DC80] =	vst v63  }
0x10e: {  	s8 =	sadd.s32 s21, s8;
	s18 =	simm.s32 $0x4000  }
0x10f: {  	[tilespmem:s18], [sflag:$0xC] =	stream.linear.gather [hbm4b:s8+s15], $0x1400, $0x38;
	[tilespmem:$0x1DC80] =	vst v63  }
0x110: {  	_ =	swait.ge [sflag:s0], $0x1400  }
0x111: {  	[sflag:s0] =	ssyncset.done $0x0  }
0x112: {  	[sflag:s0] =	ssyncadd.s32 $0xFFFFEC00  }
0x113: {  	_ =	swait.ge [sflag:s1], $0x1400  }
0x114: {  	[sflag:s1] =	ssyncset.done $0x0  }
0x115: {  	s18 =	simm.s32 $0x0;
	[sflag:s1] =	ssyncadd.s32 $0xFFFFEC00  }
0x116: {  	v1 =	vld [tilespmem:s18+$0x2C00]  }
0x117: {  	v5 =	vld [tilespmem:s18+$0x7C00]  }
0x118: {  	v7 =	vld [tilespmem:s18+$0x7C10]  }
0x119: {  	v6 =	vld [tilespmem:s18+$0x7C20]  }
0x11a: {  	v4 =	vld [tilespmem:s18+$0x7C30]  }
0x11b: {  	v2 =	vld [tilespmem:s18+$0x7C40]  }
0x11c: {  	v3 =	vld [tilespmem:s18+$0x7C50];
	v8 =	vmul.f32 v5, v1  }
0x11d: {  	s12 =	simm.s32 $0x100;
	s15 =	simm.s32 $0x200;
	v7 =	vmul.f32 v7, v1;
	v5 =	vld [tilespmem:s18+$0x7C60]  }
.LBB2_9:
0x11e: {  	s8 =	sshra.s32 s15, $0x2;
	p1 =	sne.s32 s15, $0x4E00;
	[tilespmem:s18+$0x7C00] =	vst v8;
	v6 =	vmul.f32 v6, v1;
	v8 =	vld [tilespmem:s18+$0x7C70]  }
0x11f: {  	v9 =	vld [tilespmem:s8+$0x2C00];
	[tilespmem:s18+$0x7C10] =	vst v7;
	v4 =	vmul.f32 v4, v1  }
0x120: {  	v7 =	vld [tilespmem:s8+$0x7C00];
	[tilespmem:s18+$0x7C20] =	vst v6;
	v2 =	vmul.f32 v2, v1  }
0x121: {  	v10 =	vld [tilespmem:s8+$0x7C10];
	[tilespmem:s18+$0x7C30] =	vst v4;
	v3 =	vmul.f32 v3, v1  }
.Ltmp3:
0x122: {  	v6 =	vld [tilespmem:s8+$0x7C20];
	[tilespmem:s18+$0x7C40] =	vst v2;
	v5 =	vmul.f32 v5, v1;
	(pc) =	sbr.rel @p1 .LBB2_9-.Ltmp3, $4  }
0x123: {  	v4 =	vld [tilespmem:s8+$0x7C30];
	[tilespmem:s18+$0x7C50] =	vst v3;
	v11 =	vmul.f32 v8, v1  }
0x124: {  	v2 =	vld [tilespmem:s8+$0x7C40];
	[tilespmem:s18+$0x7C60] =	vst v5;
	v1 =	vmov v9  }
0x125: {  	v8 =	vmul.f32 v7, v1;
	v3 =	vld [tilespmem:s8+$0x7C50];
	[tilespmem:s18+$0x7C70] =	vst v11;
	s18 =	smov.u32 s8  }
0x126: {  	s15 =	sadd.s32 $0x200, s15;
	v7 =	vmul.f32 v10, v1;
	v5 =	vld [tilespmem:s18+$0x7C60]  }
0x127: {  	[tilespmem:s18+$0x7C00] =	vst v8;
	v6 =	vmul.f32 v6, v1;
	v8 =	vld [tilespmem:s18+$0x7C70]  }
0x128: {  	[tilespmem:s18+$0x7C10] =	vst v7;
	v4 =	vmul.f32 v4, v1  }
0x129: {  	[tilespmem:s18+$0x7C20] =	vst v6;
	v2 =	vmul.f32 v2, v1  }
0x12a: {  	[tilespmem:s18+$0x7C30] =	vst v4;
	v3 =	vmul.f32 v3, v1  }
0x12b: {  	[tilespmem:s18+$0x7C40] =	vst v2;
	v2 =	vmul.f32 v5, v1  }
0x12c: {  	[tilespmem:s18+$0x7C50] =	vst v3;
	v1 =	vmul.f32 v8, v1  }
0x12d: {  	[tilespmem:s18+$0x7C60] =	vst v2  }
0x12e: {  	s8 =	simm.s32 $0x7C00;
	s15 =	simm.s32 $0x280;
	s4 =	sadd.s32 $0x5, s4;
	[tilespmem:s18+$0x7C70] =	vst v1  }
0x12f: {  	[spmem:s19] =	stream.indirect.scatter.add.f32 [tilespmem:s8], [sflag:$0xF], $0x80, s15, s17, $0xb8;
	[tilespmem:$0x1DC80] =	vst v63  }
0x130: {  	s15 =	sshll.u32 s4, $0x8  }
0x131: {  	_ =	swait.ge [sflag:s13], $0x1400;
	s8 =	sadd.s32 s5, s15  }
0x132: {  	[sflag:s13] =	ssyncset.done $0x0;
	s8 =	sshrl.u32 s8, $0x3  }
0x133: {  	s15 =	simm.s32 $0x0;
	[sflag:s13] =	ssyncadd.s32 $0xFFFFEC00;
	s8 =	sadd.s32 s22, s8  }
0x134: {  	[tilespmem:s12], [sflag:$0x2] =	stream.linear.gather [hbm4b:s8+s15], $0x100, $0x38;
	[tilespmem:$0x1DC80] =	vst v63  }
0x135: {  	_ =	swait.ge [sflag:s14], $0x100  }
0x136: {  	s18 =	sadd.s32 s11, s30;
	[sflag:s14] =	ssyncset.done $0x0  }
0x137: {  	s8 =	smul.u32 $0x280, s18;
	[sflag:s14] =	ssyncadd.s32 $0xFFFFFF00  }
0x138: {  	[tilespmem:s20], [sflag:$0x5] =	stream.indirect.gather [hbm4b:s16+s17], $0x80, s15, s17, $0xb8;
	[tilespmem:$0x1DC80] =	vst v63  }
0x139: {  	s30 =	simm.s32 $0x400;
	s8 =	sadd.s32 s21, s8  }
0x13a: {  	[tilespmem:s30], [sflag:$0x9] =	stream.linear.gather [hbm4b:s8+s15], $0x1400, $0x38;
	[tilespmem:$0x1DC80] =	vst v63  }
0x13b: {  	_ =	swait.ge [sflag:s9], $0x1400  }
0x13c: {  	[sflag:s9] =	ssyncset.done $0x0  }
0x13d: {  	[sflag:s9] =	ssyncadd.s32 $0xFFFFEC00  }
0x13e: {  	_ =	swait.ge [sflag:s25], $0x1400  }
0x13f: {  	[sflag:s25] =	ssyncset.done $0x0  }
0x140: {  	s18 =	simm.s32 $0x0;
	[sflag:s25] =	ssyncadd.s32 $0xFFFFEC00  }
0x141: {  	v1 =	vld [tilespmem:s18+$0x4000]  }
0x142: {  	v5 =	vld [tilespmem:s18+$0x9000]  }
0x143: {  	v7 =	vld [tilespmem:s18+$0x9010]  }
0x144: {  	v6 =	vld [tilespmem:s18+$0x9020]  }
0x145: {  	v4 =	vld [tilespmem:s18+$0x9030]  }
0x146: {  	v2 =	vld [tilespmem:s18+$0x9040]  }
0x147: {  	v3 =	vld [tilespmem:s18+$0x9050];
	v8 =	vmul.f32 v5, v1  }
0x148: {  	s15 =	simm.s32 $0x200;
	v7 =	vmul.f32 v7, v1;
	v5 =	vld [tilespmem:s18+$0x9060]  }
.LBB2_11:
0x149: {  	s8 =	sshra.s32 s15, $0x2;
	p1 =	sne.s32 s15, $0x4E00;
	[tilespmem:s18+$0x9000] =	vst v8;
	v6 =	vmul.f32 v6, v1;
	v8 =	vld [tilespmem:s18+$0x9070]  }
0x14a: {  	v9 =	vld [tilespmem:s8+$0x4000];
	[tilespmem:s18+$0x9010] =	vst v7;
	v4 =	vmul.f32 v4, v1  }
0x14b: {  	v7 =	vld [tilespmem:s8+$0x9000];
	[tilespmem:s18+$0x9020] =	vst v6;
	v2 =	vmul.f32 v2, v1  }
0x14c: {  	v10 =	vld [tilespmem:s8+$0x9010];
	[tilespmem:s18+$0x9030] =	vst v4;
	v3 =	vmul.f32 v3, v1  }
.Ltmp4:
0x14d: {  	v6 =	vld [tilespmem:s8+$0x9020];
	[tilespmem:s18+$0x9040] =	vst v2;
	v5 =	vmul.f32 v5, v1;
	(pc) =	sbr.rel @p1 .LBB2_11-.Ltmp4, $4  }
0x14e: {  	v4 =	vld [tilespmem:s8+$0x9030];
	[tilespmem:s18+$0x9050] =	vst v3;
	v11 =	vmul.f32 v8, v1  }
0x14f: {  	v2 =	vld [tilespmem:s8+$0x9040];
	[tilespmem:s18+$0x9060] =	vst v5;
	v1 =	vmov v9  }
0x150: {  	v8 =	vmul.f32 v7, v1;
	v3 =	vld [tilespmem:s8+$0x9050];
	[tilespmem:s18+$0x9070] =	vst v11;
	s18 =	smov.u32 s8  }
0x151: {  	s15 =	sadd.s32 $0x200, s15;
	v7 =	vmul.f32 v10, v1;
	v5 =	vld [tilespmem:s18+$0x9060]  }
0x152: {  	[tilespmem:s18+$0x9000] =	vst v8;
	v6 =	vmul.f32 v6, v1;
	v63 =	vld [tilespmem:s18+$0x9070]  }
0x153: {  	[tilespmem:s18+$0x9010] =	vst v7;
	v4 =	vmul.f32 v4, v1  }
0x154: {  	[tilespmem:s18+$0x9020] =	vst v6;
	v2 =	vmul.f32 v2, v1  }
0x155: {  	[tilespmem:s18+$0x9030] =	vst v4;
	v3 =	vmul.f32 v3, v1  }
0x156: {  	[tilespmem:s18+$0x9040] =	vst v2;
	v2 =	vmul.f32 v5, v1  }
0x157: {  	[tilespmem:s18+$0x9050] =	vst v3;
	v1 =	vmul.f32 v63, v1  }
0x158: {  	[tilespmem:s18+$0x9060] =	vst v2  }
0x159: {  	s8 =	simm.s32 $0x9000;
	s15 =	simm.s32 $0x380;
	p1 =	seq.s32 s29, $0x3D;
	[tilespmem:s18+$0x9070] =	vst v1  }
0x15a: {  	[spmem:s19] =	stream.indirect.scatter.add.f32 [tilespmem:s8], [sflag:$0x10], $0x80, s15, s17, $0xb8;
	[tilespmem:$0x1DC80] =	vst v63  }
0x15b: {  	s8 =	simm.s32 @!p1 $0xF  }
0x15c: {  	_ =	swait.ge @!p1 [sflag:s8], $0x1400  }
0x15d: {  	s18 =	sld [smem:$0x7FD];
	_ =	sdelay $0x1  }
0x15e: {  	s15 =	sshll.u32 @!p1 s29, $0xA  }
0x15f: {  	[sflag:s8] =	ssyncset.done @!p1 $0x0;
	s15 =	sadd.s32 @!p1 s15, s18  }
0x160: {  	s29 =	sadd.s32 $0x1, s29;
	[sflag:s8] =	ssyncadd.s32 @!p1 $0xFFFFEC00;
	s8 =	sshrl.u32 @!p1 s15, $0x3  }
0x161: {  	s18 =	simm.s32 @!p1 $0x200;
	s15 =	simm.s32 @!p1 $0x0;
	s8 =	sadd.s32 @!p1 s22, s8  }
0x162: {  	[tilespmem:s18], [sflag:$0x3] =	stream.linear.gather @!p1 [hbm4b:s8+s15], $0x100, $0x38;
	[tilespmem:$0x1DC80] =	vst v63  }
0x163: {  	p1 =	sne.s32 s29, $0x3E;
	_ =	swait.ge [sflag:s23], $0x100  }
.Ltmp5:
0x164: {  	s4 =	sadd.s32 s11, s4;
	[sflag:s23] =	ssyncset.done $0x0;
	(pc) =	sbr.rel @p1 .LBB2_4-.Ltmp5, $4  }
0x165: {  	s4 =	smul.u32 $0x280, s4;
	[sflag:s23] =	ssyncadd.s32 $0xFFFFFF00  }
0x166: {  	[tilespmem:s24], [sflag:$0x6] =	stream.indirect.gather [hbm4b:s16+s17], $0x80, s12, s17, $0xb8;
	[tilespmem:$0x1DC80] =	vst v63  }
0x167: {  	s30 =	simm.s32 $0x1800;
	s4 =	sadd.s32 s21, s4;
	s18 =	simm.s32 $0x0  }
0x168: {  	[tilespmem:s30], [sflag:$0xA] =	stream.linear.gather [hbm4b:s4+s18], $0x1400, $0x38;
	[tilespmem:$0x1DC80] =	vst v63  }
0x169: {  	_ =	swait.ge [sflag:s26], $0x1400  }
0x16a: {  	[sflag:s26] =	ssyncset.done $0x0  }
0x16b: {  	[sflag:s26] =	ssyncadd.s32 $0xFFFFEC00  }
0x16c: {  	_ =	swait.ge [sflag:s28], $0x1400  }
0x16d: {  	[sflag:s28] =	ssyncset.done $0x0  }
0x16e: {  	s4 =	simm.s32 $0x0;
	[sflag:s28] =	ssyncadd.s32 $0xFFFFEC00  }
0x16f: {  	v1 =	vld [tilespmem:s4+$0x400]  }
0x170: {  	v5 =	vld [tilespmem:s4+$0x5400]  }
0x171: {  	v7 =	vld [tilespmem:s4+$0x5410]  }
0x172: {  	v6 =	vld [tilespmem:s4+$0x5420]  }
0x173: {  	v4 =	vld [tilespmem:s4+$0x5430]  }
0x174: {  	v2 =	vld [tilespmem:s4+$0x5440]  }
0x175: {  	v3 =	vld [tilespmem:s4+$0x5450];
	v8 =	vmul.f32 v5, v1  }
0x176: {  	s15 =	simm.s32 $0x200;
	v7 =	vmul.f32 v7, v1;
	v5 =	vld [tilespmem:s4+$0x5460]  }
.LBB2_14:
0x177: {  	s8 =	sshra.s32 s15, $0x2;
	p1 =	sne.s32 s15, $0x4E00;
	[tilespmem:s4+$0x5400] =	vst v8;
	v6 =	vmul.f32 v6, v1;
	v8 =	vld [tilespmem:s4+$0x5470]  }
0x178: {  	v9 =	vld [tilespmem:s8+$0x400];
	[tilespmem:s4+$0x5410] =	vst v7;
	v4 =	vmul.f32 v4, v1  }
0x179: {  	v7 =	vld [tilespmem:s8+$0x5400];
	[tilespmem:s4+$0x5420] =	vst v6;
	v2 =	vmul.f32 v2, v1  }
0x17a: {  	v10 =	vld [tilespmem:s8+$0x5410];
	[tilespmem:s4+$0x5430] =	vst v4;
	v3 =	vmul.f32 v3, v1  }
.Ltmp6:
0x17b: {  	v6 =	vld [tilespmem:s8+$0x5420];
	[tilespmem:s4+$0x5440] =	vst v2;
	v5 =	vmul.f32 v5, v1;
	(pc) =	sbr.rel @p1 .LBB2_14-.Ltmp6, $4  }
0x17c: {  	v4 =	vld [tilespmem:s8+$0x5430];
	[tilespmem:s4+$0x5450] =	vst v3;
	v11 =	vmul.f32 v8, v1  }
0x17d: {  	v2 =	vld [tilespmem:s8+$0x5440];
	[tilespmem:s4+$0x5460] =	vst v5;
	v1 =	vmov v9  }
0x17e: {  	v8 =	vmul.f32 v7, v1;
	v3 =	vld [tilespmem:s8+$0x5450];
	[tilespmem:s4+$0x5470] =	vst v11;
	s4 =	smov.u32 s8  }
0x17f: {  	s15 =	sadd.s32 $0x200, s15;
	v7 =	vmul.f32 v10, v1;
	v5 =	vld [tilespmem:s4+$0x5460]  }
0x180: {  	[tilespmem:s4+$0x5400] =	vst v8;
	v6 =	vmul.f32 v6, v1;
	v8 =	vld [tilespmem:s4+$0x5470]  }
0x181: {  	[tilespmem:s4+$0x5410] =	vst v7;
	v4 =	vmul.f32 v4, v1  }
0x182: {  	[tilespmem:s4+$0x5420] =	vst v6;
	v2 =	vmul.f32 v2, v1  }
0x183: {  	[tilespmem:s4+$0x5430] =	vst v4;
	v3 =	vmul.f32 v3, v1  }
0x184: {  	[tilespmem:s4+$0x5440] =	vst v2;
	v2 =	vmul.f32 v5, v1  }
0x185: {  	[tilespmem:s4+$0x5450] =	vst v3;
	v1 =	vmul.f32 v8, v1  }
0x186: {  	[tilespmem:s4+$0x5460] =	vst v2  }
0x187: {  	s30 =	simm.s32 $0x80;
	[tilespmem:s4+$0x5470] =	vst v1  }
0x188: {  	[spmem:s19] =	stream.indirect.scatter.add.f32 [tilespmem:s20], [sflag:$0xD], $0x80, s30, s17, $0xb8;
	[tilespmem:$0x1DC80] =	vst v63  }
0x189: {  	_ =	swait.ge [sflag:s2], $0x1400  }
0x18a: {  	[sflag:s2] =	ssyncset.done $0x0  }
0x18b: {  	[sflag:s2] =	ssyncadd.s32 $0xFFFFEC00  }
0x18c: {  	_ =	swait.ge [sflag:s3], $0x1400  }
0x18d: {  	[sflag:s3] =	ssyncset.done $0x0  }
0x18e: {  	s4 =	simm.s32 $0x0;
	[sflag:s3] =	ssyncadd.s32 $0xFFFFEC00  }
0x18f: {  	v1 =	vld [tilespmem:s4+$0x1800]  }
0x190: {  	v5 =	vld [tilespmem:s4+$0x6800]  }
0x191: {  	v7 =	vld [tilespmem:s4+$0x6810]  }
0x192: {  	v6 =	vld [tilespmem:s4+$0x6820]  }
0x193: {  	v4 =	vld [tilespmem:s4+$0x6830]  }
0x194: {  	v2 =	vld [tilespmem:s4+$0x6840]  }
0x195: {  	s18 =	rddreg [dreg:$0x14];
	v3 =	vld [tilespmem:s4+$0x6850];
	v8 =	vmul.f32 v5, v1  }
0x196: {  	s15 =	simm.s32 $0x200;
	s29 =	rddreg [dreg:$0x15];
	v7 =	vmul.f32 v7, v1;
	v5 =	vld [tilespmem:s4+$0x6860]  }
.LBB2_16:
0x197: {  	s8 =	sshra.s32 s15, $0x2;
	p1 =	sne.s32 s15, $0x4E00;
	[tilespmem:s4+$0x6800] =	vst v8;
	v6 =	vmul.f32 v6, v1;
	v8 =	vld [tilespmem:s4+$0x6870]  }
0x198: {  	v9 =	vld [tilespmem:s8+$0x1800];
	[tilespmem:s4+$0x6810] =	vst v7;
	v4 =	vmul.f32 v4, v1  }
0x199: {  	v7 =	vld [tilespmem:s8+$0x6800];
	[tilespmem:s4+$0x6820] =	vst v6;
	v2 =	vmul.f32 v2, v1  }
0x19a: {  	v10 =	vld [tilespmem:s8+$0x6810];
	[tilespmem:s4+$0x6830] =	vst v4;
	v3 =	vmul.f32 v3, v1  }
.Ltmp7:
0x19b: {  	v6 =	vld [tilespmem:s8+$0x6820];
	[tilespmem:s4+$0x6840] =	vst v2;
	v5 =	vmul.f32 v5, v1;
	(pc) =	sbr.rel @p1 .LBB2_16-.Ltmp7, $4  }
0x19c: {  	v4 =	vld [tilespmem:s8+$0x6830];
	[tilespmem:s4+$0x6850] =	vst v3;
	v11 =	vmul.f32 v8, v1  }
0x19d: {  	v2 =	vld [tilespmem:s8+$0x6840];
	[tilespmem:s4+$0x6860] =	vst v5;
	v1 =	vmov v9  }
0x19e: {  	v8 =	vmul.f32 v7, v1;
	v3 =	vld [tilespmem:s8+$0x6850];
	[tilespmem:s4+$0x6870] =	vst v11;
	s4 =	smov.u32 s8  }
0x19f: {  	s15 =	sadd.s32 $0x200, s15;
	v7 =	vmul.f32 v10, v1;
	v5 =	vld [tilespmem:s4+$0x6860]  }
0x1a0: {  	[tilespmem:s4+$0x6800] =	vst v8;
	v6 =	vmul.f32 v6, v1;
	v63 =	vld [tilespmem:s4+$0x6870]  }
0x1a1: {  	[tilespmem:s4+$0x6810] =	vst v7;
	v4 =	vmul.f32 v4, v1  }
0x1a2: {  	[tilespmem:s4+$0x6820] =	vst v6;
	v2 =	vmul.f32 v2, v1  }
0x1a3: {  	[tilespmem:s4+$0x6830] =	vst v4;
	v3 =	vmul.f32 v3, v1  }
0x1a4: {  	[tilespmem:s4+$0x6840] =	vst v2;
	v2 =	vmul.f32 v5, v1  }
0x1a5: {  	[tilespmem:s4+$0x6850] =	vst v3;
	v1 =	vmul.f32 v63, v1  }
0x1a6: {  	[tilespmem:s4+$0x6860] =	vst v2  }
0x1a7: {  	s8 =	simm.s32 $0x180;
	[tilespmem:s4+$0x6870] =	vst v1  }
0x1a8: {  	[spmem:s19] =	stream.indirect.scatter.add.f32 [tilespmem:s24], [sflag:$0xE], $0x80, s8, s17, $0xb8;
	[tilespmem:$0x1DC80] =	vst v63  }
0x1a9: {  	_ =	swait.ge [sflag:s6], $0x1400  }
0x1aa: {  	[sflag:s6] =	ssyncset.done $0x0  }
0x1ab: {  	[sflag:s6] =	ssyncadd.s32 $0xFFFFEC00  }
0x1ac: {  	_ =	swait.ge [sflag:s13], $0x1400  }
0x1ad: {  	[sflag:s13] =	ssyncset.done $0x0  }
0x1ae: {  	s15 =	simm.s32 $0xF;
	[sflag:s13] =	ssyncadd.s32 $0xFFFFEC00  }
0x1af: {  	_ =	swait.ge [sflag:s15], $0x1400  }
0x1b0: {  	[sflag:s15] =	ssyncset.done $0x0  }
0x1b1: {  	s30 =	simm.s32 $0x10;
	[sflag:s15] =	ssyncadd.s32 $0xFFFFEC00  }
0x1b2: {  	_ =	swait.ge [sflag:s30], $0x1400  }
0x1b3: {  	[sflag:s30] =	ssyncset.done $0x0  }
0x1b4: {  	s8 =	stileid.u32;
	[sflag:s30] =	ssyncadd.s32 $0xFFFFEC00  }
0x1b5: {  	s4 =	sshll.u32 s8, $0x6;
	[bflag:$0x0] =	sbarrier.arrive $0xFFFF  }
0x1b6: {  	s8 =	sshrl.u32 s18, $0x3;
	s4 =	sor.u32 $0x1C11, s4;
	s15 =	rddreg [dreg:$0x4]  }
0x1b7: {  	[hbm:s15], [sflag:s4] =	dma.local [spmem:s8], $0x280  }
0x1b8: {  	_ =	swait.ge [sflag:s10], $0x280  }
0x1b9: {  	[sflag:s10] =	ssyncset.done $0x0  }
0x1ba: {  	s15 =	sshrl.u32 s29, $0x3;
	s30 =	rddreg [dreg:$0x5];
	[sflag:s10] =	ssyncadd.s32 $0xFFFFFD80  }
0x1bb: {  	[hbm:s30], [sflag:s4] =	dma.local [spmem:s15], $0x280  }
0x1bc: {  	_ =	swait.ge [sflag:s10], $0x280  }
0x1bd: {  	[sflag:s10] =	ssyncset.done $0x0;
	s15 =	rddreg [dreg:$0x16]  }
0x1be: {  	s30 =	rddreg [dreg:$0x6];
	[sflag:s10] =	ssyncadd.s32 $0xFFFFFD80;
	s8 =	sshrl.u32 s15, $0x3  }
0x1bf: {  	[hbm:s30], [sflag:s4] =	dma.local [spmem:s8], $0x280  }
0x1c0: {  	_ =	swait.ge [sflag:s10], $0x280  }
0x1c1: {  	[sflag:s10] =	ssyncset.done $0x0;
	s15 =	rddreg [dreg:$0x17]  }
0x1c2: {  	s30 =	rddreg [dreg:$0x7];
	[sflag:s10] =	ssyncadd.s32 $0xFFFFFD80;
	s8 =	sshrl.u32 s15, $0x3  }
0x1c3: {  	[hbm:s30], [sflag:s4] =	dma.local [spmem:s8], $0x280  }
0x1c4: {  	_ =	swait.ge [sflag:s10], $0x280  }
0x1c5: {  	[sflag:s10] =	ssyncset.done $0x0;
	s15 =	rddreg [dreg:$0x18]  }
0x1c6: {  	s30 =	rddreg [dreg:$0x8];
	[sflag:s10] =	ssyncadd.s32 $0xFFFFFD80;
	s8 =	sshrl.u32 s15, $0x3  }
0x1c7: {  	[hbm:s30], [sflag:s4] =	dma.local [spmem:s8], $0x280  }
0x1c8: {  	_ =	swait.ge [sflag:s10], $0x280  }
0x1c9: {  	[sflag:s10] =	ssyncset.done $0x0;
	s15 =	rddreg [dreg:$0x19]  }
0x1ca: {  	s30 =	rddreg [dreg:$0x9];
	[sflag:s10] =	ssyncadd.s32 $0xFFFFFD80;
	s8 =	sshrl.u32 s15, $0x3  }
0x1cb: {  	[hbm:s30], [sflag:s4] =	dma.local [spmem:s8], $0x280  }
0x1cc: {  	_ =	swait.ge [sflag:s10], $0x280  }
0x1cd: {  	[sflag:s10] =	ssyncset.done $0x0;
	s15 =	rddreg [dreg:$0x1a]  }
0x1ce: {  	s30 =	rddreg [dreg:$0xa];
	[sflag:s10] =	ssyncadd.s32 $0xFFFFFD80;
	s8 =	sshrl.u32 s15, $0x3  }
0x1cf: {  	[hbm:s30], [sflag:s4] =	dma.local [spmem:s8], $0x280  }
0x1d0: {  	_ =	swait.ge [sflag:s10], $0x280  }
0x1d1: {  	[sflag:s10] =	ssyncset.done $0x0;
	s15 =	rddreg [dreg:$0x1b]  }
0x1d2: {  	s30 =	rddreg [dreg:$0xb];
	[sflag:s10] =	ssyncadd.s32 $0xFFFFFD80;
	s8 =	sshrl.u32 s15, $0x3  }
0x1d3: {  	[hbm:s30], [sflag:s4] =	dma.local [spmem:s8], $0x280  }
0x1d4: {  	_ =	swait.ge [sflag:s10], $0x280  }
0x1d5: {  	[sflag:s10] =	ssyncset.done $0x0;
	s15 =	rddreg [dreg:$0x1c]  }
0x1d6: {  	s30 =	rddreg [dreg:$0xc];
	[sflag:s10] =	ssyncadd.s32 $0xFFFFFD80;
	s8 =	sshrl.u32 s15, $0x3  }
0x1d7: {  	[hbm:s30], [sflag:s4] =	dma.local [spmem:s8], $0x280  }
0x1d8: {  	_ =	swait.ge [sflag:s10], $0x280  }
0x1d9: {  	[sflag:s10] =	ssyncset.done $0x0;
	s15 =	rddreg [dreg:$0x1d]  }
0x1da: {  	s30 =	rddreg [dreg:$0xd];
	[sflag:s10] =	ssyncadd.s32 $0xFFFFFD80;
	s8 =	sshrl.u32 s15, $0x3  }
0x1db: {  	[hbm:s30], [sflag:s4] =	dma.local [spmem:s8], $0x280  }
0x1dc: {  	_ =	swait.ge [sflag:s10], $0x280  }
0x1dd: {  	[sflag:s10] =	ssyncset.done $0x0;
	s15 =	rddreg [dreg:$0x1e]  }
0x1de: {  	s30 =	rddreg [dreg:$0xe];
	[sflag:s10] =	ssyncadd.s32 $0xFFFFFD80;
	s8 =	sshrl.u32 s15, $0x3  }
0x1df: {  	[hbm:s30], [sflag:s4] =	dma.local [spmem:s8], $0x280  }
0x1e0: {  	_ =	swait.ge [sflag:s10], $0x280  }
0x1e1: {  	[sflag:s10] =	ssyncset.done $0x0;
	s15 =	rddreg [dreg:$0x1f]  }
0x1e2: {  	s30 =	rddreg [dreg:$0xf];
	[sflag:s10] =	ssyncadd.s32 $0xFFFFFD80;
	s8 =	sshrl.u32 s15, $0x3  }
0x1e3: {  	[hbm:s30], [sflag:s4] =	dma.local [spmem:s8], $0x280  }
0x1e4: {  	_ =	swait.ge [sflag:s10], $0x280  }
0x1e5: {  	s15 =	sld [smem:$0x7F2];
	_ =	sdelay $0x1  }
0x1e6: {  	[sflag:s10] =	ssyncset.done $0x0  }
0x1e7: {  	s30 =	rddreg [dreg:$0x10];
	[sflag:s10] =	ssyncadd.s32 $0xFFFFFD80;
	s8 =	sshrl.u32 s15, $0x3  }
0x1e8: {  	[hbm:s30], [sflag:s4] =	dma.local [spmem:s8], $0x280  }
0x1e9: {  	_ =	swait.ge [sflag:s10], $0x280  }
0x1ea: {  	s15 =	sld [smem:$0x7F3];
	_ =	sdelay $0x1  }
0x1eb: {  	[sflag:s10] =	ssyncset.done $0x0  }
0x1ec: {  	s30 =	rddreg [dreg:$0x11];
	[sflag:s10] =	ssyncadd.s32 $0xFFFFFD80;
	s8 =	sshrl.u32 s15, $0x3  }
0x1ed: {  	[hbm:s30], [sflag:s4] =	dma.local [spmem:s8], $0x280  }
0x1ee: {  	_ =	swait.ge [sflag:s10], $0x280  }
0x1ef: {  	s15 =	sld [smem:$0x7F4];
	_ =	sdelay $0x1  }
0x1f0: {  	[sflag:s10] =	ssyncset.done $0x0  }
0x1f1: {  	s30 =	rddreg [dreg:$0x12];
	[sflag:s10] =	ssyncadd.s32 $0xFFFFFD80;
	s8 =	sshrl.u32 s15, $0x3  }
0x1f2: {  	[hbm:s30], [sflag:s4] =	dma.local [spmem:s8], $0x280  }
0x1f3: {  	_ =	swait.ge [sflag:s10], $0x280  }
0x1f4: {  	s8 =	sld [smem:$0x7F5];
	_ =	sdelay $0x1  }
0x1f5: {  	[sflag:s10] =	ssyncset.done $0x0  }
0x1f6: {  	s15 =	rddreg [dreg:$0x13];
	[sflag:s10] =	ssyncadd.s32 $0xFFFFFD80;
	s8 =	sshrl.u32 @!p0 s8, $0x3  }
0x1f7: {  	[hbm:s15], [sflag:s4] =	dma.local @!p0 [spmem:s8], $0x280  }
0x1f8: {  	s4 =	simm.s32 @!p0 $0x11  }
0x1f9: {  	_ =	swait.ge @!p0 [sflag:s4], $0x280  }
0x1fa: {  	s8 =	sld [smem:$0x7EC]  }
0x1fb: {  	s30 =	sld [smem:$0x7F9];
	_ =	sdelay $0x1  }
0x1fc: {  	s15 =	sadd.s32 $0x1, s8  }
0x1fd: {  	p1 =	sne.s32 s15, s30  }
.Ltmp8:
0x1fe: {  	_ = 	snop;
	(pc) =	sbr.rel @p1 .LBB2_1-.Ltmp8, $3  }
0x1ff: {  	_ =	sdelay $0x1  }
0x200: {  	[sflag:s4] =	ssyncset.done @!p0 $0x0  }
0x201: {  	[sflag:s4] =	ssyncadd.s32 @!p0 $0xFFFFFD80  }
0x202: {  	_ =	sfence.sel $0x180000  }
0x203: {  	[bflag:$0x0] =	sbarrier.arrive $0xFFFF  }
0x204: {  	_ =	strace $0x90000047  }
0x205: {  	s0 =	stileid.u32;
	[bflag:$0x2] =	sbarrier.arrive $0xFFFF  }
0x206: {  	p0 =	sne.s32 s0, $0x0;
	s0 =	rddreg [dreg:$0x3]  }
0x207: {  	s0 =	sadd.s32 @!p0 $0x100000, s0  }
0x208: {  	[sflag:s0] =	ssyncadd.tile.s32 @!p0 $0x1;
	_ =	shalt  }
.Lfunc_end2:
_tile_overlayer_lowered:
.L_overlay_start_2:
0x209: {  	(tag) =	ssettag $0x2  }
0x20a: {  	s0 =	rddreg [dreg:$0x0];
	s2 =	stileid.u32  }
0x20b: {  	s1 =	rddreg [dreg:$0x1];
	p0 =	sne.s32 s2, $0x0  }
0x20c: {  	s3 =	rddreg [dreg:$0x2];
	[bflag:$0x3] =	sbarrier.arrive $0xFFFF;
	s2 =	simm.s32 @!p0 $0x1C11  }
0x20d: {  	[timem:s3], [sflag:s2] =	dma.local @!p0 [hbm:s0], s1  }
0x20e: {  	s0 =	simm.s32 @!p0 $0x11  }
0x20f: {  	_ =	swait.ge @!p0 [sflag:s0], s1  }
0x210: {  	s1 =	ssub.s32 @!p0 $0x0, s1;
	[sflag:s0] =	ssyncset.done @!p0 $0x0  }
0x211: {  	[sflag:s0] =	ssyncadd.s32 @!p0 s1  }
0x212: {  	[bflag:$0x3] =	sbarrier.arrive $0xFFFF  }
0x213: {  	_ =	shalt  }

</sc_bundles>
